<compile_context>
chip_gen: v7x
topology: tpu7x:2x2x1
jax: 0.10.2.dev20260603
libtpu: 0.0.44.dev20260713+nightly
codegen_flags: <defaults>
</compile_context>

<pallas_src>
import functools

import jax
import jax.numpy as jnp
from jax import lax
from jax.experimental import pallas as pl
from jax.experimental.pallas import tpu as pltpu
from jax.experimental.pallas import tpu_sc as plsc

L = 16
W = 16
NWORDS = W + 1
RANKR = 256
NCOL = 512
BIG = 1 << 20
MSIZE = NWORDS * RANKR


def _build_elim(num_cores, num_subcores):
    nworkers = num_cores * num_subcores
    assert 64 % nworkers == 0
    bpw = 64 // nworkers

    mesh = plsc.VectorSubcoreMesh(core_axis_name="c", subcore_axis_name="s")

    def body(words_hbm, rankt_hbm, so_hbm, ehat_hbm, *scr):
        Ms = scr[0:bpw]
        rankTs = scr[bpw:2 * bpw]
        so_vs = scr[2 * bpw:3 * bpw]
        idxvs = scr[3 * bpw:4 * bpw]
        ehat_v = scr[4 * bpw]

        wid = lax.axis_index("s") * num_cores + lax.axis_index("c")
        iota = lax.iota(jnp.int32, L)
        zeros = jnp.zeros((L,), jnp.int32)
        bigv = jnp.full((L,), BIG, jnp.int32)
        row_stride = iota * RANKR

        for t in range(bpw):
            b = wid * bpw + t
            pltpu.sync_copy(words_hbm.at[pl.ds(b * MSIZE, MSIZE)], Ms[t])
            pltpu.sync_copy(rankt_hbm.at[pl.ds(b * NCOL, NCOL)], rankTs[t])
            pltpu.sync_copy(so_hbm.at[pl.ds(b * NCOL, NCOL)], so_vs[t])

        def one_step(M, rankT, so_v, idxv, r, idx_vec):
            roww = plsc.load_gather(M, [row_stride + r])
            sw = plsc.load_gather(
                M, [jnp.full((L,), W * RANKR + r, jnp.int32)])[0]

            acc = [bigv, bigv, bigv, bigv]
            for j in range(32):
                hit = lax.shift_left(roww, 31 - j) < 0
                acc[j & 3] = jnp.minimum(
                    acc[j & 3],
                    jnp.where(hit, rankT[pl.ds(j * L, L)], bigv))
            best = jnp.minimum(jnp.minimum(acc[0], acc[1]),
                               jnp.minimum(acc[2], acc[3]))
            bmin = jnp.min(best)
            bmin = jnp.where(sw != 0, jnp.minimum(bmin, NCOL), bmin)

            piv = jnp.where(bmin >= BIG, 0, bmin).astype(jnp.int32)
            idx_vec = jnp.where(iota == (r & (L - 1)), piv, idx_vec)
            idxv[pl.ds((r >> 4) * L, L)] = idx_vec

            is_syn = bmin >= NCOL
            ci = jnp.where(is_syn, 0, bmin)
            col = plsc.load_gather(so_v, [jnp.full((L,), ci, jnp.int32)])[0]
            w_p = jnp.where(is_syn, W, lax.shift_right_logical(col, 5))
            sh31 = jnp.full((L,), jnp.where(is_syn, 31, 31 - (col & 31)))
            pbase = w_p * RANKR
            bws = [jnp.full((L,), roww[w]) for w in range(W)]
            bws.append(jnp.full((L,), sw))

            @plsc.parallel_loop(r >> 4, RANKR // L)
            def chunk(tc):
                base = tc * L
                negc = lax.shift_right_arithmetic(
                    lax.shift_left(M[pl.ds(pbase + base, L)], sh31), 31)
                negc = jnp.where((base + iota) > r, negc, 0)
                for w in range(NWORDS):
                    sl = M[pl.ds(w * RANKR + base, L)]
                    M[pl.ds(w * RANKR + base, L)] = sl ^ (bws[w] & negc)

            return idx_vec

        def step(r, idx_vecs):
            return tuple(
                one_step(Ms[t], rankTs[t], so_vs[t], idxvs[t], r, idx_vecs[t])
                for t in range(bpw))

        lax.fori_loop(0, RANKR, step, (zeros,) * bpw)

        def one_bstep(M, so_v, idxv, r):
            piv = plsc.load_gather(idxv, [jnp.full((L,), r, jnp.int32)])[0]
            synw = plsc.load_gather(
                M, [jnp.full((L,), W * RANKR + r, jnp.int32)])[0]
            is_syn = piv >= NCOL
            ci = jnp.where(is_syn, 0, piv)
            col = plsc.load_gather(so_v, [jnp.full((L,), ci, jnp.int32)])[0]
            w_p = jnp.where(is_syn, W, lax.shift_right_logical(col, 5))
            sh31 = jnp.full((L,), jnp.where(is_syn, 31, 31 - (col & 31)))
            pbase = w_p * RANKR

            @pl.when((synw & 1) != 0)
            def _():
                @plsc.parallel_loop(0, (r >> 4) + 1)
                def bchunk(tc):
                    base = tc * L
                    cmask = lax.shift_right_arithmetic(
                        lax.shift_left(M[pl.ds(pbase + base, L)], sh31), 31)
                    upd = jnp.where((base + iota) < r, cmask, 0) & 1
                    s0 = M[pl.ds(W * RANKR + base, L)]
                    M[pl.ds(W * RANKR + base, L)] = s0 ^ upd

        def bstep(k, carry):
            r = RANKR - 1 - k
            for t in range(bpw):
                one_bstep(Ms[t], so_vs[t], idxvs[t], r)
            return carry

        lax.fori_loop(0, RANKR, bstep, 0)

        for t in range(bpw):
            b = wid * bpw + t
            for tc in range(NCOL // L):
                ehat_v[pl.ds(tc * L, L)] = zeros
            for tc in range(RANKR // L):
                piv = idxvs[t][pl.ds(tc * L, L)]
                valid = piv < NCOL
                cols = plsc.load_gather(so_vs[t], [jnp.where(valid, piv, 0)])
                solw = Ms[t][pl.ds(W * RANKR + tc * L, L)] & 1
                plsc.store_scatter(ehat_v, [cols], solw, mask=valid)
            pltpu.sync_copy(ehat_v, ehat_hbm.at[pl.ds(b * NCOL, NCOL)])

    scratch = (
        [pltpu.VMEM((MSIZE,), jnp.int32) for _ in range(bpw)] +
        [pltpu.VMEM((NCOL,), jnp.int32) for _ in range(bpw)] +
        [pltpu.VMEM((NCOL,), jnp.int32) for _ in range(bpw)] +
        [pltpu.VMEM((RANKR,), jnp.int32) for _ in range(bpw)] +
        [pltpu.VMEM((NCOL,), jnp.int32)]
    )
    return pl.kernel(
        body,
        out_type=jax.ShapeDtypeStruct((64 * NCOL,), jnp.int32),
        mesh=mesh,
        compiler_params=pltpu.CompilerParams(
            use_tc_tiling_on_sc=False, needs_layout_passes=False),
        scratch_types=scratch,
    )


def kernel(llr, pcm, s, bs):
    bs_static = llr.shape[0]
    sort_order = jnp.argsort(llr, axis=-1).astype(jnp.int32)
    inv_sort = jnp.argsort(sort_order, axis=-1).astype(jnp.int32)

    pcm = pcm.astype(jnp.int32)
    shifts = jnp.arange(32, dtype=jnp.int32)
    packed = jnp.sum(
        jnp.left_shift(pcm.reshape(bs_static, RANKR, W, 32), shifts),
        axis=-1, dtype=jnp.int32)
    syn = jnp.transpose(s, (1, 0)).astype(jnp.int32)
    words = jnp.concatenate([packed, syn[:, :, None]], axis=-1)
    words = jnp.transpose(words, (0, 2, 1))

    rankt = jnp.transpose(inv_sort.reshape(bs_static, W, 32), (0, 2, 1))

    info = plsc.get_sparse_core_info()
    elim = _build_elim(info.num_cores, info.num_subcores)
    ehat = elim(words.reshape(-1), rankt.reshape(-1), sort_order.reshape(-1))
    return ehat.reshape(bs_static, NCOL).astype(jnp.bool_)

# --- scband reference (transcript-rebuilt; emitter-appended) ---
"""Pipeline reference for scband-osd0-decoder-43301860278696 (READ-ONLY COPY).

The authoritative reference and input builder live on the scoring server;
editing this copy changes nothing except your own understanding.
"""

import jax, jax.numpy as jnp
import numpy as np

N = 512
RANK = 256
BS = 64


def setup_inputs(seed: int = 0) -> dict:
    key = jax.random.key(seed)
    k1, k2, k3 = jax.random.split(key, 3)
    llr = jax.random.normal(k1, (BS, N), dtype=jnp.float32)
    pcm = jax.random.randint(k2, (BS, RANK, N), 0, 2, dtype=jnp.int32)
    s = jax.random.randint(k3, (RANK, BS), 0, 2, dtype=jnp.int32)
    return {"llr": llr, "pcm": pcm, "s": s, "bs": BS}


def _find_mrb(pcm_syn, bs, rank):
    # pcm_syn: [bs, rank, n+1] int32; batched GF(2) Gaussian elimination.
    idx_pivot0 = jnp.zeros((rank, bs), dtype=jnp.int32)

    def body(row, carry):
        pcm, idxp = carry
        current_row = jax.lax.dynamic_slice_in_dim(pcm, row, 1, axis=1)  # [bs,1,n+1]
        row_vals = current_row[:, 0, :]                                   # [bs,n+1]
        idx_p = jnp.argmax(row_vals, axis=-1).astype(jnp.int32)           # [bs]
        idxp = idxp.at[row].set(idx_p)
        # column of pivot for every row of every batch element
        c = jnp.take_along_axis(pcm, idx_p[:, None, None], axis=-1)[:, :, 0]  # [bs,rank]
        c = c.at[:, row].set(0)
        pcm = (pcm + c[:, :, None] * current_row) % 2  # int_mod_2
        return (pcm, idxp)

    pcm_f, idxp = jax.lax.fori_loop(0, rank, body, (pcm_syn, idx_pivot0))
    idx_pivot = jnp.transpose(idxp)            # [bs, rank]
    sol = pcm_f[:, :, -1].astype(jnp.bool_)    # [bs, rank]
    return idx_pivot, sol


def reference(llr, pcm, s, bs):
    rank = pcm.shape[1]
    bs_static = llr.shape[0]
    sort_order = jnp.argsort(llr, axis=-1)                       # [bs, n]
    pcm = pcm.astype(jnp.int32)
    permuted_pcm = jnp.take_along_axis(pcm, sort_order[:, None, :], axis=-1)  # [bs,rank,n]
    inv_sort = jnp.argsort(sort_order, axis=-1)
    syndrome = jnp.transpose(s, (1, 0))[:, :, None].astype(permuted_pcm.dtype)  # [bs,rank,1]
    pcm_syndrome = jnp.concatenate((permuted_pcm, syndrome), axis=-1)           # [bs,rank,n+1]
    idx_pivot, sol = _find_mrb(pcm_syndrome, bs_static, rank)
    rows = (jnp.arange(bs_static) + bs * 0)[:, None]
    e_hat = jnp.zeros(llr.shape, dtype=jnp.bool_)
    e_hat = e_hat.at[rows, idx_pivot].set(sol, mode="drop")
    e_hat = jnp.take_along_axis(e_hat, inv_sort, axis=-1)
    return e_hat

if __name__ == "__main__":
    import jax
    _d = setup_inputs()
    print(jax.jit(kernel)(*tuple(_d.values())))

</pallas_src>

<mosaic_0001>
#map = affine_map<(d0, d1) -> (0)>
module attributes {stable_mosaic.version = 14 : i64} {
  func.func @body(%arg0: i32, %arg1: i32, %arg2: memref<278528xi32, #tpu.memory_space<hbm>>, %arg3: memref<32768xi32, #tpu.memory_space<hbm>>, %arg4: memref<32768xi32, #tpu.memory_space<hbm>>, %arg5: memref<32768xi32, #tpu.memory_space<hbm>>, %arg6: memref<4352xi32, #tpu.memory_space<vmem>>, %arg7: memref<4352xi32, #tpu.memory_space<vmem>>, %arg8: memref<512xi32, #tpu.memory_space<vmem>>, %arg9: memref<512xi32, #tpu.memory_space<vmem>>, %arg10: memref<512xi32, #tpu.memory_space<vmem>>, %arg11: memref<512xi32, #tpu.memory_space<vmem>>, %arg12: memref<256xi32, #tpu.memory_space<vmem>>, %arg13: memref<256xi32, #tpu.memory_space<vmem>>, %arg14: memref<512xi32, #tpu.memory_space<vmem>>) attributes {dimension_semantics = [#tpu.dimension_semantics<core_parallel>, #tpu.dimension_semantics<subcore_parallel>], iteration_bounds = array<i64: 2, 16>, scalar_prefetch = 0 : i64, scratch_operands = 9 : i64, tpu.core_type = #tpu.core_type<sc_vector_subcore>, window_params = [{transform_indices = #map}, {transform_indices = #map}, {transform_indices = #map}, {transform_indices = #map}]} {
    %mul3A = arith.constant 2 : i32
    %mul3A_0 = arith.muli %arg1, %mul3A : i32
    %add3A = arith.addi %mul3A_0, %arg0 : i32
    %iota3A = tpu.iota {dimensions = array<i32: 0>} : vector<16xi32>
    %broadcast_in_dim3A = arith.constant 0 : i32
    %broadcast_in_dim3A_1 = vector.broadcast %broadcast_in_dim3A : i32 to vector<16xi32>
    %broadcast_in_dim3A_2 = arith.constant 1048576 : i32
    %broadcast_in_dim3A_3 = vector.broadcast %broadcast_in_dim3A_2 : i32 to vector<16xi32>
    %mul3A_4 = arith.constant 256 : i32
    %mul3A_5 = vector.broadcast %mul3A_4 : i32 to vector<16xi32>
    %mul3A_6 = arith.muli %iota3A, %mul3A_5 : vector<16xi32>
    %mul3A_7 = arith.constant 2 : i32
    %mul3A_8 = arith.muli %add3A, %mul3A_7 : i32
    %add3A_9 = arith.constant 0 : i32
    %add3A_10 = arith.addi %mul3A_8, %add3A_9 : i32
    %mul3A_11 = arith.constant 4352 : i32
    %mul3A_12 = arith.muli %add3A_10, %mul3A_11 : i32
    "tpu.region"() ({
      %run_scoped3A = tpu.sem_alloc : memref<!tpu.dma_semaphore, #tpu.memory_space<semaphore_mem>>
      %dma_start3A = tpu.memref_slice %arg2[%mul3A_12] : memref<278528xi32, #tpu.memory_space<hbm>> -> memref<4352xi32, #tpu.memory_space<hbm>>
      %dma_start3A_619 = tpu.memref_slice %arg2[%mul3A_12] : memref<278528xi32, #tpu.memory_space<hbm>> -> memref<4352xi32, #tpu.memory_space<hbm>>
      tpu.enqueue_dma source(%dma_start3A_619 : memref<4352xi32, #tpu.memory_space<hbm>>) target(%arg6 : memref<4352xi32, #tpu.memory_space<vmem>>) target_semaphore(%run_scoped3A : memref<!tpu.dma_semaphore, #tpu.memory_space<semaphore_mem>>)
      %dma_wait3A = tpu.memref_slice %arg2[%mul3A_12] : memref<278528xi32, #tpu.memory_space<hbm>> -> memref<4352xi32, #tpu.memory_space<hbm>>
      %dma_wait3A_620 = tpu.memref_slice %arg2[%mul3A_12] : memref<278528xi32, #tpu.memory_space<hbm>> -> memref<4352xi32, #tpu.memory_space<hbm>>
      tpu.wait_dma2 semaphore(%run_scoped3A : memref<!tpu.dma_semaphore, #tpu.memory_space<semaphore_mem>>) src(%dma_wait3A_620 : memref<4352xi32, #tpu.memory_space<hbm>>) dst(%arg6 : memref<4352xi32, #tpu.memory_space<vmem>>)
      tpu.yield
    }) : () -> ()
    %mul3A_13 = arith.constant 512 : i32
    %mul3A_14 = arith.muli %add3A_10, %mul3A_13 : i32
    "tpu.region"() ({
      %run_scoped3A = tpu.sem_alloc : memref<!tpu.dma_semaphore, #tpu.memory_space<semaphore_mem>>
      %dma_start3A = tpu.memref_slice %arg3[%mul3A_14] : memref<32768xi32, #tpu.memory_space<hbm>> -> memref<512xi32, #tpu.memory_space<hbm>>
      %dma_start3A_619 = tpu.memref_slice %arg3[%mul3A_14] : memref<32768xi32, #tpu.memory_space<hbm>> -> memref<512xi32, #tpu.memory_space<hbm>>
      tpu.enqueue_dma source(%dma_start3A_619 : memref<512xi32, #tpu.memory_space<hbm>>) target(%arg8 : memref<512xi32, #tpu.memory_space<vmem>>) target_semaphore(%run_scoped3A : memref<!tpu.dma_semaphore, #tpu.memory_space<semaphore_mem>>)
      %dma_wait3A = tpu.memref_slice %arg3[%mul3A_14] : memref<32768xi32, #tpu.memory_space<hbm>> -> memref<512xi32, #tpu.memory_space<hbm>>
      %dma_wait3A_620 = tpu.memref_slice %arg3[%mul3A_14] : memref<32768xi32, #tpu.memory_space<hbm>> -> memref<512xi32, #tpu.memory_space<hbm>>
      tpu.wait_dma2 semaphore(%run_scoped3A : memref<!tpu.dma_semaphore, #tpu.memory_space<semaphore_mem>>) src(%dma_wait3A_620 : memref<512xi32, #tpu.memory_space<hbm>>) dst(%arg8 : memref<512xi32, #tpu.memory_space<vmem>>)
      tpu.yield
    }) : () -> ()
    %mul3A_15 = arith.constant 512 : i32
    %mul3A_16 = arith.muli %add3A_10, %mul3A_15 : i32
    "tpu.region"() ({
      %run_scoped3A = tpu.sem_alloc : memref<!tpu.dma_semaphore, #tpu.memory_space<semaphore_mem>>
      %dma_start3A = tpu.memref_slice %arg4[%mul3A_16] : memref<32768xi32, #tpu.memory_space<hbm>> -> memref<512xi32, #tpu.memory_space<hbm>>
      %dma_start3A_619 = tpu.memref_slice %arg4[%mul3A_16] : memref<32768xi32, #tpu.memory_space<hbm>> -> memref<512xi32, #tpu.memory_space<hbm>>
      tpu.enqueue_dma source(%dma_start3A_619 : memref<512xi32, #tpu.memory_space<hbm>>) target(%arg10 : memref<512xi32, #tpu.memory_space<vmem>>) target_semaphore(%run_scoped3A : memref<!tpu.dma_semaphore, #tpu.memory_space<semaphore_mem>>)
      %dma_wait3A = tpu.memref_slice %arg4[%mul3A_16] : memref<32768xi32, #tpu.memory_space<hbm>> -> memref<512xi32, #tpu.memory_space<hbm>>
      %dma_wait3A_620 = tpu.memref_slice %arg4[%mul3A_16] : memref<32768xi32, #tpu.memory_space<hbm>> -> memref<512xi32, #tpu.memory_space<hbm>>
      tpu.wait_dma2 semaphore(%run_scoped3A : memref<!tpu.dma_semaphore, #tpu.memory_space<semaphore_mem>>) src(%dma_wait3A_620 : memref<512xi32, #tpu.memory_space<hbm>>) dst(%arg10 : memref<512xi32, #tpu.memory_space<vmem>>)
      tpu.yield
    }) : () -> ()
    %mul3A_17 = arith.constant 2 : i32
    %mul3A_18 = arith.muli %add3A, %mul3A_17 : i32
    %add3A_19 = arith.constant 1 : i32
    %add3A_20 = arith.addi %mul3A_18, %add3A_19 : i32
    %mul3A_21 = arith.constant 4352 : i32
    %mul3A_22 = arith.muli %add3A_20, %mul3A_21 : i32
    "tpu.region"() ({
      %run_scoped3A = tpu.sem_alloc : memref<!tpu.dma_semaphore, #tpu.memory_space<semaphore_mem>>
      %dma_start3A = tpu.memref_slice %arg2[%mul3A_22] : memref<278528xi32, #tpu.memory_space<hbm>> -> memref<4352xi32, #tpu.memory_space<hbm>>
      %dma_start3A_619 = tpu.memref_slice %arg2[%mul3A_22] : memref<278528xi32, #tpu.memory_space<hbm>> -> memref<4352xi32, #tpu.memory_space<hbm>>
      tpu.enqueue_dma source(%dma_start3A_619 : memref<4352xi32, #tpu.memory_space<hbm>>) target(%arg7 : memref<4352xi32, #tpu.memory_space<vmem>>) target_semaphore(%run_scoped3A : memref<!tpu.dma_semaphore, #tpu.memory_space<semaphore_mem>>)
      %dma_wait3A = tpu.memref_slice %arg2[%mul3A_22] : memref<278528xi32, #tpu.memory_space<hbm>> -> memref<4352xi32, #tpu.memory_space<hbm>>
      %dma_wait3A_620 = tpu.memref_slice %arg2[%mul3A_22] : memref<278528xi32, #tpu.memory_space<hbm>> -> memref<4352xi32, #tpu.memory_space<hbm>>
      tpu.wait_dma2 semaphore(%run_scoped3A : memref<!tpu.dma_semaphore, #tpu.memory_space<semaphore_mem>>) src(%dma_wait3A_620 : memref<4352xi32, #tpu.memory_space<hbm>>) dst(%arg7 : memref<4352xi32, #tpu.memory_space<vmem>>)
      tpu.yield
    }) : () -> ()
    %mul3A_23 = arith.constant 512 : i32
    %mul3A_24 = arith.muli %add3A_20, %mul3A_23 : i32
    "tpu.region"() ({
      %run_scoped3A = tpu.sem_alloc : memref<!tpu.dma_semaphore, #tpu.memory_space<semaphore_mem>>
      %dma_start3A = tpu.memref_slice %arg3[%mul3A_24] : memref<32768xi32, #tpu.memory_space<hbm>> -> memref<512xi32, #tpu.memory_space<hbm>>
      %dma_start3A_619 = tpu.memref_slice %arg3[%mul3A_24] : memref<32768xi32, #tpu.memory_space<hbm>> -> memref<512xi32, #tpu.memory_space<hbm>>
      tpu.enqueue_dma source(%dma_start3A_619 : memref<512xi32, #tpu.memory_space<hbm>>) target(%arg9 : memref<512xi32, #tpu.memory_space<vmem>>) target_semaphore(%run_scoped3A : memref<!tpu.dma_semaphore, #tpu.memory_space<semaphore_mem>>)
      %dma_wait3A = tpu.memref_slice %arg3[%mul3A_24] : memref<32768xi32, #tpu.memory_space<hbm>> -> memref<512xi32, #tpu.memory_space<hbm>>
      %dma_wait3A_620 = tpu.memref_slice %arg3[%mul3A_24] : memref<32768xi32, #tpu.memory_space<hbm>> -> memref<512xi32, #tpu.memory_space<hbm>>
      tpu.wait_dma2 semaphore(%run_scoped3A : memref<!tpu.dma_semaphore, #tpu.memory_space<semaphore_mem>>) src(%dma_wait3A_620 : memref<512xi32, #tpu.memory_space<hbm>>) dst(%arg9 : memref<512xi32, #tpu.memory_space<vmem>>)
      tpu.yield
    }) : () -> ()
    %mul3A_25 = arith.constant 512 : i32
    %mul3A_26 = arith.muli %add3A_20, %mul3A_25 : i32
    "tpu.region"() ({
      %run_scoped3A = tpu.sem_alloc : memref<!tpu.dma_semaphore, #tpu.memory_space<semaphore_mem>>
      %dma_start3A = tpu.memref_slice %arg4[%mul3A_26] : memref<32768xi32, #tpu.memory_space<hbm>> -> memref<512xi32, #tpu.memory_space<hbm>>
      %dma_start3A_619 = tpu.memref_slice %arg4[%mul3A_26] : memref<32768xi32, #tpu.memory_space<hbm>> -> memref<512xi32, #tpu.memory_space<hbm>>
      tpu.enqueue_dma source(%dma_start3A_619 : memref<512xi32, #tpu.memory_space<hbm>>) target(%arg11 : memref<512xi32, #tpu.memory_space<vmem>>) target_semaphore(%run_scoped3A : memref<!tpu.dma_semaphore, #tpu.memory_space<semaphore_mem>>)
      %dma_wait3A = tpu.memref_slice %arg4[%mul3A_26] : memref<32768xi32, #tpu.memory_space<hbm>> -> memref<512xi32, #tpu.memory_space<hbm>>
      %dma_wait3A_620 = tpu.memref_slice %arg4[%mul3A_26] : memref<32768xi32, #tpu.memory_space<hbm>> -> memref<512xi32, #tpu.memory_space<hbm>>
      tpu.wait_dma2 semaphore(%run_scoped3A : memref<!tpu.dma_semaphore, #tpu.memory_space<semaphore_mem>>) src(%dma_wait3A_620 : memref<512xi32, #tpu.memory_space<hbm>>) dst(%arg11 : memref<512xi32, #tpu.memory_space<vmem>>)
      tpu.yield
    }) : () -> ()
    %scan3A = arith.constant 0 : i32
    %scan3A_27 = arith.constant 256 : i32
    %scan3A_28 = arith.addi %scan3A, %scan3A_27 : i32
    %scan3A_29 = arith.constant 1 : i32
    %scan3A_30:2 = scf.for %scan3A_619 = %scan3A to %scan3A_28 step %scan3A_29 iter_args(%scan3A_620 = %broadcast_in_dim3A_1, %scan3A_621 = %broadcast_in_dim3A_1) -> (vector<16xi32>, vector<16xi32>)  : i32 {
      %add3A_622 = vector.broadcast %scan3A_619 : i32 to vector<16xi32>
      %add3A_623 = arith.addi %mul3A_6, %add3A_622 : vector<16xi32>
      %gather3A_624 = tpu.vector_load_idx %arg6[%add3A_623] : memref<4352xi32, #tpu.memory_space<vmem>>[vector<16xi32>], vector<16xi32>,
      %add3A_625 = arith.constant 4096 : i32
      %add3A_626 = arith.addi %add3A_625, %scan3A_619 : i32
      %broadcast_in_dim3A_627 = vector.broadcast %add3A_626 : i32 to vector<16xi32>
      %gather3A_628 = tpu.vector_load_idx %arg6[%broadcast_in_dim3A_627] : memref<4352xi32, #tpu.memory_space<vmem>>[vector<16xi32>], vector<16xi32>,
      %slice3A = vector.extract_strided_slice %gather3A_628 {offsets = [0], sizes = [1], strides = [1]} : vector<16xi32> to vector<1xi32>
      %squeeze3A = vector.extract %slice3A[0] : i32 from vector<1xi32>
      %shift_left3A = arith.constant 31 : i32
      %shift_left3A_629 = vector.broadcast %shift_left3A : i32 to vector<16xi32>
      %shift_left3A_630 = arith.shli %gather3A_624, %shift_left3A_629 : vector<16xi32>
      %lt3A_631 = arith.constant 0 : i32
      %lt3A_632 = vector.broadcast %lt3A_631 : i32 to vector<16xi32>
      %lt3A_633 = arith.cmpi slt, %shift_left3A_630, %lt3A_632 : vector<16xi32>
      %get3A_634 = arith.constant 0 : index
      %get3A_635 = tpu.vector_load %arg8[%get3A_634] {strides = array<i32>} : memref<512xi32, #tpu.memory_space<vmem>>, vector<16xi32>,
      %select_n3A_636 = arith.select %lt3A_633, %get3A_635, %broadcast_in_dim3A_3 : vector<16xi1>, vector<16xi32>
      %min3A = arith.minsi %broadcast_in_dim3A_3, %select_n3A_636 : vector<16xi32>
      %shift_left3A_637 = arith.constant 30 : i32
      %shift_left3A_638 = vector.broadcast %shift_left3A_637 : i32 to vector<16xi32>
      %shift_left3A_639 = arith.shli %gather3A_624, %shift_left3A_638 : vector<16xi32>
      %lt3A_640 = arith.constant 0 : i32
      %lt3A_641 = vector.broadcast %lt3A_640 : i32 to vector<16xi32>
      %lt3A_642 = arith.cmpi slt, %shift_left3A_639, %lt3A_641 : vector<16xi32>
      %get3A_643 = arith.constant 16 : index
      %get3A_644 = tpu.vector_load %arg8[%get3A_643] {strides = array<i32>} : memref<512xi32, #tpu.memory_space<vmem>>, vector<16xi32>,
      %select_n3A_645 = arith.select %lt3A_642, %get3A_644, %broadcast_in_dim3A_3 : vector<16xi1>, vector<16xi32>
      %min3A_646 = arith.minsi %broadcast_in_dim3A_3, %select_n3A_645 : vector<16xi32>
      %shift_left3A_647 = arith.constant 29 : i32
      %shift_left3A_648 = vector.broadcast %shift_left3A_647 : i32 to vector<16xi32>
      %shift_left3A_649 = arith.shli %gather3A_624, %shift_left3A_648 : vector<16xi32>
      %lt3A_650 = arith.constant 0 : i32
      %lt3A_651 = vector.broadcast %lt3A_650 : i32 to vector<16xi32>
      %lt3A_652 = arith.cmpi slt, %shift_left3A_649, %lt3A_651 : vector<16xi32>
      %get3A_653 = arith.constant 32 : index
      %get3A_654 = tpu.vector_load %arg8[%get3A_653] {strides = array<i32>} : memref<512xi32, #tpu.memory_space<vmem>>, vector<16xi32>,
      %select_n3A_655 = arith.select %lt3A_652, %get3A_654, %broadcast_in_dim3A_3 : vector<16xi1>, vector<16xi32>
      %min3A_656 = arith.minsi %broadcast_in_dim3A_3, %select_n3A_655 : vector<16xi32>
      %shift_left3A_657 = arith.constant 28 : i32
      %shift_left3A_658 = vector.broadcast %shift_left3A_657 : i32 to vector<16xi32>
      %shift_left3A_659 = arith.shli %gather3A_624, %shift_left3A_658 : vector<16xi32>
      %lt3A_660 = arith.constant 0 : i32
      %lt3A_661 = vector.broadcast %lt3A_660 : i32 to vector<16xi32>
      %lt3A_662 = arith.cmpi slt, %shift_left3A_659, %lt3A_661 : vector<16xi32>
      %get3A_663 = arith.constant 48 : index
      %get3A_664 = tpu.vector_load %arg8[%get3A_663] {strides = array<i32>} : memref<512xi32, #tpu.memory_space<vmem>>, vector<16xi32>,
      %select_n3A_665 = arith.select %lt3A_662, %get3A_664, %broadcast_in_dim3A_3 : vector<16xi1>, vector<16xi32>
      %min3A_666 = arith.minsi %broadcast_in_dim3A_3, %select_n3A_665 : vector<16xi32>
      %shift_left3A_667 = arith.constant 27 : i32
      %shift_left3A_668 = vector.broadcast %shift_left3A_667 : i32 to vector<16xi32>
      %shift_left3A_669 = arith.shli %gather3A_624, %shift_left3A_668 : vector<16xi32>
      %lt3A_670 = arith.constant 0 : i32
      %lt3A_671 = vector.broadcast %lt3A_670 : i32 to vector<16xi32>
      %lt3A_672 = arith.cmpi slt, %shift_left3A_669, %lt3A_671 : vector<16xi32>
      %get3A_673 = arith.constant 64 : index
      %get3A_674 = tpu.vector_load %arg8[%get3A_673] {strides = array<i32>} : memref<512xi32, #tpu.memory_space<vmem>>, vector<16xi32>,
      %select_n3A_675 = arith.select %lt3A_672, %get3A_674, %broadcast_in_dim3A_3 : vector<16xi1>, vector<16xi32>
      %min3A_676 = arith.minsi %min3A, %select_n3A_675 : vector<16xi32>
      %shift_left3A_677 = arith.constant 26 : i32
      %shift_left3A_678 = vector.broadcast %shift_left3A_677 : i32 to vector<16xi32>
      %shift_left3A_679 = arith.shli %gather3A_624, %shift_left3A_678 : vector<16xi32>
      %lt3A_680 = arith.constant 0 : i32
      %lt3A_681 = vector.broadcast %lt3A_680 : i32 to vector<16xi32>
      %lt3A_682 = arith.cmpi slt, %shift_left3A_679, %lt3A_681 : vector<16xi32>
      %get3A_683 = arith.constant 80 : index
      %get3A_684 = tpu.vector_load %arg8[%get3A_683] {strides = array<i32>} : memref<512xi32, #tpu.memory_space<vmem>>, vector<16xi32>,
      %select_n3A_685 = arith.select %lt3A_682, %get3A_684, %broadcast_in_dim3A_3 : vector<16xi1>, vector<16xi32>
      %min3A_686 = arith.minsi %min3A_646, %select_n3A_685 : vector<16xi32>
      %shift_left3A_687 = arith.constant 25 : i32
      %shift_left3A_688 = vector.broadcast %shift_left3A_687 : i32 to vector<16xi32>
      %shift_left3A_689 = arith.shli %gather3A_624, %shift_left3A_688 : vector<16xi32>
      %lt3A_690 = arith.constant 0 : i32
      %lt3A_691 = vector.broadcast %lt3A_690 : i32 to vector<16xi32>
      %lt3A_692 = arith.cmpi slt, %shift_left3A_689, %lt3A_691 : vector<16xi32>
      %get3A_693 = arith.constant 96 : index
      %get3A_694 = tpu.vector_load %arg8[%get3A_693] {strides = array<i32>} : memref<512xi32, #tpu.memory_space<vmem>>, vector<16xi32>,
      %select_n3A_695 = arith.select %lt3A_692, %get3A_694, %broadcast_in_dim3A_3 : vector<16xi1>, vector<16xi32>
      %min3A_696 = arith.minsi %min3A_656, %select_n3A_695 : vector<16xi32>
      %shift_left3A_697 = arith.constant 24 : i32
      %shift_left3A_698 = vector.broadcast %shift_left3A_697 : i32 to vector<16xi32>
      %shift_left3A_699 = arith.shli %gather3A_624, %shift_left3A_698 : vector<16xi32>
      %lt3A_700 = arith.constant 0 : i32
      %lt3A_701 = vector.broadcast %lt3A_700 : i32 to vector<16xi32>
      %lt3A_702 = arith.cmpi slt, %shift_left3A_699, %lt3A_701 : vector<16xi32>
      %get3A_703 = arith.constant 112 : index
      %get3A_704 = tpu.vector_load %arg8[%get3A_703] {strides = array<i32>} : memref<512xi32, #tpu.memory_space<vmem>>, vector<16xi32>,
      %select_n3A_705 = arith.select %lt3A_702, %get3A_704, %broadcast_in_dim3A_3 : vector<16xi1>, vector<16xi32>
      %min3A_706 = arith.minsi %min3A_666, %select_n3A_705 : vector<16xi32>
      %shift_left3A_707 = arith.constant 23 : i32
      %shift_left3A_708 = vector.broadcast %shift_left3A_707 : i32 to vector<16xi32>
      %shift_left3A_709 = arith.shli %gather3A_624, %shift_left3A_708 : vector<16xi32>
      %lt3A_710 = arith.constant 0 : i32
      %lt3A_711 = vector.broadcast %lt3A_710 : i32 to vector<16xi32>
      %lt3A_712 = arith.cmpi slt, %shift_left3A_709, %lt3A_711 : vector<16xi32>
      %get3A_713 = arith.constant 128 : index
      %get3A_714 = tpu.vector_load %arg8[%get3A_713] {strides = array<i32>} : memref<512xi32, #tpu.memory_space<vmem>>, vector<16xi32>,
      %select_n3A_715 = arith.select %lt3A_712, %get3A_714, %broadcast_in_dim3A_3 : vector<16xi1>, vector<16xi32>
      %min3A_716 = arith.minsi %min3A_676, %select_n3A_715 : vector<16xi32>
      %shift_left3A_717 = arith.constant 22 : i32
      %shift_left3A_718 = vector.broadcast %shift_left3A_717 : i32 to vector<16xi32>
      %shift_left3A_719 = arith.shli %gather3A_624, %shift_left3A_718 : vector<16xi32>
      %lt3A_720 = arith.constant 0 : i32
      %lt3A_721 = vector.broadcast %lt3A_720 : i32 to vector<16xi32>
      %lt3A_722 = arith.cmpi slt, %shift_left3A_719, %lt3A_721 : vector<16xi32>
      %get3A_723 = arith.constant 144 : index
      %get3A_724 = tpu.vector_load %arg8[%get3A_723] {strides = array<i32>} : memref<512xi32, #tpu.memory_space<vmem>>, vector<16xi32>,
      %select_n3A_725 = arith.select %lt3A_722, %get3A_724, %broadcast_in_dim3A_3 : vector<16xi1>, vector<16xi32>
      %min3A_726 = arith.minsi %min3A_686, %select_n3A_725 : vector<16xi32>
      %shift_left3A_727 = arith.constant 21 : i32
      %shift_left3A_728 = vector.broadcast %shift_left3A_727 : i32 to vector<16xi32>
      %shift_left3A_729 = arith.shli %gather3A_624, %shift_left3A_728 : vector<16xi32>
      %lt3A_730 = arith.constant 0 : i32
      %lt3A_731 = vector.broadcast %lt3A_730 : i32 to vector<16xi32>
      %lt3A_732 = arith.cmpi slt, %shift_left3A_729, %lt3A_731 : vector<16xi32>
      %get3A_733 = arith.constant 160 : index
      %get3A_734 = tpu.vector_load %arg8[%get3A_733] {strides = array<i32>} : memref<512xi32, #tpu.memory_space<vmem>>, vector<16xi32>,
      %select_n3A_735 = arith.select %lt3A_732, %get3A_734, %broadcast_in_dim3A_3 : vector<16xi1>, vector<16xi32>
      %min3A_736 = arith.minsi %min3A_696, %select_n3A_735 : vector<16xi32>
      %shift_left3A_737 = arith.constant 20 : i32
      %shift_left3A_738 = vector.broadcast %shift_left3A_737 : i32 to vector<16xi32>
      %shift_left3A_739 = arith.shli %gather3A_624, %shift_left3A_738 : vector<16xi32>
      %lt3A_740 = arith.constant 0 : i32
      %lt3A_741 = vector.broadcast %lt3A_740 : i32 to vector<16xi32>
      %lt3A_742 = arith.cmpi slt, %shift_left3A_739, %lt3A_741 : vector<16xi32>
      %get3A_743 = arith.constant 176 : index
      %get3A_744 = tpu.vector_load %arg8[%get3A_743] {strides = array<i32>} : memref<512xi32, #tpu.memory_space<vmem>>, vector<16xi32>,
      %select_n3A_745 = arith.select %lt3A_742, %get3A_744, %broadcast_in_dim3A_3 : vector<16xi1>, vector<16xi32>
      %min3A_746 = arith.minsi %min3A_706, %select_n3A_745 : vector<16xi32>
      %shift_left3A_747 = arith.constant 19 : i32
      %shift_left3A_748 = vector.broadcast %shift_left3A_747 : i32 to vector<16xi32>
      %shift_left3A_749 = arith.shli %gather3A_624, %shift_left3A_748 : vector<16xi32>
      %lt3A_750 = arith.constant 0 : i32
      %lt3A_751 = vector.broadcast %lt3A_750 : i32 to vector<16xi32>
      %lt3A_752 = arith.cmpi slt, %shift_left3A_749, %lt3A_751 : vector<16xi32>
      %get3A_753 = arith.constant 192 : index
      %get3A_754 = tpu.vector_load %arg8[%get3A_753] {strides = array<i32>} : memref<512xi32, #tpu.memory_space<vmem>>, vector<16xi32>,
      %select_n3A_755 = arith.select %lt3A_752, %get3A_754, %broadcast_in_dim3A_3 : vector<16xi1>, vector<16xi32>
      %min3A_756 = arith.minsi %min3A_716, %select_n3A_755 : vector<16xi32>
      %shift_left3A_757 = arith.constant 18 : i32
      %shift_left3A_758 = vector.broadcast %shift_left3A_757 : i32 to vector<16xi32>
      %shift_left3A_759 = arith.shli %gather3A_624, %shift_left3A_758 : vector<16xi32>
      %lt3A_760 = arith.constant 0 : i32
      %lt3A_761 = vector.broadcast %lt3A_760 : i32 to vector<16xi32>
      %lt3A_762 = arith.cmpi slt, %shift_left3A_759, %lt3A_761 : vector<16xi32>
      %get3A_763 = arith.constant 208 : index
      %get3A_764 = tpu.vector_load %arg8[%get3A_763] {strides = array<i32>} : memref<512xi32, #tpu.memory_space<vmem>>, vector<16xi32>,
      %select_n3A_765 = arith.select %lt3A_762, %get3A_764, %broadcast_in_dim3A_3 : vector<16xi1>, vector<16xi32>
      %min3A_766 = arith.minsi %min3A_726, %select_n3A_765 : vector<16xi32>
      %shift_left3A_767 = arith.constant 17 : i32
      %shift_left3A_768 = vector.broadcast %shift_left3A_767 : i32 to vector<16xi32>
      %shift_left3A_769 = arith.shli %gather3A_624, %shift_left3A_768 : vector<16xi32>
      %lt3A_770 = arith.constant 0 : i32
      %lt3A_771 = vector.broadcast %lt3A_770 : i32 to vector<16xi32>
      %lt3A_772 = arith.cmpi slt, %shift_left3A_769, %lt3A_771 : vector<16xi32>
      %get3A_773 = arith.constant 224 : index
      %get3A_774 = tpu.vector_load %arg8[%get3A_773] {strides = array<i32>} : memref<512xi32, #tpu.memory_space<vmem>>, vector<16xi32>,
      %select_n3A_775 = arith.select %lt3A_772, %get3A_774, %broadcast_in_dim3A_3 : vector<16xi1>, vector<16xi32>
      %min3A_776 = arith.minsi %min3A_736, %select_n3A_775 : vector<16xi32>
      %shift_left3A_777 = arith.constant 16 : i32
      %shift_left3A_778 = vector.broadcast %shift_left3A_777 : i32 to vector<16xi32>
      %shift_left3A_779 = arith.shli %gather3A_624, %shift_left3A_778 : vector<16xi32>
      %lt3A_780 = arith.constant 0 : i32
      %lt3A_781 = vector.broadcast %lt3A_780 : i32 to vector<16xi32>
      %lt3A_782 = arith.cmpi slt, %shift_left3A_779, %lt3A_781 : vector<16xi32>
      %get3A_783 = arith.constant 240 : index
      %get3A_784 = tpu.vector_load %arg8[%get3A_783] {strides = array<i32>} : memref<512xi32, #tpu.memory_space<vmem>>, vector<16xi32>,
      %select_n3A_785 = arith.select %lt3A_782, %get3A_784, %broadcast_in_dim3A_3 : vector<16xi1>, vector<16xi32>
      %min3A_786 = arith.minsi %min3A_746, %select_n3A_785 : vector<16xi32>
      %shift_left3A_787 = arith.constant 15 : i32
      %shift_left3A_788 = vector.broadcast %shift_left3A_787 : i32 to vector<16xi32>
      %shift_left3A_789 = arith.shli %gather3A_624, %shift_left3A_788 : vector<16xi32>
      %lt3A_790 = arith.constant 0 : i32
      %lt3A_791 = vector.broadcast %lt3A_790 : i32 to vector<16xi32>
      %lt3A_792 = arith.cmpi slt, %shift_left3A_789, %lt3A_791 : vector<16xi32>
      %get3A_793 = arith.constant 256 : index
      %get3A_794 = tpu.vector_load %arg8[%get3A_793] {strides = array<i32>} : memref<512xi32, #tpu.memory_space<vmem>>, vector<16xi32>,
      %select_n3A_795 = arith.select %lt3A_792, %get3A_794, %broadcast_in_dim3A_3 : vector<16xi1>, vector<16xi32>
      %min3A_796 = arith.minsi %min3A_756, %select_n3A_795 : vector<16xi32>
      %shift_left3A_797 = arith.constant 14 : i32
      %shift_left3A_798 = vector.broadcast %shift_left3A_797 : i32 to vector<16xi32>
      %shift_left3A_799 = arith.shli %gather3A_624, %shift_left3A_798 : vector<16xi32>
      %lt3A_800 = arith.constant 0 : i32
      %lt3A_801 = vector.broadcast %lt3A_800 : i32 to vector<16xi32>
      %lt3A_802 = arith.cmpi slt, %shift_left3A_799, %lt3A_801 : vector<16xi32>
      %get3A_803 = arith.constant 272 : index
      %get3A_804 = tpu.vector_load %arg8[%get3A_803] {strides = array<i32>} : memref<512xi32, #tpu.memory_space<vmem>>, vector<16xi32>,
      %select_n3A_805 = arith.select %lt3A_802, %get3A_804, %broadcast_in_dim3A_3 : vector<16xi1>, vector<16xi32>
      %min3A_806 = arith.minsi %min3A_766, %select_n3A_805 : vector<16xi32>
      %shift_left3A_807 = arith.constant 13 : i32
      %shift_left3A_808 = vector.broadcast %shift_left3A_807 : i32 to vector<16xi32>
      %shift_left3A_809 = arith.shli %gather3A_624, %shift_left3A_808 : vector<16xi32>
      %lt3A_810 = arith.constant 0 : i32
      %lt3A_811 = vector.broadcast %lt3A_810 : i32 to vector<16xi32>
      %lt3A_812 = arith.cmpi slt, %shift_left3A_809, %lt3A_811 : vector<16xi32>
      %get3A_813 = arith.constant 288 : index
      %get3A_814 = tpu.vector_load %arg8[%get3A_813] {strides = array<i32>} : memref<512xi32, #tpu.memory_space<vmem>>, vector<16xi32>,
      %select_n3A_815 = arith.select %lt3A_812, %get3A_814, %broadcast_in_dim3A_3 : vector<16xi1>, vector<16xi32>
      %min3A_816 = arith.minsi %min3A_776, %select_n3A_815 : vector<16xi32>
      %shift_left3A_817 = arith.constant 12 : i32
      %shift_left3A_818 = vector.broadcast %shift_left3A_817 : i32 to vector<16xi32>
      %shift_left3A_819 = arith.shli %gather3A_624, %shift_left3A_818 : vector<16xi32>
      %lt3A_820 = arith.constant 0 : i32
      %lt3A_821 = vector.broadcast %lt3A_820 : i32 to vector<16xi32>
      %lt3A_822 = arith.cmpi slt, %shift_left3A_819, %lt3A_821 : vector<16xi32>
      %get3A_823 = arith.constant 304 : index
      %get3A_824 = tpu.vector_load %arg8[%get3A_823] {strides = array<i32>} : memref<512xi32, #tpu.memory_space<vmem>>, vector<16xi32>,
      %select_n3A_825 = arith.select %lt3A_822, %get3A_824, %broadcast_in_dim3A_3 : vector<16xi1>, vector<16xi32>
      %min3A_826 = arith.minsi %min3A_786, %select_n3A_825 : vector<16xi32>
      %shift_left3A_827 = arith.constant 11 : i32
      %shift_left3A_828 = vector.broadcast %shift_left3A_827 : i32 to vector<16xi32>
      %shift_left3A_829 = arith.shli %gather3A_624, %shift_left3A_828 : vector<16xi32>
      %lt3A_830 = arith.constant 0 : i32
      %lt3A_831 = vector.broadcast %lt3A_830 : i32 to vector<16xi32>
      %lt3A_832 = arith.cmpi slt, %shift_left3A_829, %lt3A_831 : vector<16xi32>
      %get3A_833 = arith.constant 320 : index
      %get3A_834 = tpu.vector_load %arg8[%get3A_833] {strides = array<i32>} : memref<512xi32, #tpu.memory_space<vmem>>, vector<16xi32>,
      %select_n3A_835 = arith.select %lt3A_832, %get3A_834, %broadcast_in_dim3A_3 : vector<16xi1>, vector<16xi32>
      %min3A_836 = arith.minsi %min3A_796, %select_n3A_835 : vector<16xi32>
      %shift_left3A_837 = arith.constant 10 : i32
      %shift_left3A_838 = vector.broadcast %shift_left3A_837 : i32 to vector<16xi32>
      %shift_left3A_839 = arith.shli %gather3A_624, %shift_left3A_838 : vector<16xi32>
      %lt3A_840 = arith.constant 0 : i32
      %lt3A_841 = vector.broadcast %lt3A_840 : i32 to vector<16xi32>
      %lt3A_842 = arith.cmpi slt, %shift_left3A_839, %lt3A_841 : vector<16xi32>
      %get3A_843 = arith.constant 336 : index
      %get3A_844 = tpu.vector_load %arg8[%get3A_843] {strides = array<i32>} : memref<512xi32, #tpu.memory_space<vmem>>, vector<16xi32>,
      %select_n3A_845 = arith.select %lt3A_842, %get3A_844, %broadcast_in_dim3A_3 : vector<16xi1>, vector<16xi32>
      %min3A_846 = arith.minsi %min3A_806, %select_n3A_845 : vector<16xi32>
      %shift_left3A_847 = arith.constant 9 : i32
      %shift_left3A_848 = vector.broadcast %shift_left3A_847 : i32 to vector<16xi32>
      %shift_left3A_849 = arith.shli %gather3A_624, %shift_left3A_848 : vector<16xi32>
      %lt3A_850 = arith.constant 0 : i32
      %lt3A_851 = vector.broadcast %lt3A_850 : i32 to vector<16xi32>
      %lt3A_852 = arith.cmpi slt, %shift_left3A_849, %lt3A_851 : vector<16xi32>
      %get3A_853 = arith.constant 352 : index
      %get3A_854 = tpu.vector_load %arg8[%get3A_853] {strides = array<i32>} : memref<512xi32, #tpu.memory_space<vmem>>, vector<16xi32>,
      %select_n3A_855 = arith.select %lt3A_852, %get3A_854, %broadcast_in_dim3A_3 : vector<16xi1>, vector<16xi32>
      %min3A_856 = arith.minsi %min3A_816, %select_n3A_855 : vector<16xi32>
      %shift_left3A_857 = arith.constant 8 : i32
      %shift_left3A_858 = vector.broadcast %shift_left3A_857 : i32 to vector<16xi32>
      %shift_left3A_859 = arith.shli %gather3A_624, %shift_left3A_858 : vector<16xi32>
      %lt3A_860 = arith.constant 0 : i32
      %lt3A_861 = vector.broadcast %lt3A_860 : i32 to vector<16xi32>
      %lt3A_862 = arith.cmpi slt, %shift_left3A_859, %lt3A_861 : vector<16xi32>
      %get3A_863 = arith.constant 368 : index
      %get3A_864 = tpu.vector_load %arg8[%get3A_863] {strides = array<i32>} : memref<512xi32, #tpu.memory_space<vmem>>, vector<16xi32>,
      %select_n3A_865 = arith.select %lt3A_862, %get3A_864, %broadcast_in_dim3A_3 : vector<16xi1>, vector<16xi32>
      %min3A_866 = arith.minsi %min3A_826, %select_n3A_865 : vector<16xi32>
      %shift_left3A_867 = arith.constant 7 : i32
      %shift_left3A_868 = vector.broadcast %shift_left3A_867 : i32 to vector<16xi32>
      %shift_left3A_869 = arith.shli %gather3A_624, %shift_left3A_868 : vector<16xi32>
      %lt3A_870 = arith.constant 0 : i32
      %lt3A_871 = vector.broadcast %lt3A_870 : i32 to vector<16xi32>
      %lt3A_872 = arith.cmpi slt, %shift_left3A_869, %lt3A_871 : vector<16xi32>
      %get3A_873 = arith.constant 384 : index
      %get3A_874 = tpu.vector_load %arg8[%get3A_873] {strides = array<i32>} : memref<512xi32, #tpu.memory_space<vmem>>, vector<16xi32>,
      %select_n3A_875 = arith.select %lt3A_872, %get3A_874, %broadcast_in_dim3A_3 : vector<16xi1>, vector<16xi32>
      %min3A_876 = arith.minsi %min3A_836, %select_n3A_875 : vector<16xi32>
      %shift_left3A_877 = arith.constant 6 : i32
      %shift_left3A_878 = vector.broadcast %shift_left3A_877 : i32 to vector<16xi32>
      %shift_left3A_879 = arith.shli %gather3A_624, %shift_left3A_878 : vector<16xi32>
      %lt3A_880 = arith.constant 0 : i32
      %lt3A_881 = vector.broadcast %lt3A_880 : i32 to vector<16xi32>
      %lt3A_882 = arith.cmpi slt, %shift_left3A_879, %lt3A_881 : vector<16xi32>
      %get3A_883 = arith.constant 400 : index
      %get3A_884 = tpu.vector_load %arg8[%get3A_883] {strides = array<i32>} : memref<512xi32, #tpu.memory_space<vmem>>, vector<16xi32>,
      %select_n3A_885 = arith.select %lt3A_882, %get3A_884, %broadcast_in_dim3A_3 : vector<16xi1>, vector<16xi32>
      %min3A_886 = arith.minsi %min3A_846, %select_n3A_885 : vector<16xi32>
      %shift_left3A_887 = arith.constant 5 : i32
      %shift_left3A_888 = vector.broadcast %shift_left3A_887 : i32 to vector<16xi32>
      %shift_left3A_889 = arith.shli %gather3A_624, %shift_left3A_888 : vector<16xi32>
      %lt3A_890 = arith.constant 0 : i32
      %lt3A_891 = vector.broadcast %lt3A_890 : i32 to vector<16xi32>
      %lt3A_892 = arith.cmpi slt, %shift_left3A_889, %lt3A_891 : vector<16xi32>
      %get3A_893 = arith.constant 416 : index
      %get3A_894 = tpu.vector_load %arg8[%get3A_893] {strides = array<i32>} : memref<512xi32, #tpu.memory_space<vmem>>, vector<16xi32>,
      %select_n3A_895 = arith.select %lt3A_892, %get3A_894, %broadcast_in_dim3A_3 : vector<16xi1>, vector<16xi32>
      %min3A_896 = arith.minsi %min3A_856, %select_n3A_895 : vector<16xi32>
      %shift_left3A_897 = arith.constant 4 : i32
      %shift_left3A_898 = vector.broadcast %shift_left3A_897 : i32 to vector<16xi32>
      %shift_left3A_899 = arith.shli %gather3A_624, %shift_left3A_898 : vector<16xi32>
      %lt3A_900 = arith.constant 0 : i32
      %lt3A_901 = vector.broadcast %lt3A_900 : i32 to vector<16xi32>
      %lt3A_902 = arith.cmpi slt, %shift_left3A_899, %lt3A_901 : vector<16xi32>
      %get3A_903 = arith.constant 432 : index
      %get3A_904 = tpu.vector_load %arg8[%get3A_903] {strides = array<i32>} : memref<512xi32, #tpu.memory_space<vmem>>, vector<16xi32>,
      %select_n3A_905 = arith.select %lt3A_902, %get3A_904, %broadcast_in_dim3A_3 : vector<16xi1>, vector<16xi32>
      %min3A_906 = arith.minsi %min3A_866, %select_n3A_905 : vector<16xi32>
      %shift_left3A_907 = arith.constant 3 : i32
      %shift_left3A_908 = vector.broadcast %shift_left3A_907 : i32 to vector<16xi32>
      %shift_left3A_909 = arith.shli %gather3A_624, %shift_left3A_908 : vector<16xi32>
      %lt3A_910 = arith.constant 0 : i32
      %lt3A_911 = vector.broadcast %lt3A_910 : i32 to vector<16xi32>
      %lt3A_912 = arith.cmpi slt, %shift_left3A_909, %lt3A_911 : vector<16xi32>
      %get3A_913 = arith.constant 448 : index
      %get3A_914 = tpu.vector_load %arg8[%get3A_913] {strides = array<i32>} : memref<512xi32, #tpu.memory_space<vmem>>, vector<16xi32>,
      %select_n3A_915 = arith.select %lt3A_912, %get3A_914, %broadcast_in_dim3A_3 : vector<16xi1>, vector<16xi32>
      %min3A_916 = arith.minsi %min3A_876, %select_n3A_915 : vector<16xi32>
      %shift_left3A_917 = arith.constant 2 : i32
      %shift_left3A_918 = vector.broadcast %shift_left3A_917 : i32 to vector<16xi32>
      %shift_left3A_919 = arith.shli %gather3A_624, %shift_left3A_918 : vector<16xi32>
      %lt3A_920 = arith.constant 0 : i32
      %lt3A_921 = vector.broadcast %lt3A_920 : i32 to vector<16xi32>
      %lt3A_922 = arith.cmpi slt, %shift_left3A_919, %lt3A_921 : vector<16xi32>
      %get3A_923 = arith.constant 464 : index
      %get3A_924 = tpu.vector_load %arg8[%get3A_923] {strides = array<i32>} : memref<512xi32, #tpu.memory_space<vmem>>, vector<16xi32>,
      %select_n3A_925 = arith.select %lt3A_922, %get3A_924, %broadcast_in_dim3A_3 : vector<16xi1>, vector<16xi32>
      %min3A_926 = arith.minsi %min3A_886, %select_n3A_925 : vector<16xi32>
      %shift_left3A_927 = arith.constant 1 : i32
      %shift_left3A_928 = vector.broadcast %shift_left3A_927 : i32 to vector<16xi32>
      %shift_left3A_929 = arith.shli %gather3A_624, %shift_left3A_928 : vector<16xi32>
      %lt3A_930 = arith.constant 0 : i32
      %lt3A_931 = vector.broadcast %lt3A_930 : i32 to vector<16xi32>
      %lt3A_932 = arith.cmpi slt, %shift_left3A_929, %lt3A_931 : vector<16xi32>
      %get3A_933 = arith.constant 480 : index
      %get3A_934 = tpu.vector_load %arg8[%get3A_933] {strides = array<i32>} : memref<512xi32, #tpu.memory_space<vmem>>, vector<16xi32>,
      %select_n3A_935 = arith.select %lt3A_932, %get3A_934, %broadcast_in_dim3A_3 : vector<16xi1>, vector<16xi32>
      %min3A_936 = arith.minsi %min3A_896, %select_n3A_935 : vector<16xi32>
      %shift_left3A_937 = arith.constant 0 : i32
      %shift_left3A_938 = vector.broadcast %shift_left3A_937 : i32 to vector<16xi32>
      %shift_left3A_939 = arith.shli %gather3A_624, %shift_left3A_938 : vector<16xi32>
      %lt3A_940 = arith.constant 0 : i32
      %lt3A_941 = vector.broadcast %lt3A_940 : i32 to vector<16xi32>
      %lt3A_942 = arith.cmpi slt, %shift_left3A_939, %lt3A_941 : vector<16xi32>
      %get3A_943 = arith.constant 496 : index
      %get3A_944 = tpu.vector_load %arg8[%get3A_943] {strides = array<i32>} : memref<512xi32, #tpu.memory_space<vmem>>, vector<16xi32>,
      %select_n3A_945 = arith.select %lt3A_942, %get3A_944, %broadcast_in_dim3A_3 : vector<16xi1>, vector<16xi32>
      %min3A_946 = arith.minsi %min3A_906, %select_n3A_945 : vector<16xi32>
      %min3A_947 = arith.minsi %min3A_916, %min3A_926 : vector<16xi32>
      %min3A_948 = arith.minsi %min3A_936, %min3A_946 : vector<16xi32>
      %min3A_949 = arith.minsi %min3A_947, %min3A_948 : vector<16xi32>
      %reduce_min3A = arith.constant true
      %reduce_min3A_950 = vector.broadcast %reduce_min3A : i1 to vector<16xi1>
      %reduce_min3A_951 = arith.constant -2147483648 : i32
      %reduce_min3A_952 = vector.broadcast %reduce_min3A_951 : i32 to vector<16xi32>
      %reduce_min3A_953 = arith.xori %min3A_949, %reduce_min3A_952 : vector<16xi32>
      %reduce_min3A_954 = tpu.scan <min>, %reduce_min3A_953 masked %reduce_min3A_950 : vector<16xi32>, vector<16xi1> -> vector<16xi32>
      %reduce_min3A_955 = arith.xori %reduce_min3A_954, %reduce_min3A_952 : vector<16xi32>
      %reduce_min3A_956 = vector.extract %reduce_min3A_955[15] : i32 from vector<16xi32>
      %ne3A = arith.constant 0 : i32
      %ne3A_957 = arith.cmpi ne, %squeeze3A, %ne3A : i32
      %min3A_958 = arith.constant 512 : i32
      %min3A_959 = arith.minsi %reduce_min3A_956, %min3A_958 : i32
      %select_n3A_960 = arith.select %ne3A_957, %min3A_959, %reduce_min3A_956 : i32
      %ge3A = arith.constant 1048576 : i32
      %ge3A_961 = arith.cmpi sge, %select_n3A_960, %ge3A : i32
      %jit3A_962 = arith.constant 0 : i32
      %select_n3A_963 = arith.select %ge3A_961, %jit3A_962, %select_n3A_960 : i32
      %and3A_964 = arith.constant 15 : i32
      %and3A_965 = arith.andi %scan3A_619, %and3A_964 : i32
      %eq3A = vector.broadcast %and3A_965 : i32 to vector<16xi32>
      %eq3A_966 = arith.cmpi eq, %iota3A, %eq3A : vector<16xi32>
      %broadcast_in_dim3A_967 = vector.broadcast %select_n3A_963 : i32 to vector<16xi32>
      %select_n3A_968 = arith.select %eq3A_966, %broadcast_in_dim3A_967, %scan3A_620 : vector<16xi1>, vector<16xi32>
      %shift_right_arithmetic3A = arith.constant 4 : i32
      %shift_right_arithmetic3A_969 = arith.shrsi %scan3A_619, %shift_right_arithmetic3A : i32
      %mul3A_970 = arith.constant 16 : i32
      %mul3A_971 = arith.muli %shift_right_arithmetic3A_969, %mul3A_970 : i32
      %swap3A_972 = arith.index_cast %mul3A_971 : i32 to index
      %swap3A_973 = tpu.vector_load %arg12[%swap3A_972] {strides = array<i32>} : memref<256xi32, #tpu.memory_space<vmem>>, vector<16xi32>,
      tpu.vector_store %arg12[%swap3A_972], %select_n3A_968 {strides = array<i32>} : memref<256xi32, #tpu.memory_space<vmem>>, vector<16xi32>,
      %ge3A_974 = arith.constant 512 : i32
      %ge3A_975 = arith.cmpi sge, %select_n3A_960, %ge3A_974 : i32
      %jit3A_976 = arith.constant 0 : i32
      %select_n3A_977 = arith.select %ge3A_975, %jit3A_976, %select_n3A_960 : i32
      %broadcast_in_dim3A_978 = vector.broadcast %select_n3A_977 : i32 to vector<16xi32>
      %gather3A_979 = tpu.vector_load_idx %arg10[%broadcast_in_dim3A_978] : memref<512xi32, #tpu.memory_space<vmem>>[vector<16xi32>], vector<16xi32>,
      %slice3A_980 = vector.extract_strided_slice %gather3A_979 {offsets = [0], sizes = [1], strides = [1]} : vector<16xi32> to vector<1xi32>
      %squeeze3A_981 = vector.extract %slice3A_980[0] : i32 from vector<1xi32>
      %shift_right_logical3A = arith.constant 5 : i32
      %shift_right_logical3A_982 = arith.shrui %squeeze3A_981, %shift_right_logical3A : i32
      %jit3A_983 = arith.constant 16 : i32
      %select_n3A_984 = arith.select %ge3A_975, %jit3A_983, %shift_right_logical3A_982 : i32
      %and3A_985 = arith.constant 31 : i32
      %and3A_986 = arith.andi %squeeze3A_981, %and3A_985 : i32
      %sub3A = arith.constant 31 : i32
      %sub3A_987 = arith.subi %sub3A, %and3A_986 : i32
      %jit3A_988 = arith.constant 31 : i32
      %select_n3A_989 = arith.select %ge3A_975, %jit3A_988, %sub3A_987 : i32
      %broadcast_in_dim3A_990 = vector.broadcast %select_n3A_989 : i32 to vector<16xi32>
      %mul3A_991 = arith.constant 256 : i32
      %mul3A_992 = arith.muli %select_n3A_984, %mul3A_991 : i32
      %slice3A_993 = vector.extract_strided_slice %gather3A_624 {offsets = [0], sizes = [1], strides = [1]} : vector<16xi32> to vector<1xi32>
      %squeeze3A_994 = vector.extract %slice3A_993[0] : i32 from vector<1xi32>
      %broadcast_in_dim3A_995 = vector.broadcast %squeeze3A_994 : i32 to vector<16xi32>
      %slice3A_996 = vector.extract_strided_slice %gather3A_624 {offsets = [1], sizes = [1], strides = [1]} : vector<16xi32> to vector<1xi32>
      %squeeze3A_997 = vector.extract %slice3A_996[0] : i32 from vector<1xi32>
      %broadcast_in_dim3A_998 = vector.broadcast %squeeze3A_997 : i32 to vector<16xi32>
      %slice3A_999 = vector.extract_strided_slice %gather3A_624 {offsets = [2], sizes = [1], strides = [1]} : vector<16xi32> to vector<1xi32>
      %squeeze3A_1000 = vector.extract %slice3A_999[0] : i32 from vector<1xi32>
      %broadcast_in_dim3A_1001 = vector.broadcast %squeeze3A_1000 : i32 to vector<16xi32>
      %slice3A_1002 = vector.extract_strided_slice %gather3A_624 {offsets = [3], sizes = [1], strides = [1]} : vector<16xi32> to vector<1xi32>
      %squeeze3A_1003 = vector.extract %slice3A_1002[0] : i32 from vector<1xi32>
      %broadcast_in_dim3A_1004 = vector.broadcast %squeeze3A_1003 : i32 to vector<16xi32>
      %slice3A_1005 = vector.extract_strided_slice %gather3A_624 {offsets = [4], sizes = [1], strides = [1]} : vector<16xi32> to vector<1xi32>
      %squeeze3A_1006 = vector.extract %slice3A_1005[0] : i32 from vector<1xi32>
      %broadcast_in_dim3A_1007 = vector.broadcast %squeeze3A_1006 : i32 to vector<16xi32>
      %slice3A_1008 = vector.extract_strided_slice %gather3A_624 {offsets = [5], sizes = [1], strides = [1]} : vector<16xi32> to vector<1xi32>
      %squeeze3A_1009 = vector.extract %slice3A_1008[0] : i32 from vector<1xi32>
      %broadcast_in_dim3A_1010 = vector.broadcast %squeeze3A_1009 : i32 to vector<16xi32>
      %slice3A_1011 = vector.extract_strided_slice %gather3A_624 {offsets = [6], sizes = [1], strides = [1]} : vector<16xi32> to vector<1xi32>
      %squeeze3A_1012 = vector.extract %slice3A_1011[0] : i32 from vector<1xi32>
      %broadcast_in_dim3A_1013 = vector.broadcast %squeeze3A_1012 : i32 to vector<16xi32>
      %slice3A_1014 = vector.extract_strided_slice %gather3A_624 {offsets = [7], sizes = [1], strides = [1]} : vector<16xi32> to vector<1xi32>
      %squeeze3A_1015 = vector.extract %slice3A_1014[0] : i32 from vector<1xi32>
      %broadcast_in_dim3A_1016 = vector.broadcast %squeeze3A_1015 : i32 to vector<16xi32>
      %slice3A_1017 = vector.extract_strided_slice %gather3A_624 {offsets = [8], sizes = [1], strides = [1]} : vector<16xi32> to vector<1xi32>
      %squeeze3A_1018 = vector.extract %slice3A_1017[0] : i32 from vector<1xi32>
      %broadcast_in_dim3A_1019 = vector.broadcast %squeeze3A_1018 : i32 to vector<16xi32>
      %slice3A_1020 = vector.extract_strided_slice %gather3A_624 {offsets = [9], sizes = [1], strides = [1]} : vector<16xi32> to vector<1xi32>
      %squeeze3A_1021 = vector.extract %slice3A_1020[0] : i32 from vector<1xi32>
      %broadcast_in_dim3A_1022 = vector.broadcast %squeeze3A_1021 : i32 to vector<16xi32>
      %slice3A_1023 = vector.extract_strided_slice %gather3A_624 {offsets = [10], sizes = [1], strides = [1]} : vector<16xi32> to vector<1xi32>
      %squeeze3A_1024 = vector.extract %slice3A_1023[0] : i32 from vector<1xi32>
      %broadcast_in_dim3A_1025 = vector.broadcast %squeeze3A_1024 : i32 to vector<16xi32>
      %slice3A_1026 = vector.extract_strided_slice %gather3A_624 {offsets = [11], sizes = [1], strides = [1]} : vector<16xi32> to vector<1xi32>
      %squeeze3A_1027 = vector.extract %slice3A_1026[0] : i32 from vector<1xi32>
      %broadcast_in_dim3A_1028 = vector.broadcast %squeeze3A_1027 : i32 to vector<16xi32>
      %slice3A_1029 = vector.extract_strided_slice %gather3A_624 {offsets = [12], sizes = [1], strides = [1]} : vector<16xi32> to vector<1xi32>
      %squeeze3A_1030 = vector.extract %slice3A_1029[0] : i32 from vector<1xi32>
      %broadcast_in_dim3A_1031 = vector.broadcast %squeeze3A_1030 : i32 to vector<16xi32>
      %slice3A_1032 = vector.extract_strided_slice %gather3A_624 {offsets = [13], sizes = [1], strides = [1]} : vector<16xi32> to vector<1xi32>
      %squeeze3A_1033 = vector.extract %slice3A_1032[0] : i32 from vector<1xi32>
      %broadcast_in_dim3A_1034 = vector.broadcast %squeeze3A_1033 : i32 to vector<16xi32>
      %slice3A_1035 = vector.extract_strided_slice %gather3A_624 {offsets = [14], sizes = [1], strides = [1]} : vector<16xi32> to vector<1xi32>
      %squeeze3A_1036 = vector.extract %slice3A_1035[0] : i32 from vector<1xi32>
      %broadcast_in_dim3A_1037 = vector.broadcast %squeeze3A_1036 : i32 to vector<16xi32>
      %slice3A_1038 = vector.extract_strided_slice %gather3A_624 {offsets = [15], sizes = [1], strides = [1]} : vector<16xi32> to vector<1xi32>
      %squeeze3A_1039 = vector.extract %slice3A_1038[0] : i32 from vector<1xi32>
      %broadcast_in_dim3A_1040 = vector.broadcast %squeeze3A_1039 : i32 to vector<16xi32>
      %broadcast_in_dim3A_1041 = vector.broadcast %squeeze3A : i32 to vector<16xi32>
      %shift_right_arithmetic3A_1042 = arith.constant 4 : i32
      %shift_right_arithmetic3A_1043 = arith.shrsi %scan3A_619, %shift_right_arithmetic3A_1042 : i32
      %parallel_loop3A = arith.constant 16 : i32
      %parallel_loop3A_1044 = arith.constant 1 : i32
      scf.for %parallel_loop3A_1480 = %shift_right_arithmetic3A_1043 to %parallel_loop3A step %parallel_loop3A_1044  : i32 {
        %parallel_loop3A_1481 = arith.constant 16 : i32
        %parallel_loop3A_1482 = arith.muli %parallel_loop3A_1480, %parallel_loop3A_1481 : i32
        %parallel_loop3A_1483 = arith.addi %mul3A_992, %parallel_loop3A_1482 : i32
        %parallel_loop3A_1484 = arith.index_cast %parallel_loop3A_1483 : i32 to index
        %parallel_loop3A_1485 = tpu.vector_load %arg6[%parallel_loop3A_1484] {strides = array<i32>} : memref<4352xi32, #tpu.memory_space<vmem>>, vector<16xi32>,
        %parallel_loop3A_1486 = arith.shli %parallel_loop3A_1485, %broadcast_in_dim3A_990 : vector<16xi32>
        %parallel_loop3A_1487 = arith.constant 31 : i32
        %parallel_loop3A_1488 = vector.broadcast %parallel_loop3A_1487 : i32 to vector<16xi32>
        %parallel_loop3A_1489 = arith.shrsi %parallel_loop3A_1486, %parallel_loop3A_1488 : vector<16xi32>
        %parallel_loop3A_1490 = vector.broadcast %parallel_loop3A_1482 : i32 to vector<16xi32>
        %parallel_loop3A_1491 = arith.addi %parallel_loop3A_1490, %iota3A : vector<16xi32>
        %parallel_loop3A_1492 = vector.broadcast %scan3A_619 : i32 to vector<16xi32>
        %parallel_loop3A_1493 = arith.cmpi sgt, %parallel_loop3A_1491, %parallel_loop3A_1492 : vector<16xi32>
        %parallel_loop3A_1494 = arith.constant 0 : i32
        %parallel_loop3A_1495 = vector.broadcast %parallel_loop3A_1494 : i32 to vector<16xi32>
        %parallel_loop3A_1496 = arith.select %parallel_loop3A_1493, %parallel_loop3A_1489, %parallel_loop3A_1495 : vector<16xi1>, vector<16xi32>
        %parallel_loop3A_1497 = arith.constant 0 : i32
        %parallel_loop3A_1498 = arith.addi %parallel_loop3A_1497, %parallel_loop3A_1482 : i32
        %parallel_loop3A_1499 = arith.index_cast %parallel_loop3A_1498 : i32 to index
        %parallel_loop3A_1500 = tpu.vector_load %arg6[%parallel_loop3A_1499] {strides = array<i32>} : memref<4352xi32, #tpu.memory_space<vmem>>, vector<16xi32>,
        %parallel_loop3A_1501 = arith.andi %broadcast_in_dim3A_995, %parallel_loop3A_1496 : vector<16xi32>
        %parallel_loop3A_1502 = arith.xori %parallel_loop3A_1500, %parallel_loop3A_1501 : vector<16xi32>
        %parallel_loop3A_1503 = arith.constant 0 : i32
        %parallel_loop3A_1504 = arith.addi %parallel_loop3A_1503, %parallel_loop3A_1482 : i32
        %parallel_loop3A_1505 = arith.index_cast %parallel_loop3A_1504 : i32 to index
        %parallel_loop3A_1506 = tpu.vector_load %arg6[%parallel_loop3A_1505] {strides = array<i32>} : memref<4352xi32, #tpu.memory_space<vmem>>, vector<16xi32>,
        tpu.vector_store %arg6[%parallel_loop3A_1505], %parallel_loop3A_1502 {strides = array<i32>} : memref<4352xi32, #tpu.memory_space<vmem>>, vector<16xi32>,
        %parallel_loop3A_1507 = arith.constant 256 : i32
        %parallel_loop3A_1508 = arith.addi %parallel_loop3A_1507, %parallel_loop3A_1482 : i32
        %parallel_loop3A_1509 = arith.index_cast %parallel_loop3A_1508 : i32 to index
        %parallel_loop3A_1510 = tpu.vector_load %arg6[%parallel_loop3A_1509] {strides = array<i32>} : memref<4352xi32, #tpu.memory_space<vmem>>, vector<16xi32>,
        %parallel_loop3A_1511 = arith.andi %broadcast_in_dim3A_998, %parallel_loop3A_1496 : vector<16xi32>
        %parallel_loop3A_1512 = arith.xori %parallel_loop3A_1510, %parallel_loop3A_1511 : vector<16xi32>
        %parallel_loop3A_1513 = arith.constant 256 : i32
        %parallel_loop3A_1514 = arith.addi %parallel_loop3A_1513, %parallel_loop3A_1482 : i32
        %parallel_loop3A_1515 = arith.index_cast %parallel_loop3A_1514 : i32 to index
        %parallel_loop3A_1516 = tpu.vector_load %arg6[%parallel_loop3A_1515] {strides = array<i32>} : memref<4352xi32, #tpu.memory_space<vmem>>, vector<16xi32>,
        tpu.vector_store %arg6[%parallel_loop3A_1515], %parallel_loop3A_1512 {strides = array<i32>} : memref<4352xi32, #tpu.memory_space<vmem>>, vector<16xi32>,
        %parallel_loop3A_1517 = arith.constant 512 : i32
        %parallel_loop3A_1518 = arith.addi %parallel_loop3A_1517, %parallel_loop3A_1482 : i32
        %parallel_loop3A_1519 = arith.index_cast %parallel_loop3A_1518 : i32 to index
        %parallel_loop3A_1520 = tpu.vector_load %arg6[%parallel_loop3A_1519] {strides = array<i32>} : memref<4352xi32, #tpu.memory_space<vmem>>, vector<16xi32>,
        %parallel_loop3A_1521 = arith.andi %broadcast_in_dim3A_1001, %parallel_loop3A_1496 : vector<16xi32>
        %parallel_loop3A_1522 = arith.xori %parallel_loop3A_1520, %parallel_loop3A_1521 : vector<16xi32>
        %parallel_loop3A_1523 = arith.constant 512 : i32
        %parallel_loop3A_1524 = arith.addi %parallel_loop3A_1523, %parallel_loop3A_1482 : i32
        %parallel_loop3A_1525 = arith.index_cast %parallel_loop3A_1524 : i32 to index
        %parallel_loop3A_1526 = tpu.vector_load %arg6[%parallel_loop3A_1525] {strides = array<i32>} : memref<4352xi32, #tpu.memory_space<vmem>>, vector<16xi32>,
        tpu.vector_store %arg6[%parallel_loop3A_1525], %parallel_loop3A_1522 {strides = array<i32>} : memref<4352xi32, #tpu.memory_space<vmem>>, vector<16xi32>,
        %parallel_loop3A_1527 = arith.constant 768 : i32
        %parallel_loop3A_1528 = arith.addi %parallel_loop3A_1527, %parallel_loop3A_1482 : i32
        %parallel_loop3A_1529 = arith.index_cast %parallel_loop3A_1528 : i32 to index
        %parallel_loop3A_1530 = tpu.vector_load %arg6[%parallel_loop3A_1529] {strides = array<i32>} : memref<4352xi32, #tpu.memory_space<vmem>>, vector<16xi32>,
        %parallel_loop3A_1531 = arith.andi %broadcast_in_dim3A_1004, %parallel_loop3A_1496 : vector<16xi32>
        %parallel_loop3A_1532 = arith.xori %parallel_loop3A_1530, %parallel_loop3A_1531 : vector<16xi32>
        %parallel_loop3A_1533 = arith.constant 768 : i32
        %parallel_loop3A_1534 = arith.addi %parallel_loop3A_1533, %parallel_loop3A_1482 : i32
        %parallel_loop3A_1535 = arith.index_cast %parallel_loop3A_1534 : i32 to index
        %parallel_loop3A_1536 = tpu.vector_load %arg6[%parallel_loop3A_1535] {strides = array<i32>} : memref<4352xi32, #tpu.memory_space<vmem>>, vector<16xi32>,
        tpu.vector_store %arg6[%parallel_loop3A_1535], %parallel_loop3A_1532 {strides = array<i32>} : memref<4352xi32, #tpu.memory_space<vmem>>, vector<16xi32>,
        %parallel_loop3A_1537 = arith.constant 1024 : i32
        %parallel_loop3A_1538 = arith.addi %parallel_loop3A_1537, %parallel_loop3A_1482 : i32
        %parallel_loop3A_1539 = arith.index_cast %parallel_loop3A_1538 : i32 to index
        %parallel_loop3A_1540 = tpu.vector_load %arg6[%parallel_loop3A_1539] {strides = array<i32>} : memref<4352xi32, #tpu.memory_space<vmem>>, vector<16xi32>,
        %parallel_loop3A_1541 = arith.andi %broadcast_in_dim3A_1007, %parallel_loop3A_1496 : vector<16xi32>
        %parallel_loop3A_1542 = arith.xori %parallel_loop3A_1540, %parallel_loop3A_1541 : vector<16xi32>
        %parallel_loop3A_1543 = arith.constant 1024 : i32
        %parallel_loop3A_1544 = arith.addi %parallel_loop3A_1543, %parallel_loop3A_1482 : i32
        %parallel_loop3A_1545 = arith.index_cast %parallel_loop3A_1544 : i32 to index
        %parallel_loop3A_1546 = tpu.vector_load %arg6[%parallel_loop3A_1545] {strides = array<i32>} : memref<4352xi32, #tpu.memory_space<vmem>>, vector<16xi32>,
        tpu.vector_store %arg6[%parallel_loop3A_1545], %parallel_loop3A_1542 {strides = array<i32>} : memref<4352xi32, #tpu.memory_space<vmem>>, vector<16xi32>,
        %parallel_loop3A_1547 = arith.constant 1280 : i32
        %parallel_loop3A_1548 = arith.addi %parallel_loop3A_1547, %parallel_loop3A_1482 : i32
        %parallel_loop3A_1549 = arith.index_cast %parallel_loop3A_1548 : i32 to index
        %parallel_loop3A_1550 = tpu.vector_load %arg6[%parallel_loop3A_1549] {strides = array<i32>} : memref<4352xi32, #tpu.memory_space<vmem>>, vector<16xi32>,
        %parallel_loop3A_1551 = arith.andi %broadcast_in_dim3A_1010, %parallel_loop3A_1496 : vector<16xi32>
        %parallel_loop3A_1552 = arith.xori %parallel_loop3A_1550, %parallel_loop3A_1551 : vector<16xi32>
        %parallel_loop3A_1553 = arith.constant 1280 : i32
        %parallel_loop3A_1554 = arith.addi %parallel_loop3A_1553, %parallel_loop3A_1482 : i32
        %parallel_loop3A_1555 = arith.index_cast %parallel_loop3A_1554 : i32 to index
        %parallel_loop3A_1556 = tpu.vector_load %arg6[%parallel_loop3A_1555] {strides = array<i32>} : memref<4352xi32, #tpu.memory_space<vmem>>, vector<16xi32>,
        tpu.vector_store %arg6[%parallel_loop3A_1555], %parallel_loop3A_1552 {strides = array<i32>} : memref<4352xi32, #tpu.memory_space<vmem>>, vector<16xi32>,
        %parallel_loop3A_1557 = arith.constant 1536 : i32
        %parallel_loop3A_1558 = arith.addi %parallel_loop3A_1557, %parallel_loop3A_1482 : i32
        %parallel_loop3A_1559 = arith.index_cast %parallel_loop3A_1558 : i32 to index
        %parallel_loop3A_1560 = tpu.vector_load %arg6[%parallel_loop3A_1559] {strides = array<i32>} : memref<4352xi32, #tpu.memory_space<vmem>>, vector<16xi32>,
        %parallel_loop3A_1561 = arith.andi %broadcast_in_dim3A_1013, %parallel_loop3A_1496 : vector<16xi32>
        %parallel_loop3A_1562 = arith.xori %parallel_loop3A_1560, %parallel_loop3A_1561 : vector<16xi32>
        %parallel_loop3A_1563 = arith.constant 1536 : i32
        %parallel_loop3A_1564 = arith.addi %parallel_loop3A_1563, %parallel_loop3A_1482 : i32
        %parallel_loop3A_1565 = arith.index_cast %parallel_loop3A_1564 : i32 to index
        %parallel_loop3A_1566 = tpu.vector_load %arg6[%parallel_loop3A_1565] {strides = array<i32>} : memref<4352xi32, #tpu.memory_space<vmem>>, vector<16xi32>,
        tpu.vector_store %arg6[%parallel_loop3A_1565], %parallel_loop3A_1562 {strides = array<i32>} : memref<4352xi32, #tpu.memory_space<vmem>>, vector<16xi32>,
        %parallel_loop3A_1567 = arith.constant 1792 : i32
        %parallel_loop3A_1568 = arith.addi %parallel_loop3A_1567, %parallel_loop3A_1482 : i32
        %parallel_loop3A_1569 = arith.index_cast %parallel_loop3A_1568 : i32 to index
        %parallel_loop3A_1570 = tpu.vector_load %arg6[%parallel_loop3A_1569] {strides = array<i32>} : memref<4352xi32, #tpu.memory_space<vmem>>, vector<16xi32>,
        %parallel_loop3A_1571 = arith.andi %broadcast_in_dim3A_1016, %parallel_loop3A_1496 : vector<16xi32>
        %parallel_loop3A_1572 = arith.xori %parallel_loop3A_1570, %parallel_loop3A_1571 : vector<16xi32>
        %parallel_loop3A_1573 = arith.constant 1792 : i32
        %parallel_loop3A_1574 = arith.addi %parallel_loop3A_1573, %parallel_loop3A_1482 : i32
        %parallel_loop3A_1575 = arith.index_cast %parallel_loop3A_1574 : i32 to index
        %parallel_loop3A_1576 = tpu.vector_load %arg6[%parallel_loop3A_1575] {strides = array<i32>} : memref<4352xi32, #tpu.memory_space<vmem>>, vector<16xi32>,
        tpu.vector_store %arg6[%parallel_loop3A_1575], %parallel_loop3A_1572 {strides = array<i32>} : memref<4352xi32, #tpu.memory_space<vmem>>, vector<16xi32>,
        %parallel_loop3A_1577 = arith.constant 2048 : i32
        %parallel_loop3A_1578 = arith.addi %parallel_loop3A_1577, %parallel_loop3A_1482 : i32
        %parallel_loop3A_1579 = arith.index_cast %parallel_loop3A_1578 : i32 to index
        %parallel_loop3A_1580 = tpu.vector_load %arg6[%parallel_loop3A_1579] {strides = array<i32>} : memref<4352xi32, #tpu.memory_space<vmem>>, vector<16xi32>,
        %parallel_loop3A_1581 = arith.andi %broadcast_in_dim3A_1019, %parallel_loop3A_1496 : vector<16xi32>
        %parallel_loop3A_1582 = arith.xori %parallel_loop3A_1580, %parallel_loop3A_1581 : vector<16xi32>
        %parallel_loop3A_1583 = arith.constant 2048 : i32
        %parallel_loop3A_1584 = arith.addi %parallel_loop3A_1583, %parallel_loop3A_1482 : i32
        %parallel_loop3A_1585 = arith.index_cast %parallel_loop3A_1584 : i32 to index
        %parallel_loop3A_1586 = tpu.vector_load %arg6[%parallel_loop3A_1585] {strides = array<i32>} : memref<4352xi32, #tpu.memory_space<vmem>>, vector<16xi32>,
        tpu.vector_store %arg6[%parallel_loop3A_1585], %parallel_loop3A_1582 {strides = array<i32>} : memref<4352xi32, #tpu.memory_space<vmem>>, vector<16xi32>,
        %parallel_loop3A_1587 = arith.constant 2304 : i32
        %parallel_loop3A_1588 = arith.addi %parallel_loop3A_1587, %parallel_loop3A_1482 : i32
        %parallel_loop3A_1589 = arith.index_cast %parallel_loop3A_1588 : i32 to index
        %parallel_loop3A_1590 = tpu.vector_load %arg6[%parallel_loop3A_1589] {strides = array<i32>} : memref<4352xi32, #tpu.memory_space<vmem>>, vector<16xi32>,
        %parallel_loop3A_1591 = arith.andi %broadcast_in_dim3A_1022, %parallel_loop3A_1496 : vector<16xi32>
        %parallel_loop3A_1592 = arith.xori %parallel_loop3A_1590, %parallel_loop3A_1591 : vector<16xi32>
        %parallel_loop3A_1593 = arith.constant 2304 : i32
        %parallel_loop3A_1594 = arith.addi %parallel_loop3A_1593, %parallel_loop3A_1482 : i32
        %parallel_loop3A_1595 = arith.index_cast %parallel_loop3A_1594 : i32 to index
        %parallel_loop3A_1596 = tpu.vector_load %arg6[%parallel_loop3A_1595] {strides = array<i32>} : memref<4352xi32, #tpu.memory_space<vmem>>, vector<16xi32>,
        tpu.vector_store %arg6[%parallel_loop3A_1595], %parallel_loop3A_1592 {strides = array<i32>} : memref<4352xi32, #tpu.memory_space<vmem>>, vector<16xi32>,
        %parallel_loop3A_1597 = arith.constant 2560 : i32
        %parallel_loop3A_1598 = arith.addi %parallel_loop3A_1597, %parallel_loop3A_1482 : i32
        %parallel_loop3A_1599 = arith.index_cast %parallel_loop3A_1598 : i32 to index
        %parallel_loop3A_1600 = tpu.vector_load %arg6[%parallel_loop3A_1599] {strides = array<i32>} : memref<4352xi32, #tpu.memory_space<vmem>>, vector<16xi32>,
        %parallel_loop3A_1601 = arith.andi %broadcast_in_dim3A_1025, %parallel_loop3A_1496 : vector<16xi32>
        %parallel_loop3A_1602 = arith.xori %parallel_loop3A_1600, %parallel_loop3A_1601 : vector<16xi32>
        %parallel_loop3A_1603 = arith.constant 2560 : i32
        %parallel_loop3A_1604 = arith.addi %parallel_loop3A_1603, %parallel_loop3A_1482 : i32
        %parallel_loop3A_1605 = arith.index_cast %parallel_loop3A_1604 : i32 to index
        %parallel_loop3A_1606 = tpu.vector_load %arg6[%parallel_loop3A_1605] {strides = array<i32>} : memref<4352xi32, #tpu.memory_space<vmem>>, vector<16xi32>,
        tpu.vector_store %arg6[%parallel_loop3A_1605], %parallel_loop3A_1602 {strides = array<i32>} : memref<4352xi32, #tpu.memory_space<vmem>>, vector<16xi32>,
        %parallel_loop3A_1607 = arith.constant 2816 : i32
        %parallel_loop3A_1608 = arith.addi %parallel_loop3A_1607, %parallel_loop3A_1482 : i32
        %parallel_loop3A_1609 = arith.index_cast %parallel_loop3A_1608 : i32 to index
        %parallel_loop3A_1610 = tpu.vector_load %arg6[%parallel_loop3A_1609] {strides = array<i32>} : memref<4352xi32, #tpu.memory_space<vmem>>, vector<16xi32>,
        %parallel_loop3A_1611 = arith.andi %broadcast_in_dim3A_1028, %parallel_loop3A_1496 : vector<16xi32>
        %parallel_loop3A_1612 = arith.xori %parallel_loop3A_1610, %parallel_loop3A_1611 : vector<16xi32>
        %parallel_loop3A_1613 = arith.constant 2816 : i32
        %parallel_loop3A_1614 = arith.addi %parallel_loop3A_1613, %parallel_loop3A_1482 : i32
        %parallel_loop3A_1615 = arith.index_cast %parallel_loop3A_1614 : i32 to index
        %parallel_loop3A_1616 = tpu.vector_load %arg6[%parallel_loop3A_1615] {strides = array<i32>} : memref<4352xi32, #tpu.memory_space<vmem>>, vector<16xi32>,
        tpu.vector_store %arg6[%parallel_loop3A_1615], %parallel_loop3A_1612 {strides = array<i32>} : memref<4352xi32, #tpu.memory_space<vmem>>, vector<16xi32>,
        %parallel_loop3A_1617 = arith.constant 3072 : i32
        %parallel_loop3A_1618 = arith.addi %parallel_loop3A_1617, %parallel_loop3A_1482 : i32
        %parallel_loop3A_1619 = arith.index_cast %parallel_loop3A_1618 : i32 to index
        %parallel_loop3A_1620 = tpu.vector_load %arg6[%parallel_loop3A_1619] {strides = array<i32>} : memref<4352xi32, #tpu.memory_space<vmem>>, vector<16xi32>,
        %parallel_loop3A_1621 = arith.andi %broadcast_in_dim3A_1031, %parallel_loop3A_1496 : vector<16xi32>
        %parallel_loop3A_1622 = arith.xori %parallel_loop3A_1620, %parallel_loop3A_1621 : vector<16xi32>
        %parallel_loop3A_1623 = arith.constant 3072 : i32
        %parallel_loop3A_1624 = arith.addi %parallel_loop3A_1623, %parallel_loop3A_1482 : i32
        %parallel_loop3A_1625 = arith.index_cast %parallel_loop3A_1624 : i32 to index
        %parallel_loop3A_1626 = tpu.vector_load %arg6[%parallel_loop3A_1625] {strides = array<i32>} : memref<4352xi32, #tpu.memory_space<vmem>>, vector<16xi32>,
        tpu.vector_store %arg6[%parallel_loop3A_1625], %parallel_loop3A_1622 {strides = array<i32>} : memref<4352xi32, #tpu.memory_space<vmem>>, vector<16xi32>,
        %parallel_loop3A_1627 = arith.constant 3328 : i32
        %parallel_loop3A_1628 = arith.addi %parallel_loop3A_1627, %parallel_loop3A_1482 : i32
        %parallel_loop3A_1629 = arith.index_cast %parallel_loop3A_1628 : i32 to index
        %parallel_loop3A_1630 = tpu.vector_load %arg6[%parallel_loop3A_1629] {strides = array<i32>} : memref<4352xi32, #tpu.memory_space<vmem>>, vector<16xi32>,
        %parallel_loop3A_1631 = arith.andi %broadcast_in_dim3A_1034, %parallel_loop3A_1496 : vector<16xi32>
        %parallel_loop3A_1632 = arith.xori %parallel_loop3A_1630, %parallel_loop3A_1631 : vector<16xi32>
        %parallel_loop3A_1633 = arith.constant 3328 : i32
        %parallel_loop3A_1634 = arith.addi %parallel_loop3A_1633, %parallel_loop3A_1482 : i32
        %parallel_loop3A_1635 = arith.index_cast %parallel_loop3A_1634 : i32 to index
        %parallel_loop3A_1636 = tpu.vector_load %arg6[%parallel_loop3A_1635] {strides = array<i32>} : memref<4352xi32, #tpu.memory_space<vmem>>, vector<16xi32>,
        tpu.vector_store %arg6[%parallel_loop3A_1635], %parallel_loop3A_1632 {strides = array<i32>} : memref<4352xi32, #tpu.memory_space<vmem>>, vector<16xi32>,
        %parallel_loop3A_1637 = arith.constant 3584 : i32
        %parallel_loop3A_1638 = arith.addi %parallel_loop3A_1637, %parallel_loop3A_1482 : i32
        %parallel_loop3A_1639 = arith.index_cast %parallel_loop3A_1638 : i32 to index
        %parallel_loop3A_1640 = tpu.vector_load %arg6[%parallel_loop3A_1639] {strides = array<i32>} : memref<4352xi32, #tpu.memory_space<vmem>>, vector<16xi32>,
        %parallel_loop3A_1641 = arith.andi %broadcast_in_dim3A_1037, %parallel_loop3A_1496 : vector<16xi32>
        %parallel_loop3A_1642 = arith.xori %parallel_loop3A_1640, %parallel_loop3A_1641 : vector<16xi32>
        %parallel_loop3A_1643 = arith.constant 3584 : i32
        %parallel_loop3A_1644 = arith.addi %parallel_loop3A_1643, %parallel_loop3A_1482 : i32
        %parallel_loop3A_1645 = arith.index_cast %parallel_loop3A_1644 : i32 to index
        %parallel_loop3A_1646 = tpu.vector_load %arg6[%parallel_loop3A_1645] {strides = array<i32>} : memref<4352xi32, #tpu.memory_space<vmem>>, vector<16xi32>,
        tpu.vector_store %arg6[%parallel_loop3A_1645], %parallel_loop3A_1642 {strides = array<i32>} : memref<4352xi32, #tpu.memory_space<vmem>>, vector<16xi32>,
        %parallel_loop3A_1647 = arith.constant 3840 : i32
        %parallel_loop3A_1648 = arith.addi %parallel_loop3A_1647, %parallel_loop3A_1482 : i32
        %parallel_loop3A_1649 = arith.index_cast %parallel_loop3A_1648 : i32 to index
        %parallel_loop3A_1650 = tpu.vector_load %arg6[%parallel_loop3A_1649] {strides = array<i32>} : memref<4352xi32, #tpu.memory_space<vmem>>, vector<16xi32>,
        %parallel_loop3A_1651 = arith.andi %broadcast_in_dim3A_1040, %parallel_loop3A_1496 : vector<16xi32>
        %parallel_loop3A_1652 = arith.xori %parallel_loop3A_1650, %parallel_loop3A_1651 : vector<16xi32>
        %parallel_loop3A_1653 = arith.constant 3840 : i32
        %parallel_loop3A_1654 = arith.addi %parallel_loop3A_1653, %parallel_loop3A_1482 : i32
        %parallel_loop3A_1655 = arith.index_cast %parallel_loop3A_1654 : i32 to index
        %parallel_loop3A_1656 = tpu.vector_load %arg6[%parallel_loop3A_1655] {strides = array<i32>} : memref<4352xi32, #tpu.memory_space<vmem>>, vector<16xi32>,
        tpu.vector_store %arg6[%parallel_loop3A_1655], %parallel_loop3A_1652 {strides = array<i32>} : memref<4352xi32, #tpu.memory_space<vmem>>, vector<16xi32>,
        %parallel_loop3A_1657 = arith.constant 4096 : i32
        %parallel_loop3A_1658 = arith.addi %parallel_loop3A_1657, %parallel_loop3A_1482 : i32
        %parallel_loop3A_1659 = arith.index_cast %parallel_loop3A_1658 : i32 to index
        %parallel_loop3A_1660 = tpu.vector_load %arg6[%parallel_loop3A_1659] {strides = array<i32>} : memref<4352xi32, #tpu.memory_space<vmem>>, vector<16xi32>,
        %parallel_loop3A_1661 = arith.andi %broadcast_in_dim3A_1041, %parallel_loop3A_1496 : vector<16xi32>
        %parallel_loop3A_1662 = arith.xori %parallel_loop3A_1660, %parallel_loop3A_1661 : vector<16xi32>
        %parallel_loop3A_1663 = arith.constant 4096 : i32
        %parallel_loop3A_1664 = arith.addi %parallel_loop3A_1663, %parallel_loop3A_1482 : i32
        %parallel_loop3A_1665 = arith.index_cast %parallel_loop3A_1664 : i32 to index
        %parallel_loop3A_1666 = tpu.vector_load %arg6[%parallel_loop3A_1665] {strides = array<i32>} : memref<4352xi32, #tpu.memory_space<vmem>>, vector<16xi32>,
        tpu.vector_store %arg6[%parallel_loop3A_1665], %parallel_loop3A_1662 {strides = array<i32>} : memref<4352xi32, #tpu.memory_space<vmem>>, vector<16xi32>,
      } {sc.loop_unroll_factor = 1 : i64, sc.parallel_access}
      %add3A_1045 = vector.broadcast %scan3A_619 : i32 to vector<16xi32>
      %add3A_1046 = arith.addi %mul3A_6, %add3A_1045 : vector<16xi32>
      %gather3A_1047 = tpu.vector_load_idx %arg7[%add3A_1046] : memref<4352xi32, #tpu.memory_space<vmem>>[vector<16xi32>], vector<16xi32>,
      %add3A_1048 = arith.constant 4096 : i32
      %add3A_1049 = arith.addi %add3A_1048, %scan3A_619 : i32
      %broadcast_in_dim3A_1050 = vector.broadcast %add3A_1049 : i32 to vector<16xi32>
      %gather3A_1051 = tpu.vector_load_idx %arg7[%broadcast_in_dim3A_1050] : memref<4352xi32, #tpu.memory_space<vmem>>[vector<16xi32>], vector<16xi32>,
      %slice3A_1052 = vector.extract_strided_slice %gather3A_1051 {offsets = [0], sizes = [1], strides = [1]} : vector<16xi32> to vector<1xi32>
      %squeeze3A_1053 = vector.extract %slice3A_1052[0] : i32 from vector<1xi32>
      %shift_left3A_1054 = arith.constant 31 : i32
      %shift_left3A_1055 = vector.broadcast %shift_left3A_1054 : i32 to vector<16xi32>
      %shift_left3A_1056 = arith.shli %gather3A_1047, %shift_left3A_1055 : vector<16xi32>
      %lt3A_1057 = arith.constant 0 : i32
      %lt3A_1058 = vector.broadcast %lt3A_1057 : i32 to vector<16xi32>
      %lt3A_1059 = arith.cmpi slt, %shift_left3A_1056, %lt3A_1058 : vector<16xi32>
      %get3A_1060 = arith.constant 0 : index
      %get3A_1061 = tpu.vector_load %arg9[%get3A_1060] {strides = array<i32>} : memref<512xi32, #tpu.memory_space<vmem>>, vector<16xi32>,
      %select_n3A_1062 = arith.select %lt3A_1059, %get3A_1061, %broadcast_in_dim3A_3 : vector<16xi1>, vector<16xi32>
      %min3A_1063 = arith.minsi %broadcast_in_dim3A_3, %select_n3A_1062 : vector<16xi32>
      %shift_left3A_1064 = arith.constant 30 : i32
      %shift_left3A_1065 = vector.broadcast %shift_left3A_1064 : i32 to vector<16xi32>
      %shift_left3A_1066 = arith.shli %gather3A_1047, %shift_left3A_1065 : vector<16xi32>
      %lt3A_1067 = arith.constant 0 : i32
      %lt3A_1068 = vector.broadcast %lt3A_1067 : i32 to vector<16xi32>
      %lt3A_1069 = arith.cmpi slt, %shift_left3A_1066, %lt3A_1068 : vector<16xi32>
      %get3A_1070 = arith.constant 16 : index
      %get3A_1071 = tpu.vector_load %arg9[%get3A_1070] {strides = array<i32>} : memref<512xi32, #tpu.memory_space<vmem>>, vector<16xi32>,
      %select_n3A_1072 = arith.select %lt3A_1069, %get3A_1071, %broadcast_in_dim3A_3 : vector<16xi1>, vector<16xi32>
      %min3A_1073 = arith.minsi %broadcast_in_dim3A_3, %select_n3A_1072 : vector<16xi32>
      %shift_left3A_1074 = arith.constant 29 : i32
      %shift_left3A_1075 = vector.broadcast %shift_left3A_1074 : i32 to vector<16xi32>
      %shift_left3A_1076 = arith.shli %gather3A_1047, %shift_left3A_1075 : vector<16xi32>
      %lt3A_1077 = arith.constant 0 : i32
      %lt3A_1078 = vector.broadcast %lt3A_1077 : i32 to vector<16xi32>
      %lt3A_1079 = arith.cmpi slt, %shift_left3A_1076, %lt3A_1078 : vector<16xi32>
      %get3A_1080 = arith.constant 32 : index
      %get3A_1081 = tpu.vector_load %arg9[%get3A_1080] {strides = array<i32>} : memref<512xi32, #tpu.memory_space<vmem>>, vector<16xi32>,
      %select_n3A_1082 = arith.select %lt3A_1079, %get3A_1081, %broadcast_in_dim3A_3 : vector<16xi1>, vector<16xi32>
      %min3A_1083 = arith.minsi %broadcast_in_dim3A_3, %select_n3A_1082 : vector<16xi32>
      %shift_left3A_1084 = arith.constant 28 : i32
      %shift_left3A_1085 = vector.broadcast %shift_left3A_1084 : i32 to vector<16xi32>
      %shift_left3A_1086 = arith.shli %gather3A_1047, %shift_left3A_1085 : vector<16xi32>
      %lt3A_1087 = arith.constant 0 : i32
      %lt3A_1088 = vector.broadcast %lt3A_1087 : i32 to vector<16xi32>
      %lt3A_1089 = arith.cmpi slt, %shift_left3A_1086, %lt3A_1088 : vector<16xi32>
      %get3A_1090 = arith.constant 48 : index
      %get3A_1091 = tpu.vector_load %arg9[%get3A_1090] {strides = array<i32>} : memref<512xi32, #tpu.memory_space<vmem>>, vector<16xi32>,
      %select_n3A_1092 = arith.select %lt3A_1089, %get3A_1091, %broadcast_in_dim3A_3 : vector<16xi1>, vector<16xi32>
      %min3A_1093 = arith.minsi %broadcast_in_dim3A_3, %select_n3A_1092 : vector<16xi32>
      %shift_left3A_1094 = arith.constant 27 : i32
      %shift_left3A_1095 = vector.broadcast %shift_left3A_1094 : i32 to vector<16xi32>
      %shift_left3A_1096 = arith.shli %gather3A_1047, %shift_left3A_1095 : vector<16xi32>
      %lt3A_1097 = arith.constant 0 : i32
      %lt3A_1098 = vector.broadcast %lt3A_1097 : i32 to vector<16xi32>
      %lt3A_1099 = arith.cmpi slt, %shift_left3A_1096, %lt3A_1098 : vector<16xi32>
      %get3A_1100 = arith.constant 64 : index
      %get3A_1101 = tpu.vector_load %arg9[%get3A_1100] {strides = array<i32>} : memref<512xi32, #tpu.memory_space<vmem>>, vector<16xi32>,
      %select_n3A_1102 = arith.select %lt3A_1099, %get3A_1101, %broadcast_in_dim3A_3 : vector<16xi1>, vector<16xi32>
      %min3A_1103 = arith.minsi %min3A_1063, %select_n3A_1102 : vector<16xi32>
      %shift_left3A_1104 = arith.constant 26 : i32
      %shift_left3A_1105 = vector.broadcast %shift_left3A_1104 : i32 to vector<16xi32>
      %shift_left3A_1106 = arith.shli %gather3A_1047, %shift_left3A_1105 : vector<16xi32>
      %lt3A_1107 = arith.constant 0 : i32
      %lt3A_1108 = vector.broadcast %lt3A_1107 : i32 to vector<16xi32>
      %lt3A_1109 = arith.cmpi slt, %shift_left3A_1106, %lt3A_1108 : vector<16xi32>
      %get3A_1110 = arith.constant 80 : index
      %get3A_1111 = tpu.vector_load %arg9[%get3A_1110] {strides = array<i32>} : memref<512xi32, #tpu.memory_space<vmem>>, vector<16xi32>,
      %select_n3A_1112 = arith.select %lt3A_1109, %get3A_1111, %broadcast_in_dim3A_3 : vector<16xi1>, vector<16xi32>
      %min3A_1113 = arith.minsi %min3A_1073, %select_n3A_1112 : vector<16xi32>
      %shift_left3A_1114 = arith.constant 25 : i32
      %shift_left3A_1115 = vector.broadcast %shift_left3A_1114 : i32 to vector<16xi32>
      %shift_left3A_1116 = arith.shli %gather3A_1047, %shift_left3A_1115 : vector<16xi32>
      %lt3A_1117 = arith.constant 0 : i32
      %lt3A_1118 = vector.broadcast %lt3A_1117 : i32 to vector<16xi32>
      %lt3A_1119 = arith.cmpi slt, %shift_left3A_1116, %lt3A_1118 : vector<16xi32>
      %get3A_1120 = arith.constant 96 : index
      %get3A_1121 = tpu.vector_load %arg9[%get3A_1120] {strides = array<i32>} : memref<512xi32, #tpu.memory_space<vmem>>, vector<16xi32>,
      %select_n3A_1122 = arith.select %lt3A_1119, %get3A_1121, %broadcast_in_dim3A_3 : vector<16xi1>, vector<16xi32>
      %min3A_1123 = arith.minsi %min3A_1083, %select_n3A_1122 : vector<16xi32>
      %shift_left3A_1124 = arith.constant 24 : i32
      %shift_left3A_1125 = vector.broadcast %shift_left3A_1124 : i32 to vector<16xi32>
      %shift_left3A_1126 = arith.shli %gather3A_1047, %shift_left3A_1125 : vector<16xi32>
      %lt3A_1127 = arith.constant 0 : i32
      %lt3A_1128 = vector.broadcast %lt3A_1127 : i32 to vector<16xi32>
      %lt3A_1129 = arith.cmpi slt, %shift_left3A_1126, %lt3A_1128 : vector<16xi32>
      %get3A_1130 = arith.constant 112 : index
      %get3A_1131 = tpu.vector_load %arg9[%get3A_1130] {strides = array<i32>} : memref<512xi32, #tpu.memory_space<vmem>>, vector<16xi32>,
      %select_n3A_1132 = arith.select %lt3A_1129, %get3A_1131, %broadcast_in_dim3A_3 : vector<16xi1>, vector<16xi32>
      %min3A_1133 = arith.minsi %min3A_1093, %select_n3A_1132 : vector<16xi32>
      %shift_left3A_1134 = arith.constant 23 : i32
      %shift_left3A_1135 = vector.broadcast %shift_left3A_1134 : i32 to vector<16xi32>
      %shift_left3A_1136 = arith.shli %gather3A_1047, %shift_left3A_1135 : vector<16xi32>
      %lt3A_1137 = arith.constant 0 : i32
      %lt3A_1138 = vector.broadcast %lt3A_1137 : i32 to vector<16xi32>
      %lt3A_1139 = arith.cmpi slt, %shift_left3A_1136, %lt3A_1138 : vector<16xi32>
      %get3A_1140 = arith.constant 128 : index
      %get3A_1141 = tpu.vector_load %arg9[%get3A_1140] {strides = array<i32>} : memref<512xi32, #tpu.memory_space<vmem>>, vector<16xi32>,
      %select_n3A_1142 = arith.select %lt3A_1139, %get3A_1141, %broadcast_in_dim3A_3 : vector<16xi1>, vector<16xi32>
      %min3A_1143 = arith.minsi %min3A_1103, %select_n3A_1142 : vector<16xi32>
      %shift_left3A_1144 = arith.constant 22 : i32
      %shift_left3A_1145 = vector.broadcast %shift_left3A_1144 : i32 to vector<16xi32>
      %shift_left3A_1146 = arith.shli %gather3A_1047, %shift_left3A_1145 : vector<16xi32>
      %lt3A_1147 = arith.constant 0 : i32
      %lt3A_1148 = vector.broadcast %lt3A_1147 : i32 to vector<16xi32>
      %lt3A_1149 = arith.cmpi slt, %shift_left3A_1146, %lt3A_1148 : vector<16xi32>
      %get3A_1150 = arith.constant 144 : index
      %get3A_1151 = tpu.vector_load %arg9[%get3A_1150] {strides = array<i32>} : memref<512xi32, #tpu.memory_space<vmem>>, vector<16xi32>,
      %select_n3A_1152 = arith.select %lt3A_1149, %get3A_1151, %broadcast_in_dim3A_3 : vector<16xi1>, vector<16xi32>
      %min3A_1153 = arith.minsi %min3A_1113, %select_n3A_1152 : vector<16xi32>
      %shift_left3A_1154 = arith.constant 21 : i32
      %shift_left3A_1155 = vector.broadcast %shift_left3A_1154 : i32 to vector<16xi32>
      %shift_left3A_1156 = arith.shli %gather3A_1047, %shift_left3A_1155 : vector<16xi32>
      %lt3A_1157 = arith.constant 0 : i32
      %lt3A_1158 = vector.broadcast %lt3A_1157 : i32 to vector<16xi32>
      %lt3A_1159 = arith.cmpi slt, %shift_left3A_1156, %lt3A_1158 : vector<16xi32>
      %get3A_1160 = arith.constant 160 : index
      %get3A_1161 = tpu.vector_load %arg9[%get3A_1160] {strides = array<i32>} : memref<512xi32, #tpu.memory_space<vmem>>, vector<16xi32>,
      %select_n3A_1162 = arith.select %lt3A_1159, %get3A_1161, %broadcast_in_dim3A_3 : vector<16xi1>, vector<16xi32>
      %min3A_1163 = arith.minsi %min3A_1123, %select_n3A_1162 : vector<16xi32>
      %shift_left3A_1164 = arith.constant 20 : i32
      %shift_left3A_1165 = vector.broadcast %shift_left3A_1164 : i32 to vector<16xi32>
      %shift_left3A_1166 = arith.shli %gather3A_1047, %shift_left3A_1165 : vector<16xi32>
      %lt3A_1167 = arith.constant 0 : i32
      %lt3A_1168 = vector.broadcast %lt3A_1167 : i32 to vector<16xi32>
      %lt3A_1169 = arith.cmpi slt, %shift_left3A_1166, %lt3A_1168 : vector<16xi32>
      %get3A_1170 = arith.constant 176 : index
      %get3A_1171 = tpu.vector_load %arg9[%get3A_1170] {strides = array<i32>} : memref<512xi32, #tpu.memory_space<vmem>>, vector<16xi32>,
      %select_n3A_1172 = arith.select %lt3A_1169, %get3A_1171, %broadcast_in_dim3A_3 : vector<16xi1>, vector<16xi32>
      %min3A_1173 = arith.minsi %min3A_1133, %select_n3A_1172 : vector<16xi32>
      %shift_left3A_1174 = arith.constant 19 : i32
      %shift_left3A_1175 = vector.broadcast %shift_left3A_1174 : i32 to vector<16xi32>
      %shift_left3A_1176 = arith.shli %gather3A_1047, %shift_left3A_1175 : vector<16xi32>
      %lt3A_1177 = arith.constant 0 : i32
      %lt3A_1178 = vector.broadcast %lt3A_1177 : i32 to vector<16xi32>
      %lt3A_1179 = arith.cmpi slt, %shift_left3A_1176, %lt3A_1178 : vector<16xi32>
      %get3A_1180 = arith.constant 192 : index
      %get3A_1181 = tpu.vector_load %arg9[%get3A_1180] {strides = array<i32>} : memref<512xi32, #tpu.memory_space<vmem>>, vector<16xi32>,
      %select_n3A_1182 = arith.select %lt3A_1179, %get3A_1181, %broadcast_in_dim3A_3 : vector<16xi1>, vector<16xi32>
      %min3A_1183 = arith.minsi %min3A_1143, %select_n3A_1182 : vector<16xi32>
      %shift_left3A_1184 = arith.constant 18 : i32
      %shift_left3A_1185 = vector.broadcast %shift_left3A_1184 : i32 to vector<16xi32>
      %shift_left3A_1186 = arith.shli %gather3A_1047, %shift_left3A_1185 : vector<16xi32>
      %lt3A_1187 = arith.constant 0 : i32
      %lt3A_1188 = vector.broadcast %lt3A_1187 : i32 to vector<16xi32>
      %lt3A_1189 = arith.cmpi slt, %shift_left3A_1186, %lt3A_1188 : vector<16xi32>
      %get3A_1190 = arith.constant 208 : index
      %get3A_1191 = tpu.vector_load %arg9[%get3A_1190] {strides = array<i32>} : memref<512xi32, #tpu.memory_space<vmem>>, vector<16xi32>,
      %select_n3A_1192 = arith.select %lt3A_1189, %get3A_1191, %broadcast_in_dim3A_3 : vector<16xi1>, vector<16xi32>
      %min3A_1193 = arith.minsi %min3A_1153, %select_n3A_1192 : vector<16xi32>
      %shift_left3A_1194 = arith.constant 17 : i32
      %shift_left3A_1195 = vector.broadcast %shift_left3A_1194 : i32 to vector<16xi32>
      %shift_left3A_1196 = arith.shli %gather3A_1047, %shift_left3A_1195 : vector<16xi32>
      %lt3A_1197 = arith.constant 0 : i32
      %lt3A_1198 = vector.broadcast %lt3A_1197 : i32 to vector<16xi32>
      %lt3A_1199 = arith.cmpi slt, %shift_left3A_1196, %lt3A_1198 : vector<16xi32>
      %get3A_1200 = arith.constant 224 : index
      %get3A_1201 = tpu.vector_load %arg9[%get3A_1200] {strides = array<i32>} : memref<512xi32, #tpu.memory_space<vmem>>, vector<16xi32>,
      %select_n3A_1202 = arith.select %lt3A_1199, %get3A_1201, %broadcast_in_dim3A_3 : vector<16xi1>, vector<16xi32>
      %min3A_1203 = arith.minsi %min3A_1163, %select_n3A_1202 : vector<16xi32>
      %shift_left3A_1204 = arith.constant 16 : i32
      %shift_left3A_1205 = vector.broadcast %shift_left3A_1204 : i32 to vector<16xi32>
      %shift_left3A_1206 = arith.shli %gather3A_1047, %shift_left3A_1205 : vector<16xi32>
      %lt3A_1207 = arith.constant 0 : i32
      %lt3A_1208 = vector.broadcast %lt3A_1207 : i32 to vector<16xi32>
      %lt3A_1209 = arith.cmpi slt, %shift_left3A_1206, %lt3A_1208 : vector<16xi32>
      %get3A_1210 = arith.constant 240 : index
      %get3A_1211 = tpu.vector_load %arg9[%get3A_1210] {strides = array<i32>} : memref<512xi32, #tpu.memory_space<vmem>>, vector<16xi32>,
      %select_n3A_1212 = arith.select %lt3A_1209, %get3A_1211, %broadcast_in_dim3A_3 : vector<16xi1>, vector<16xi32>
      %min3A_1213 = arith.minsi %min3A_1173, %select_n3A_1212 : vector<16xi32>
      %shift_left3A_1214 = arith.constant 15 : i32
      %shift_left3A_1215 = vector.broadcast %shift_left3A_1214 : i32 to vector<16xi32>
      %shift_left3A_1216 = arith.shli %gather3A_1047, %shift_left3A_1215 : vector<16xi32>
      %lt3A_1217 = arith.constant 0 : i32
      %lt3A_1218 = vector.broadcast %lt3A_1217 : i32 to vector<16xi32>
      %lt3A_1219 = arith.cmpi slt, %shift_left3A_1216, %lt3A_1218 : vector<16xi32>
      %get3A_1220 = arith.constant 256 : index
      %get3A_1221 = tpu.vector_load %arg9[%get3A_1220] {strides = array<i32>} : memref<512xi32, #tpu.memory_space<vmem>>, vector<16xi32>,
      %select_n3A_1222 = arith.select %lt3A_1219, %get3A_1221, %broadcast_in_dim3A_3 : vector<16xi1>, vector<16xi32>
      %min3A_1223 = arith.minsi %min3A_1183, %select_n3A_1222 : vector<16xi32>
      %shift_left3A_1224 = arith.constant 14 : i32
      %shift_left3A_1225 = vector.broadcast %shift_left3A_1224 : i32 to vector<16xi32>
      %shift_left3A_1226 = arith.shli %gather3A_1047, %shift_left3A_1225 : vector<16xi32>
      %lt3A_1227 = arith.constant 0 : i32
      %lt3A_1228 = vector.broadcast %lt3A_1227 : i32 to vector<16xi32>
      %lt3A_1229 = arith.cmpi slt, %shift_left3A_1226, %lt3A_1228 : vector<16xi32>
      %get3A_1230 = arith.constant 272 : index
      %get3A_1231 = tpu.vector_load %arg9[%get3A_1230] {strides = array<i32>} : memref<512xi32, #tpu.memory_space<vmem>>, vector<16xi32>,
      %select_n3A_1232 = arith.select %lt3A_1229, %get3A_1231, %broadcast_in_dim3A_3 : vector<16xi1>, vector<16xi32>
      %min3A_1233 = arith.minsi %min3A_1193, %select_n3A_1232 : vector<16xi32>
      %shift_left3A_1234 = arith.constant 13 : i32
      %shift_left3A_1235 = vector.broadcast %shift_left3A_1234 : i32 to vector<16xi32>
      %shift_left3A_1236 = arith.shli %gather3A_1047, %shift_left3A_1235 : vector<16xi32>
      %lt3A_1237 = arith.constant 0 : i32
      %lt3A_1238 = vector.broadcast %lt3A_1237 : i32 to vector<16xi32>
      %lt3A_1239 = arith.cmpi slt, %shift_left3A_1236, %lt3A_1238 : vector<16xi32>
      %get3A_1240 = arith.constant 288 : index
      %get3A_1241 = tpu.vector_load %arg9[%get3A_1240] {strides = array<i32>} : memref<512xi32, #tpu.memory_space<vmem>>, vector<16xi32>,
      %select_n3A_1242 = arith.select %lt3A_1239, %get3A_1241, %broadcast_in_dim3A_3 : vector<16xi1>, vector<16xi32>
      %min3A_1243 = arith.minsi %min3A_1203, %select_n3A_1242 : vector<16xi32>
      %shift_left3A_1244 = arith.constant 12 : i32
      %shift_left3A_1245 = vector.broadcast %shift_left3A_1244 : i32 to vector<16xi32>
      %shift_left3A_1246 = arith.shli %gather3A_1047, %shift_left3A_1245 : vector<16xi32>
      %lt3A_1247 = arith.constant 0 : i32
      %lt3A_1248 = vector.broadcast %lt3A_1247 : i32 to vector<16xi32>
      %lt3A_1249 = arith.cmpi slt, %shift_left3A_1246, %lt3A_1248 : vector<16xi32>
      %get3A_1250 = arith.constant 304 : index
      %get3A_1251 = tpu.vector_load %arg9[%get3A_1250] {strides = array<i32>} : memref<512xi32, #tpu.memory_space<vmem>>, vector<16xi32>,
      %select_n3A_1252 = arith.select %lt3A_1249, %get3A_1251, %broadcast_in_dim3A_3 : vector<16xi1>, vector<16xi32>
      %min3A_1253 = arith.minsi %min3A_1213, %select_n3A_1252 : vector<16xi32>
      %shift_left3A_1254 = arith.constant 11 : i32
      %shift_left3A_1255 = vector.broadcast %shift_left3A_1254 : i32 to vector<16xi32>
      %shift_left3A_1256 = arith.shli %gather3A_1047, %shift_left3A_1255 : vector<16xi32>
      %lt3A_1257 = arith.constant 0 : i32
      %lt3A_1258 = vector.broadcast %lt3A_1257 : i32 to vector<16xi32>
      %lt3A_1259 = arith.cmpi slt, %shift_left3A_1256, %lt3A_1258 : vector<16xi32>
      %get3A_1260 = arith.constant 320 : index
      %get3A_1261 = tpu.vector_load %arg9[%get3A_1260] {strides = array<i32>} : memref<512xi32, #tpu.memory_space<vmem>>, vector<16xi32>,
      %select_n3A_1262 = arith.select %lt3A_1259, %get3A_1261, %broadcast_in_dim3A_3 : vector<16xi1>, vector<16xi32>
      %min3A_1263 = arith.minsi %min3A_1223, %select_n3A_1262 : vector<16xi32>
      %shift_left3A_1264 = arith.constant 10 : i32
      %shift_left3A_1265 = vector.broadcast %shift_left3A_1264 : i32 to vector<16xi32>
      %shift_left3A_1266 = arith.shli %gather3A_1047, %shift_left3A_1265 : vector<16xi32>
      %lt3A_1267 = arith.constant 0 : i32
      %lt3A_1268 = vector.broadcast %lt3A_1267 : i32 to vector<16xi32>
      %lt3A_1269 = arith.cmpi slt, %shift_left3A_1266, %lt3A_1268 : vector<16xi32>
      %get3A_1270 = arith.constant 336 : index
      %get3A_1271 = tpu.vector_load %arg9[%get3A_1270] {strides = array<i32>} : memref<512xi32, #tpu.memory_space<vmem>>, vector<16xi32>,
      %select_n3A_1272 = arith.select %lt3A_1269, %get3A_1271, %broadcast_in_dim3A_3 : vector<16xi1>, vector<16xi32>
      %min3A_1273 = arith.minsi %min3A_1233, %select_n3A_1272 : vector<16xi32>
      %shift_left3A_1274 = arith.constant 9 : i32
      %shift_left3A_1275 = vector.broadcast %shift_left3A_1274 : i32 to vector<16xi32>
      %shift_left3A_1276 = arith.shli %gather3A_1047, %shift_left3A_1275 : vector<16xi32>
      %lt3A_1277 = arith.constant 0 : i32
      %lt3A_1278 = vector.broadcast %lt3A_1277 : i32 to vector<16xi32>
      %lt3A_1279 = arith.cmpi slt, %shift_left3A_1276, %lt3A_1278 : vector<16xi32>
      %get3A_1280 = arith.constant 352 : index
      %get3A_1281 = tpu.vector_load %arg9[%get3A_1280] {strides = array<i32>} : memref<512xi32, #tpu.memory_space<vmem>>, vector<16xi32>,
      %select_n3A_1282 = arith.select %lt3A_1279, %get3A_1281, %broadcast_in_dim3A_3 : vector<16xi1>, vector<16xi32>
      %min3A_1283 = arith.minsi %min3A_1243, %select_n3A_1282 : vector<16xi32>
      %shift_left3A_1284 = arith.constant 8 : i32
      %shift_left3A_1285 = vector.broadcast %shift_left3A_1284 : i32 to vector<16xi32>
      %shift_left3A_1286 = arith.shli %gather3A_1047, %shift_left3A_1285 : vector<16xi32>
      %lt3A_1287 = arith.constant 0 : i32
      %lt3A_1288 = vector.broadcast %lt3A_1287 : i32 to vector<16xi32>
      %lt3A_1289 = arith.cmpi slt, %shift_left3A_1286, %lt3A_1288 : vector<16xi32>
      %get3A_1290 = arith.constant 368 : index
      %get3A_1291 = tpu.vector_load %arg9[%get3A_1290] {strides = array<i32>} : memref<512xi32, #tpu.memory_space<vmem>>, vector<16xi32>,
      %select_n3A_1292 = arith.select %lt3A_1289, %get3A_1291, %broadcast_in_dim3A_3 : vector<16xi1>, vector<16xi32>
      %min3A_1293 = arith.minsi %min3A_1253, %select_n3A_1292 : vector<16xi32>
      %shift_left3A_1294 = arith.constant 7 : i32
      %shift_left3A_1295 = vector.broadcast %shift_left3A_1294 : i32 to vector<16xi32>
      %shift_left3A_1296 = arith.shli %gather3A_1047, %shift_left3A_1295 : vector<16xi32>
      %lt3A_1297 = arith.constant 0 : i32
      %lt3A_1298 = vector.broadcast %lt3A_1297 : i32 to vector<16xi32>
      %lt3A_1299 = arith.cmpi slt, %shift_left3A_1296, %lt3A_1298 : vector<16xi32>
      %get3A_1300 = arith.constant 384 : index
      %get3A_1301 = tpu.vector_load %arg9[%get3A_1300] {strides = array<i32>} : memref<512xi32, #tpu.memory_space<vmem>>, vector<16xi32>,
      %select_n3A_1302 = arith.select %lt3A_1299, %get3A_1301, %broadcast_in_dim3A_3 : vector<16xi1>, vector<16xi32>
      %min3A_1303 = arith.minsi %min3A_1263, %select_n3A_1302 : vector<16xi32>
      %shift_left3A_1304 = arith.constant 6 : i32
      %shift_left3A_1305 = vector.broadcast %shift_left3A_1304 : i32 to vector<16xi32>
      %shift_left3A_1306 = arith.shli %gather3A_1047, %shift_left3A_1305 : vector<16xi32>
      %lt3A_1307 = arith.constant 0 : i32
      %lt3A_1308 = vector.broadcast %lt3A_1307 : i32 to vector<16xi32>
      %lt3A_1309 = arith.cmpi slt, %shift_left3A_1306, %lt3A_1308 : vector<16xi32>
      %get3A_1310 = arith.constant 400 : index
      %get3A_1311 = tpu.vector_load %arg9[%get3A_1310] {strides = array<i32>} : memref<512xi32, #tpu.memory_space<vmem>>, vector<16xi32>,
      %select_n3A_1312 = arith.select %lt3A_1309, %get3A_1311, %broadcast_in_dim3A_3 : vector<16xi1>, vector<16xi32>
      %min3A_1313 = arith.minsi %min3A_1273, %select_n3A_1312 : vector<16xi32>
      %shift_left3A_1314 = arith.constant 5 : i32
      %shift_left3A_1315 = vector.broadcast %shift_left3A_1314 : i32 to vector<16xi32>
      %shift_left3A_1316 = arith.shli %gather3A_1047, %shift_left3A_1315 : vector<16xi32>
      %lt3A_1317 = arith.constant 0 : i32
      %lt3A_1318 = vector.broadcast %lt3A_1317 : i32 to vector<16xi32>
      %lt3A_1319 = arith.cmpi slt, %shift_left3A_1316, %lt3A_1318 : vector<16xi32>
      %get3A_1320 = arith.constant 416 : index
      %get3A_1321 = tpu.vector_load %arg9[%get3A_1320] {strides = array<i32>} : memref<512xi32, #tpu.memory_space<vmem>>, vector<16xi32>,
      %select_n3A_1322 = arith.select %lt3A_1319, %get3A_1321, %broadcast_in_dim3A_3 : vector<16xi1>, vector<16xi32>
      %min3A_1323 = arith.minsi %min3A_1283, %select_n3A_1322 : vector<16xi32>
      %shift_left3A_1324 = arith.constant 4 : i32
      %shift_left3A_1325 = vector.broadcast %shift_left3A_1324 : i32 to vector<16xi32>
      %shift_left3A_1326 = arith.shli %gather3A_1047, %shift_left3A_1325 : vector<16xi32>
      %lt3A_1327 = arith.constant 0 : i32
      %lt3A_1328 = vector.broadcast %lt3A_1327 : i32 to vector<16xi32>
      %lt3A_1329 = arith.cmpi slt, %shift_left3A_1326, %lt3A_1328 : vector<16xi32>
      %get3A_1330 = arith.constant 432 : index
      %get3A_1331 = tpu.vector_load %arg9[%get3A_1330] {strides = array<i32>} : memref<512xi32, #tpu.memory_space<vmem>>, vector<16xi32>,
      %select_n3A_1332 = arith.select %lt3A_1329, %get3A_1331, %broadcast_in_dim3A_3 : vector<16xi1>, vector<16xi32>
      %min3A_1333 = arith.minsi %min3A_1293, %select_n3A_1332 : vector<16xi32>
      %shift_left3A_1334 = arith.constant 3 : i32
      %shift_left3A_1335 = vector.broadcast %shift_left3A_1334 : i32 to vector<16xi32>
      %shift_left3A_1336 = arith.shli %gather3A_1047, %shift_left3A_1335 : vector<16xi32>
      %lt3A_1337 = arith.constant 0 : i32
      %lt3A_1338 = vector.broadcast %lt3A_1337 : i32 to vector<16xi32>
      %lt3A_1339 = arith.cmpi slt, %shift_left3A_1336, %lt3A_1338 : vector<16xi32>
      %get3A_1340 = arith.constant 448 : index
      %get3A_1341 = tpu.vector_load %arg9[%get3A_1340] {strides = array<i32>} : memref<512xi32, #tpu.memory_space<vmem>>, vector<16xi32>,
      %select_n3A_1342 = arith.select %lt3A_1339, %get3A_1341, %broadcast_in_dim3A_3 : vector<16xi1>, vector<16xi32>
      %min3A_1343 = arith.minsi %min3A_1303, %select_n3A_1342 : vector<16xi32>
      %shift_left3A_1344 = arith.constant 2 : i32
      %shift_left3A_1345 = vector.broadcast %shift_left3A_1344 : i32 to vector<16xi32>
      %shift_left3A_1346 = arith.shli %gather3A_1047, %shift_left3A_1345 : vector<16xi32>
      %lt3A_1347 = arith.constant 0 : i32
      %lt3A_1348 = vector.broadcast %lt3A_1347 : i32 to vector<16xi32>
      %lt3A_1349 = arith.cmpi slt, %shift_left3A_1346, %lt3A_1348 : vector<16xi32>
      %get3A_1350 = arith.constant 464 : index
      %get3A_1351 = tpu.vector_load %arg9[%get3A_1350] {strides = array<i32>} : memref<512xi32, #tpu.memory_space<vmem>>, vector<16xi32>,
      %select_n3A_1352 = arith.select %lt3A_1349, %get3A_1351, %broadcast_in_dim3A_3 : vector<16xi1>, vector<16xi32>
      %min3A_1353 = arith.minsi %min3A_1313, %select_n3A_1352 : vector<16xi32>
      %shift_left3A_1354 = arith.constant 1 : i32
      %shift_left3A_1355 = vector.broadcast %shift_left3A_1354 : i32 to vector<16xi32>
      %shift_left3A_1356 = arith.shli %gather3A_1047, %shift_left3A_1355 : vector<16xi32>
      %lt3A_1357 = arith.constant 0 : i32
      %lt3A_1358 = vector.broadcast %lt3A_1357 : i32 to vector<16xi32>
      %lt3A_1359 = arith.cmpi slt, %shift_left3A_1356, %lt3A_1358 : vector<16xi32>
      %get3A_1360 = arith.constant 480 : index
      %get3A_1361 = tpu.vector_load %arg9[%get3A_1360] {strides = array<i32>} : memref<512xi32, #tpu.memory_space<vmem>>, vector<16xi32>,
      %select_n3A_1362 = arith.select %lt3A_1359, %get3A_1361, %broadcast_in_dim3A_3 : vector<16xi1>, vector<16xi32>
      %min3A_1363 = arith.minsi %min3A_1323, %select_n3A_1362 : vector<16xi32>
      %shift_left3A_1364 = arith.constant 0 : i32
      %shift_left3A_1365 = vector.broadcast %shift_left3A_1364 : i32 to vector<16xi32>
      %shift_left3A_1366 = arith.shli %gather3A_1047, %shift_left3A_1365 : vector<16xi32>
      %lt3A_1367 = arith.constant 0 : i32
      %lt3A_1368 = vector.broadcast %lt3A_1367 : i32 to vector<16xi32>
      %lt3A_1369 = arith.cmpi slt, %shift_left3A_1366, %lt3A_1368 : vector<16xi32>
      %get3A_1370 = arith.constant 496 : index
      %get3A_1371 = tpu.vector_load %arg9[%get3A_1370] {strides = array<i32>} : memref<512xi32, #tpu.memory_space<vmem>>, vector<16xi32>,
      %select_n3A_1372 = arith.select %lt3A_1369, %get3A_1371, %broadcast_in_dim3A_3 : vector<16xi1>, vector<16xi32>
      %min3A_1373 = arith.minsi %min3A_1333, %select_n3A_1372 : vector<16xi32>
      %min3A_1374 = arith.minsi %min3A_1343, %min3A_1353 : vector<16xi32>
      %min3A_1375 = arith.minsi %min3A_1363, %min3A_1373 : vector<16xi32>
      %min3A_1376 = arith.minsi %min3A_1374, %min3A_1375 : vector<16xi32>
      %reduce_min3A_1377 = arith.constant true
      %reduce_min3A_1378 = vector.broadcast %reduce_min3A_1377 : i1 to vector<16xi1>
      %reduce_min3A_1379 = arith.constant -2147483648 : i32
      %reduce_min3A_1380 = vector.broadcast %reduce_min3A_1379 : i32 to vector<16xi32>
      %reduce_min3A_1381 = arith.xori %min3A_1376, %reduce_min3A_1380 : vector<16xi32>
      %reduce_min3A_1382 = tpu.scan <min>, %reduce_min3A_1381 masked %reduce_min3A_1378 : vector<16xi32>, vector<16xi1> -> vector<16xi32>
      %reduce_min3A_1383 = arith.xori %reduce_min3A_1382, %reduce_min3A_1380 : vector<16xi32>
      %reduce_min3A_1384 = vector.extract %reduce_min3A_1383[15] : i32 from vector<16xi32>
      %ne3A_1385 = arith.constant 0 : i32
      %ne3A_1386 = arith.cmpi ne, %squeeze3A_1053, %ne3A_1385 : i32
      %min3A_1387 = arith.constant 512 : i32
      %min3A_1388 = arith.minsi %reduce_min3A_1384, %min3A_1387 : i32
      %select_n3A_1389 = arith.select %ne3A_1386, %min3A_1388, %reduce_min3A_1384 : i32
      %ge3A_1390 = arith.constant 1048576 : i32
      %ge3A_1391 = arith.cmpi sge, %select_n3A_1389, %ge3A_1390 : i32
      %jit3A_1392 = arith.constant 0 : i32
      %select_n3A_1393 = arith.select %ge3A_1391, %jit3A_1392, %select_n3A_1389 : i32
      %and3A_1394 = arith.constant 15 : i32
      %and3A_1395 = arith.andi %scan3A_619, %and3A_1394 : i32
      %eq3A_1396 = vector.broadcast %and3A_1395 : i32 to vector<16xi32>
      %eq3A_1397 = arith.cmpi eq, %iota3A, %eq3A_1396 : vector<16xi32>
      %broadcast_in_dim3A_1398 = vector.broadcast %select_n3A_1393 : i32 to vector<16xi32>
      %select_n3A_1399 = arith.select %eq3A_1397, %broadcast_in_dim3A_1398, %scan3A_621 : vector<16xi1>, vector<16xi32>
      %shift_right_arithmetic3A_1400 = arith.constant 4 : i32
      %shift_right_arithmetic3A_1401 = arith.shrsi %scan3A_619, %shift_right_arithmetic3A_1400 : i32
      %mul3A_1402 = arith.constant 16 : i32
      %mul3A_1403 = arith.muli %shift_right_arithmetic3A_1401, %mul3A_1402 : i32
      %swap3A_1404 = arith.index_cast %mul3A_1403 : i32 to index
      %swap3A_1405 = tpu.vector_load %arg13[%swap3A_1404] {strides = array<i32>} : memref<256xi32, #tpu.memory_space<vmem>>, vector<16xi32>,
      tpu.vector_store %arg13[%swap3A_1404], %select_n3A_1399 {strides = array<i32>} : memref<256xi32, #tpu.memory_space<vmem>>, vector<16xi32>,
      %ge3A_1406 = arith.constant 512 : i32
      %ge3A_1407 = arith.cmpi sge, %select_n3A_1389, %ge3A_1406 : i32
      %jit3A_1408 = arith.constant 0 : i32
      %select_n3A_1409 = arith.select %ge3A_1407, %jit3A_1408, %select_n3A_1389 : i32
      %broadcast_in_dim3A_1410 = vector.broadcast %select_n3A_1409 : i32 to vector<16xi32>
      %gather3A_1411 = tpu.vector_load_idx %arg11[%broadcast_in_dim3A_1410] : memref<512xi32, #tpu.memory_space<vmem>>[vector<16xi32>], vector<16xi32>,
      %slice3A_1412 = vector.extract_strided_slice %gather3A_1411 {offsets = [0], sizes = [1], strides = [1]} : vector<16xi32> to vector<1xi32>
      %squeeze3A_1413 = vector.extract %slice3A_1412[0] : i32 from vector<1xi32>
      %shift_right_logical3A_1414 = arith.constant 5 : i32
      %shift_right_logical3A_1415 = arith.shrui %squeeze3A_1413, %shift_right_logical3A_1414 : i32
      %jit3A_1416 = arith.constant 16 : i32
      %select_n3A_1417 = arith.select %ge3A_1407, %jit3A_1416, %shift_right_logical3A_1415 : i32
      %and3A_1418 = arith.constant 31 : i32
      %and3A_1419 = arith.andi %squeeze3A_1413, %and3A_1418 : i32
      %sub3A_1420 = arith.constant 31 : i32
      %sub3A_1421 = arith.subi %sub3A_1420, %and3A_1419 : i32
      %jit3A_1422 = arith.constant 31 : i32
      %select_n3A_1423 = arith.select %ge3A_1407, %jit3A_1422, %sub3A_1421 : i32
      %broadcast_in_dim3A_1424 = vector.broadcast %select_n3A_1423 : i32 to vector<16xi32>
      %mul3A_1425 = arith.constant 256 : i32
      %mul3A_1426 = arith.muli %select_n3A_1417, %mul3A_1425 : i32
      %slice3A_1427 = vector.extract_strided_slice %gather3A_1047 {offsets = [0], sizes = [1], strides = [1]} : vector<16xi32> to vector<1xi32>
      %squeeze3A_1428 = vector.extract %slice3A_1427[0] : i32 from vector<1xi32>
      %broadcast_in_dim3A_1429 = vector.broadcast %squeeze3A_1428 : i32 to vector<16xi32>
      %slice3A_1430 = vector.extract_strided_slice %gather3A_1047 {offsets = [1], sizes = [1], strides = [1]} : vector<16xi32> to vector<1xi32>
      %squeeze3A_1431 = vector.extract %slice3A_1430[0] : i32 from vector<1xi32>
      %broadcast_in_dim3A_1432 = vector.broadcast %squeeze3A_1431 : i32 to vector<16xi32>
      %slice3A_1433 = vector.extract_strided_slice %gather3A_1047 {offsets = [2], sizes = [1], strides = [1]} : vector<16xi32> to vector<1xi32>
      %squeeze3A_1434 = vector.extract %slice3A_1433[0] : i32 from vector<1xi32>
      %broadcast_in_dim3A_1435 = vector.broadcast %squeeze3A_1434 : i32 to vector<16xi32>
      %slice3A_1436 = vector.extract_strided_slice %gather3A_1047 {offsets = [3], sizes = [1], strides = [1]} : vector<16xi32> to vector<1xi32>
      %squeeze3A_1437 = vector.extract %slice3A_1436[0] : i32 from vector<1xi32>
      %broadcast_in_dim3A_1438 = vector.broadcast %squeeze3A_1437 : i32 to vector<16xi32>
      %slice3A_1439 = vector.extract_strided_slice %gather3A_1047 {offsets = [4], sizes = [1], strides = [1]} : vector<16xi32> to vector<1xi32>
      %squeeze3A_1440 = vector.extract %slice3A_1439[0] : i32 from vector<1xi32>
      %broadcast_in_dim3A_1441 = vector.broadcast %squeeze3A_1440 : i32 to vector<16xi32>
      %slice3A_1442 = vector.extract_strided_slice %gather3A_1047 {offsets = [5], sizes = [1], strides = [1]} : vector<16xi32> to vector<1xi32>
      %squeeze3A_1443 = vector.extract %slice3A_1442[0] : i32 from vector<1xi32>
      %broadcast_in_dim3A_1444 = vector.broadcast %squeeze3A_1443 : i32 to vector<16xi32>
      %slice3A_1445 = vector.extract_strided_slice %gather3A_1047 {offsets = [6], sizes = [1], strides = [1]} : vector<16xi32> to vector<1xi32>
      %squeeze3A_1446 = vector.extract %slice3A_1445[0] : i32 from vector<1xi32>
      %broadcast_in_dim3A_1447 = vector.broadcast %squeeze3A_1446 : i32 to vector<16xi32>
      %slice3A_1448 = vector.extract_strided_slice %gather3A_1047 {offsets = [7], sizes = [1], strides = [1]} : vector<16xi32> to vector<1xi32>
      %squeeze3A_1449 = vector.extract %slice3A_1448[0] : i32 from vector<1xi32>
      %broadcast_in_dim3A_1450 = vector.broadcast %squeeze3A_1449 : i32 to vector<16xi32>
      %slice3A_1451 = vector.extract_strided_slice %gather3A_1047 {offsets = [8], sizes = [1], strides = [1]} : vector<16xi32> to vector<1xi32>
      %squeeze3A_1452 = vector.extract %slice3A_1451[0] : i32 from vector<1xi32>
      %broadcast_in_dim3A_1453 = vector.broadcast %squeeze3A_1452 : i32 to vector<16xi32>
      %slice3A_1454 = vector.extract_strided_slice %gather3A_1047 {offsets = [9], sizes = [1], strides = [1]} : vector<16xi32> to vector<1xi32>
      %squeeze3A_1455 = vector.extract %slice3A_1454[0] : i32 from vector<1xi32>
      %broadcast_in_dim3A_1456 = vector.broadcast %squeeze3A_1455 : i32 to vector<16xi32>
      %slice3A_1457 = vector.extract_strided_slice %gather3A_1047 {offsets = [10], sizes = [1], strides = [1]} : vector<16xi32> to vector<1xi32>
      %squeeze3A_1458 = vector.extract %slice3A_1457[0] : i32 from vector<1xi32>
      %broadcast_in_dim3A_1459 = vector.broadcast %squeeze3A_1458 : i32 to vector<16xi32>
      %slice3A_1460 = vector.extract_strided_slice %gather3A_1047 {offsets = [11], sizes = [1], strides = [1]} : vector<16xi32> to vector<1xi32>
      %squeeze3A_1461 = vector.extract %slice3A_1460[0] : i32 from vector<1xi32>
      %broadcast_in_dim3A_1462 = vector.broadcast %squeeze3A_1461 : i32 to vector<16xi32>
      %slice3A_1463 = vector.extract_strided_slice %gather3A_1047 {offsets = [12], sizes = [1], strides = [1]} : vector<16xi32> to vector<1xi32>
      %squeeze3A_1464 = vector.extract %slice3A_1463[0] : i32 from vector<1xi32>
      %broadcast_in_dim3A_1465 = vector.broadcast %squeeze3A_1464 : i32 to vector<16xi32>
      %slice3A_1466 = vector.extract_strided_slice %gather3A_1047 {offsets = [13], sizes = [1], strides = [1]} : vector<16xi32> to vector<1xi32>
      %squeeze3A_1467 = vector.extract %slice3A_1466[0] : i32 from vector<1xi32>
      %broadcast_in_dim3A_1468 = vector.broadcast %squeeze3A_1467 : i32 to vector<16xi32>
      %slice3A_1469 = vector.extract_strided_slice %gather3A_1047 {offsets = [14], sizes = [1], strides = [1]} : vector<16xi32> to vector<1xi32>
      %squeeze3A_1470 = vector.extract %slice3A_1469[0] : i32 from vector<1xi32>
      %broadcast_in_dim3A_1471 = vector.broadcast %squeeze3A_1470 : i32 to vector<16xi32>
      %slice3A_1472 = vector.extract_strided_slice %gather3A_1047 {offsets = [15], sizes = [1], strides = [1]} : vector<16xi32> to vector<1xi32>
      %squeeze3A_1473 = vector.extract %slice3A_1472[0] : i32 from vector<1xi32>
      %broadcast_in_dim3A_1474 = vector.broadcast %squeeze3A_1473 : i32 to vector<16xi32>
      %broadcast_in_dim3A_1475 = vector.broadcast %squeeze3A_1053 : i32 to vector<16xi32>
      %shift_right_arithmetic3A_1476 = arith.constant 4 : i32
      %shift_right_arithmetic3A_1477 = arith.shrsi %scan3A_619, %shift_right_arithmetic3A_1476 : i32
      %parallel_loop3A_1478 = arith.constant 16 : i32
      %parallel_loop3A_1479 = arith.constant 1 : i32
      scf.for %parallel_loop3A_1480 = %shift_right_arithmetic3A_1477 to %parallel_loop3A_1478 step %parallel_loop3A_1479  : i32 {
        %parallel_loop3A_1481 = arith.constant 16 : i32
        %parallel_loop3A_1482 = arith.muli %parallel_loop3A_1480, %parallel_loop3A_1481 : i32
        %parallel_loop3A_1483 = arith.addi %mul3A_1426, %parallel_loop3A_1482 : i32
        %parallel_loop3A_1484 = arith.index_cast %parallel_loop3A_1483 : i32 to index
        %parallel_loop3A_1485 = tpu.vector_load %arg7[%parallel_loop3A_1484] {strides = array<i32>} : memref<4352xi32, #tpu.memory_space<vmem>>, vector<16xi32>,
        %parallel_loop3A_1486 = arith.shli %parallel_loop3A_1485, %broadcast_in_dim3A_1424 : vector<16xi32>
        %parallel_loop3A_1487 = arith.constant 31 : i32
        %parallel_loop3A_1488 = vector.broadcast %parallel_loop3A_1487 : i32 to vector<16xi32>
        %parallel_loop3A_1489 = arith.shrsi %parallel_loop3A_1486, %parallel_loop3A_1488 : vector<16xi32>
        %parallel_loop3A_1490 = vector.broadcast %parallel_loop3A_1482 : i32 to vector<16xi32>
        %parallel_loop3A_1491 = arith.addi %parallel_loop3A_1490, %iota3A : vector<16xi32>
        %parallel_loop3A_1492 = vector.broadcast %scan3A_619 : i32 to vector<16xi32>
        %parallel_loop3A_1493 = arith.cmpi sgt, %parallel_loop3A_1491, %parallel_loop3A_1492 : vector<16xi32>
        %parallel_loop3A_1494 = arith.constant 0 : i32
        %parallel_loop3A_1495 = vector.broadcast %parallel_loop3A_1494 : i32 to vector<16xi32>
        %parallel_loop3A_1496 = arith.select %parallel_loop3A_1493, %parallel_loop3A_1489, %parallel_loop3A_1495 : vector<16xi1>, vector<16xi32>
        %parallel_loop3A_1497 = arith.constant 0 : i32
        %parallel_loop3A_1498 = arith.addi %parallel_loop3A_1497, %parallel_loop3A_1482 : i32
        %parallel_loop3A_1499 = arith.index_cast %parallel_loop3A_1498 : i32 to index
        %parallel_loop3A_1500 = tpu.vector_load %arg7[%parallel_loop3A_1499] {strides = array<i32>} : memref<4352xi32, #tpu.memory_space<vmem>>, vector<16xi32>,
        %parallel_loop3A_1501 = arith.andi %broadcast_in_dim3A_1429, %parallel_loop3A_1496 : vector<16xi32>
        %parallel_loop3A_1502 = arith.xori %parallel_loop3A_1500, %parallel_loop3A_1501 : vector<16xi32>
        %parallel_loop3A_1503 = arith.constant 0 : i32
        %parallel_loop3A_1504 = arith.addi %parallel_loop3A_1503, %parallel_loop3A_1482 : i32
        %parallel_loop3A_1505 = arith.index_cast %parallel_loop3A_1504 : i32 to index
        %parallel_loop3A_1506 = tpu.vector_load %arg7[%parallel_loop3A_1505] {strides = array<i32>} : memref<4352xi32, #tpu.memory_space<vmem>>, vector<16xi32>,
        tpu.vector_store %arg7[%parallel_loop3A_1505], %parallel_loop3A_1502 {strides = array<i32>} : memref<4352xi32, #tpu.memory_space<vmem>>, vector<16xi32>,
        %parallel_loop3A_1507 = arith.constant 256 : i32
        %parallel_loop3A_1508 = arith.addi %parallel_loop3A_1507, %parallel_loop3A_1482 : i32
        %parallel_loop3A_1509 = arith.index_cast %parallel_loop3A_1508 : i32 to index
        %parallel_loop3A_1510 = tpu.vector_load %arg7[%parallel_loop3A_1509] {strides = array<i32>} : memref<4352xi32, #tpu.memory_space<vmem>>, vector<16xi32>,
        %parallel_loop3A_1511 = arith.andi %broadcast_in_dim3A_1432, %parallel_loop3A_1496 : vector<16xi32>
        %parallel_loop3A_1512 = arith.xori %parallel_loop3A_1510, %parallel_loop3A_1511 : vector<16xi32>
        %parallel_loop3A_1513 = arith.constant 256 : i32
        %parallel_loop3A_1514 = arith.addi %parallel_loop3A_1513, %parallel_loop3A_1482 : i32
        %parallel_loop3A_1515 = arith.index_cast %parallel_loop3A_1514 : i32 to index
        %parallel_loop3A_1516 = tpu.vector_load %arg7[%parallel_loop3A_1515] {strides = array<i32>} : memref<4352xi32, #tpu.memory_space<vmem>>, vector<16xi32>,
        tpu.vector_store %arg7[%parallel_loop3A_1515], %parallel_loop3A_1512 {strides = array<i32>} : memref<4352xi32, #tpu.memory_space<vmem>>, vector<16xi32>,
        %parallel_loop3A_1517 = arith.constant 512 : i32
        %parallel_loop3A_1518 = arith.addi %parallel_loop3A_1517, %parallel_loop3A_1482 : i32
        %parallel_loop3A_1519 = arith.index_cast %parallel_loop3A_1518 : i32 to index
        %parallel_loop3A_1520 = tpu.vector_load %arg7[%parallel_loop3A_1519] {strides = array<i32>} : memref<4352xi32, #tpu.memory_space<vmem>>, vector<16xi32>,
        %parallel_loop3A_1521 = arith.andi %broadcast_in_dim3A_1435, %parallel_loop3A_1496 : vector<16xi32>
        %parallel_loop3A_1522 = arith.xori %parallel_loop3A_1520, %parallel_loop3A_1521 : vector<16xi32>
        %parallel_loop3A_1523 = arith.constant 512 : i32
        %parallel_loop3A_1524 = arith.addi %parallel_loop3A_1523, %parallel_loop3A_1482 : i32
        %parallel_loop3A_1525 = arith.index_cast %parallel_loop3A_1524 : i32 to index
        %parallel_loop3A_1526 = tpu.vector_load %arg7[%parallel_loop3A_1525] {strides = array<i32>} : memref<4352xi32, #tpu.memory_space<vmem>>, vector<16xi32>,
        tpu.vector_store %arg7[%parallel_loop3A_1525], %parallel_loop3A_1522 {strides = array<i32>} : memref<4352xi32, #tpu.memory_space<vmem>>, vector<16xi32>,
        %parallel_loop3A_1527 = arith.constant 768 : i32
        %parallel_loop3A_1528 = arith.addi %parallel_loop3A_1527, %parallel_loop3A_1482 : i32
        %parallel_loop3A_1529 = arith.index_cast %parallel_loop3A_1528 : i32 to index
        %parallel_loop3A_1530 = tpu.vector_load %arg7[%parallel_loop3A_1529] {strides = array<i32>} : memref<4352xi32, #tpu.memory_space<vmem>>, vector<16xi32>,
        %parallel_loop3A_1531 = arith.andi %broadcast_in_dim3A_1438, %parallel_loop3A_1496 : vector<16xi32>
        %parallel_loop3A_1532 = arith.xori %parallel_loop3A_1530, %parallel_loop3A_1531 : vector<16xi32>
        %parallel_loop3A_1533 = arith.constant 768 : i32
        %parallel_loop3A_1534 = arith.addi %parallel_loop3A_1533, %parallel_loop3A_1482 : i32
        %parallel_loop3A_1535 = arith.index_cast %parallel_loop3A_1534 : i32 to index
        %parallel_loop3A_1536 = tpu.vector_load %arg7[%parallel_loop3A_1535] {strides = array<i32>} : memref<4352xi32, #tpu.memory_space<vmem>>, vector<16xi32>,
        tpu.vector_store %arg7[%parallel_loop3A_1535], %parallel_loop3A_1532 {strides = array<i32>} : memref<4352xi32, #tpu.memory_space<vmem>>, vector<16xi32>,
        %parallel_loop3A_1537 = arith.constant 1024 : i32
        %parallel_loop3A_1538 = arith.addi %parallel_loop3A_1537, %parallel_loop3A_1482 : i32
        %parallel_loop3A_1539 = arith.index_cast %parallel_loop3A_1538 : i32 to index
        %parallel_loop3A_1540 = tpu.vector_load %arg7[%parallel_loop3A_1539] {strides = array<i32>} : memref<4352xi32, #tpu.memory_space<vmem>>, vector<16xi32>,
        %parallel_loop3A_1541 = arith.andi %broadcast_in_dim3A_1441, %parallel_loop3A_1496 : vector<16xi32>
        %parallel_loop3A_1542 = arith.xori %parallel_loop3A_1540, %parallel_loop3A_1541 : vector<16xi32>
        %parallel_loop3A_1543 = arith.constant 1024 : i32
        %parallel_loop3A_1544 = arith.addi %parallel_loop3A_1543, %parallel_loop3A_1482 : i32
        %parallel_loop3A_1545 = arith.index_cast %parallel_loop3A_1544 : i32 to index
        %parallel_loop3A_1546 = tpu.vector_load %arg7[%parallel_loop3A_1545] {strides = array<i32>} : memref<4352xi32, #tpu.memory_space<vmem>>, vector<16xi32>,
        tpu.vector_store %arg7[%parallel_loop3A_1545], %parallel_loop3A_1542 {strides = array<i32>} : memref<4352xi32, #tpu.memory_space<vmem>>, vector<16xi32>,
        %parallel_loop3A_1547 = arith.constant 1280 : i32
        %parallel_loop3A_1548 = arith.addi %parallel_loop3A_1547, %parallel_loop3A_1482 : i32
        %parallel_loop3A_1549 = arith.index_cast %parallel_loop3A_1548 : i32 to index
        %parallel_loop3A_1550 = tpu.vector_load %arg7[%parallel_loop3A_1549] {strides = array<i32>} : memref<4352xi32, #tpu.memory_space<vmem>>, vector<16xi32>,
        %parallel_loop3A_1551 = arith.andi %broadcast_in_dim3A_1444, %parallel_loop3A_1496 : vector<16xi32>
        %parallel_loop3A_1552 = arith.xori %parallel_loop3A_1550, %parallel_loop3A_1551 : vector<16xi32>
        %parallel_loop3A_1553 = arith.constant 1280 : i32
        %parallel_loop3A_1554 = arith.addi %parallel_loop3A_1553, %parallel_loop3A_1482 : i32
        %parallel_loop3A_1555 = arith.index_cast %parallel_loop3A_1554 : i32 to index
        %parallel_loop3A_1556 = tpu.vector_load %arg7[%parallel_loop3A_1555] {strides = array<i32>} : memref<4352xi32, #tpu.memory_space<vmem>>, vector<16xi32>,
        tpu.vector_store %arg7[%parallel_loop3A_1555], %parallel_loop3A_1552 {strides = array<i32>} : memref<4352xi32, #tpu.memory_space<vmem>>, vector<16xi32>,
        %parallel_loop3A_1557 = arith.constant 1536 : i32
        %parallel_loop3A_1558 = arith.addi %parallel_loop3A_1557, %parallel_loop3A_1482 : i32
        %parallel_loop3A_1559 = arith.index_cast %parallel_loop3A_1558 : i32 to index
        %parallel_loop3A_1560 = tpu.vector_load %arg7[%parallel_loop3A_1559] {strides = array<i32>} : memref<4352xi32, #tpu.memory_space<vmem>>, vector<16xi32>,
        %parallel_loop3A_1561 = arith.andi %broadcast_in_dim3A_1447, %parallel_loop3A_1496 : vector<16xi32>
        %parallel_loop3A_1562 = arith.xori %parallel_loop3A_1560, %parallel_loop3A_1561 : vector<16xi32>
        %parallel_loop3A_1563 = arith.constant 1536 : i32
        %parallel_loop3A_1564 = arith.addi %parallel_loop3A_1563, %parallel_loop3A_1482 : i32
        %parallel_loop3A_1565 = arith.index_cast %parallel_loop3A_1564 : i32 to index
        %parallel_loop3A_1566 = tpu.vector_load %arg7[%parallel_loop3A_1565] {strides = array<i32>} : memref<4352xi32, #tpu.memory_space<vmem>>, vector<16xi32>,
        tpu.vector_store %arg7[%parallel_loop3A_1565], %parallel_loop3A_1562 {strides = array<i32>} : memref<4352xi32, #tpu.memory_space<vmem>>, vector<16xi32>,
        %parallel_loop3A_1567 = arith.constant 1792 : i32
        %parallel_loop3A_1568 = arith.addi %parallel_loop3A_1567, %parallel_loop3A_1482 : i32
        %parallel_loop3A_1569 = arith.index_cast %parallel_loop3A_1568 : i32 to index
        %parallel_loop3A_1570 = tpu.vector_load %arg7[%parallel_loop3A_1569] {strides = array<i32>} : memref<4352xi32, #tpu.memory_space<vmem>>, vector<16xi32>,
        %parallel_loop3A_1571 = arith.andi %broadcast_in_dim3A_1450, %parallel_loop3A_1496 : vector<16xi32>
        %parallel_loop3A_1572 = arith.xori %parallel_loop3A_1570, %parallel_loop3A_1571 : vector<16xi32>
        %parallel_loop3A_1573 = arith.constant 1792 : i32
        %parallel_loop3A_1574 = arith.addi %parallel_loop3A_1573, %parallel_loop3A_1482 : i32
        %parallel_loop3A_1575 = arith.index_cast %parallel_loop3A_1574 : i32 to index
        %parallel_loop3A_1576 = tpu.vector_load %arg7[%parallel_loop3A_1575] {strides = array<i32>} : memref<4352xi32, #tpu.memory_space<vmem>>, vector<16xi32>,
        tpu.vector_store %arg7[%parallel_loop3A_1575], %parallel_loop3A_1572 {strides = array<i32>} : memref<4352xi32, #tpu.memory_space<vmem>>, vector<16xi32>,
        %parallel_loop3A_1577 = arith.constant 2048 : i32
        %parallel_loop3A_1578 = arith.addi %parallel_loop3A_1577, %parallel_loop3A_1482 : i32
        %parallel_loop3A_1579 = arith.index_cast %parallel_loop3A_1578 : i32 to index
        %parallel_loop3A_1580 = tpu.vector_load %arg7[%parallel_loop3A_1579] {strides = array<i32>} : memref<4352xi32, #tpu.memory_space<vmem>>, vector<16xi32>,
        %parallel_loop3A_1581 = arith.andi %broadcast_in_dim3A_1453, %parallel_loop3A_1496 : vector<16xi32>
        %parallel_loop3A_1582 = arith.xori %parallel_loop3A_1580, %parallel_loop3A_1581 : vector<16xi32>
        %parallel_loop3A_1583 = arith.constant 2048 : i32
        %parallel_loop3A_1584 = arith.addi %parallel_loop3A_1583, %parallel_loop3A_1482 : i32
        %parallel_loop3A_1585 = arith.index_cast %parallel_loop3A_1584 : i32 to index
        %parallel_loop3A_1586 = tpu.vector_load %arg7[%parallel_loop3A_1585] {strides = array<i32>} : memref<4352xi32, #tpu.memory_space<vmem>>, vector<16xi32>,
        tpu.vector_store %arg7[%parallel_loop3A_1585], %parallel_loop3A_1582 {strides = array<i32>} : memref<4352xi32, #tpu.memory_space<vmem>>, vector<16xi32>,
        %parallel_loop3A_1587 = arith.constant 2304 : i32
        %parallel_loop3A_1588 = arith.addi %parallel_loop3A_1587, %parallel_loop3A_1482 : i32
        %parallel_loop3A_1589 = arith.index_cast %parallel_loop3A_1588 : i32 to index
        %parallel_loop3A_1590 = tpu.vector_load %arg7[%parallel_loop3A_1589] {strides = array<i32>} : memref<4352xi32, #tpu.memory_space<vmem>>, vector<16xi32>,
        %parallel_loop3A_1591 = arith.andi %broadcast_in_dim3A_1456, %parallel_loop3A_1496 : vector<16xi32>
        %parallel_loop3A_1592 = arith.xori %parallel_loop3A_1590, %parallel_loop3A_1591 : vector<16xi32>
        %parallel_loop3A_1593 = arith.constant 2304 : i32
        %parallel_loop3A_1594 = arith.addi %parallel_loop3A_1593, %parallel_loop3A_1482 : i32
        %parallel_loop3A_1595 = arith.index_cast %parallel_loop3A_1594 : i32 to index
        %parallel_loop3A_1596 = tpu.vector_load %arg7[%parallel_loop3A_1595] {strides = array<i32>} : memref<4352xi32, #tpu.memory_space<vmem>>, vector<16xi32>,
        tpu.vector_store %arg7[%parallel_loop3A_1595], %parallel_loop3A_1592 {strides = array<i32>} : memref<4352xi32, #tpu.memory_space<vmem>>, vector<16xi32>,
        %parallel_loop3A_1597 = arith.constant 2560 : i32
        %parallel_loop3A_1598 = arith.addi %parallel_loop3A_1597, %parallel_loop3A_1482 : i32
        %parallel_loop3A_1599 = arith.index_cast %parallel_loop3A_1598 : i32 to index
        %parallel_loop3A_1600 = tpu.vector_load %arg7[%parallel_loop3A_1599] {strides = array<i32>} : memref<4352xi32, #tpu.memory_space<vmem>>, vector<16xi32>,
        %parallel_loop3A_1601 = arith.andi %broadcast_in_dim3A_1459, %parallel_loop3A_1496 : vector<16xi32>
        %parallel_loop3A_1602 = arith.xori %parallel_loop3A_1600, %parallel_loop3A_1601 : vector<16xi32>
        %parallel_loop3A_1603 = arith.constant 2560 : i32
        %parallel_loop3A_1604 = arith.addi %parallel_loop3A_1603, %parallel_loop3A_1482 : i32
        %parallel_loop3A_1605 = arith.index_cast %parallel_loop3A_1604 : i32 to index
        %parallel_loop3A_1606 = tpu.vector_load %arg7[%parallel_loop3A_1605] {strides = array<i32>} : memref<4352xi32, #tpu.memory_space<vmem>>, vector<16xi32>,
        tpu.vector_store %arg7[%parallel_loop3A_1605], %parallel_loop3A_1602 {strides = array<i32>} : memref<4352xi32, #tpu.memory_space<vmem>>, vector<16xi32>,
        %parallel_loop3A_1607 = arith.constant 2816 : i32
        %parallel_loop3A_1608 = arith.addi %parallel_loop3A_1607, %parallel_loop3A_1482 : i32
        %parallel_loop3A_1609 = arith.index_cast %parallel_loop3A_1608 : i32 to index
        %parallel_loop3A_1610 = tpu.vector_load %arg7[%parallel_loop3A_1609] {strides = array<i32>} : memref<4352xi32, #tpu.memory_space<vmem>>, vector<16xi32>,
        %parallel_loop3A_1611 = arith.andi %broadcast_in_dim3A_1462, %parallel_loop3A_1496 : vector<16xi32>
        %parallel_loop3A_1612 = arith.xori %parallel_loop3A_1610, %parallel_loop3A_1611 : vector<16xi32>
        %parallel_loop3A_1613 = arith.constant 2816 : i32
        %parallel_loop3A_1614 = arith.addi %parallel_loop3A_1613, %parallel_loop3A_1482 : i32
        %parallel_loop3A_1615 = arith.index_cast %parallel_loop3A_1614 : i32 to index
        %parallel_loop3A_1616 = tpu.vector_load %arg7[%parallel_loop3A_1615] {strides = array<i32>} : memref<4352xi32, #tpu.memory_space<vmem>>, vector<16xi32>,
        tpu.vector_store %arg7[%parallel_loop3A_1615], %parallel_loop3A_1612 {strides = array<i32>} : memref<4352xi32, #tpu.memory_space<vmem>>, vector<16xi32>,
        %parallel_loop3A_1617 = arith.constant 3072 : i32
        %parallel_loop3A_1618 = arith.addi %parallel_loop3A_1617, %parallel_loop3A_1482 : i32
        %parallel_loop3A_1619 = arith.index_cast %parallel_loop3A_1618 : i32 to index
        %parallel_loop3A_1620 = tpu.vector_load %arg7[%parallel_loop3A_1619] {strides = array<i32>} : memref<4352xi32, #tpu.memory_space<vmem>>, vector<16xi32>,
        %parallel_loop3A_1621 = arith.andi %broadcast_in_dim3A_1465, %parallel_loop3A_1496 : vector<16xi32>
        %parallel_loop3A_1622 = arith.xori %parallel_loop3A_1620, %parallel_loop3A_1621 : vector<16xi32>
        %parallel_loop3A_1623 = arith.constant 3072 : i32
        %parallel_loop3A_1624 = arith.addi %parallel_loop3A_1623, %parallel_loop3A_1482 : i32
        %parallel_loop3A_1625 = arith.index_cast %parallel_loop3A_1624 : i32 to index
        %parallel_loop3A_1626 = tpu.vector_load %arg7[%parallel_loop3A_1625] {strides = array<i32>} : memref<4352xi32, #tpu.memory_space<vmem>>, vector<16xi32>,
        tpu.vector_store %arg7[%parallel_loop3A_1625], %parallel_loop3A_1622 {strides = array<i32>} : memref<4352xi32, #tpu.memory_space<vmem>>, vector<16xi32>,
        %parallel_loop3A_1627 = arith.constant 3328 : i32
        %parallel_loop3A_1628 = arith.addi %parallel_loop3A_1627, %parallel_loop3A_1482 : i32
        %parallel_loop3A_1629 = arith.index_cast %parallel_loop3A_1628 : i32 to index
        %parallel_loop3A_1630 = tpu.vector_load %arg7[%parallel_loop3A_1629] {strides = array<i32>} : memref<4352xi32, #tpu.memory_space<vmem>>, vector<16xi32>,
        %parallel_loop3A_1631 = arith.andi %broadcast_in_dim3A_1468, %parallel_loop3A_1496 : vector<16xi32>
        %parallel_loop3A_1632 = arith.xori %parallel_loop3A_1630, %parallel_loop3A_1631 : vector<16xi32>
        %parallel_loop3A_1633 = arith.constant 3328 : i32
        %parallel_loop3A_1634 = arith.addi %parallel_loop3A_1633, %parallel_loop3A_1482 : i32
        %parallel_loop3A_1635 = arith.index_cast %parallel_loop3A_1634 : i32 to index
        %parallel_loop3A_1636 = tpu.vector_load %arg7[%parallel_loop3A_1635] {strides = array<i32>} : memref<4352xi32, #tpu.memory_space<vmem>>, vector<16xi32>,
        tpu.vector_store %arg7[%parallel_loop3A_1635], %parallel_loop3A_1632 {strides = array<i32>} : memref<4352xi32, #tpu.memory_space<vmem>>, vector<16xi32>,
        %parallel_loop3A_1637 = arith.constant 3584 : i32
        %parallel_loop3A_1638 = arith.addi %parallel_loop3A_1637, %parallel_loop3A_1482 : i32
        %parallel_loop3A_1639 = arith.index_cast %parallel_loop3A_1638 : i32 to index
        %parallel_loop3A_1640 = tpu.vector_load %arg7[%parallel_loop3A_1639] {strides = array<i32>} : memref<4352xi32, #tpu.memory_space<vmem>>, vector<16xi32>,
        %parallel_loop3A_1641 = arith.andi %broadcast_in_dim3A_1471, %parallel_loop3A_1496 : vector<16xi32>
        %parallel_loop3A_1642 = arith.xori %parallel_loop3A_1640, %parallel_loop3A_1641 : vector<16xi32>
        %parallel_loop3A_1643 = arith.constant 3584 : i32
        %parallel_loop3A_1644 = arith.addi %parallel_loop3A_1643, %parallel_loop3A_1482 : i32
        %parallel_loop3A_1645 = arith.index_cast %parallel_loop3A_1644 : i32 to index
        %parallel_loop3A_1646 = tpu.vector_load %arg7[%parallel_loop3A_1645] {strides = array<i32>} : memref<4352xi32, #tpu.memory_space<vmem>>, vector<16xi32>,
        tpu.vector_store %arg7[%parallel_loop3A_1645], %parallel_loop3A_1642 {strides = array<i32>} : memref<4352xi32, #tpu.memory_space<vmem>>, vector<16xi32>,
        %parallel_loop3A_1647 = arith.constant 3840 : i32
        %parallel_loop3A_1648 = arith.addi %parallel_loop3A_1647, %parallel_loop3A_1482 : i32
        %parallel_loop3A_1649 = arith.index_cast %parallel_loop3A_1648 : i32 to index
        %parallel_loop3A_1650 = tpu.vector_load %arg7[%parallel_loop3A_1649] {strides = array<i32>} : memref<4352xi32, #tpu.memory_space<vmem>>, vector<16xi32>,
        %parallel_loop3A_1651 = arith.andi %broadcast_in_dim3A_1474, %parallel_loop3A_1496 : vector<16xi32>
        %parallel_loop3A_1652 = arith.xori %parallel_loop3A_1650, %parallel_loop3A_1651 : vector<16xi32>
        %parallel_loop3A_1653 = arith.constant 3840 : i32
        %parallel_loop3A_1654 = arith.addi %parallel_loop3A_1653, %parallel_loop3A_1482 : i32
        %parallel_loop3A_1655 = arith.index_cast %parallel_loop3A_1654 : i32 to index
        %parallel_loop3A_1656 = tpu.vector_load %arg7[%parallel_loop3A_1655] {strides = array<i32>} : memref<4352xi32, #tpu.memory_space<vmem>>, vector<16xi32>,
        tpu.vector_store %arg7[%parallel_loop3A_1655], %parallel_loop3A_1652 {strides = array<i32>} : memref<4352xi32, #tpu.memory_space<vmem>>, vector<16xi32>,
        %parallel_loop3A_1657 = arith.constant 4096 : i32
        %parallel_loop3A_1658 = arith.addi %parallel_loop3A_1657, %parallel_loop3A_1482 : i32
        %parallel_loop3A_1659 = arith.index_cast %parallel_loop3A_1658 : i32 to index
        %parallel_loop3A_1660 = tpu.vector_load %arg7[%parallel_loop3A_1659] {strides = array<i32>} : memref<4352xi32, #tpu.memory_space<vmem>>, vector<16xi32>,
        %parallel_loop3A_1661 = arith.andi %broadcast_in_dim3A_1475, %parallel_loop3A_1496 : vector<16xi32>
        %parallel_loop3A_1662 = arith.xori %parallel_loop3A_1660, %parallel_loop3A_1661 : vector<16xi32>
        %parallel_loop3A_1663 = arith.constant 4096 : i32
        %parallel_loop3A_1664 = arith.addi %parallel_loop3A_1663, %parallel_loop3A_1482 : i32
        %parallel_loop3A_1665 = arith.index_cast %parallel_loop3A_1664 : i32 to index
        %parallel_loop3A_1666 = tpu.vector_load %arg7[%parallel_loop3A_1665] {strides = array<i32>} : memref<4352xi32, #tpu.memory_space<vmem>>, vector<16xi32>,
        tpu.vector_store %arg7[%parallel_loop3A_1665], %parallel_loop3A_1662 {strides = array<i32>} : memref<4352xi32, #tpu.memory_space<vmem>>, vector<16xi32>,
      } {sc.loop_unroll_factor = 1 : i64, sc.parallel_access}
      scf.yield %select_n3A_968, %select_n3A_1399 : vector<16xi32>, vector<16xi32>
    }
    %scan3A_31 = arith.constant 256 : i32
    %scan3A_32 = arith.constant 0 : i32
    %scan3A_33 = arith.constant 0 : i32
    %scan3A_34 = arith.constant 256 : i32
    %scan3A_35 = arith.addi %scan3A_33, %scan3A_34 : i32
    %scan3A_36 = arith.constant 1 : i32
    scf.for %scan3A_619 = %scan3A_33 to %scan3A_35 step %scan3A_36  : i32 {
      %sub3A = arith.constant 255 : i32
      %sub3A_620 = arith.subi %sub3A, %scan3A_619 : i32
      %broadcast_in_dim3A_621 = vector.broadcast %sub3A_620 : i32 to vector<16xi32>
      %gather3A_622 = tpu.vector_load_idx %arg12[%broadcast_in_dim3A_621] : memref<256xi32, #tpu.memory_space<vmem>>[vector<16xi32>], vector<16xi32>,
      %slice3A = vector.extract_strided_slice %gather3A_622 {offsets = [0], sizes = [1], strides = [1]} : vector<16xi32> to vector<1xi32>
      %squeeze3A = vector.extract %slice3A[0] : i32 from vector<1xi32>
      %add3A_623 = arith.constant 4096 : i32
      %add3A_624 = arith.addi %add3A_623, %sub3A_620 : i32
      %broadcast_in_dim3A_625 = vector.broadcast %add3A_624 : i32 to vector<16xi32>
      %gather3A_626 = tpu.vector_load_idx %arg6[%broadcast_in_dim3A_625] : memref<4352xi32, #tpu.memory_space<vmem>>[vector<16xi32>], vector<16xi32>,
      %slice3A_627 = vector.extract_strided_slice %gather3A_626 {offsets = [0], sizes = [1], strides = [1]} : vector<16xi32> to vector<1xi32>
      %squeeze3A_628 = vector.extract %slice3A_627[0] : i32 from vector<1xi32>
      %ge3A = arith.constant 512 : i32
      %ge3A_629 = arith.cmpi sge, %squeeze3A, %ge3A : i32
      %jit3A_630 = arith.constant 0 : i32
      %select_n3A_631 = arith.select %ge3A_629, %jit3A_630, %squeeze3A : i32
      %broadcast_in_dim3A_632 = vector.broadcast %select_n3A_631 : i32 to vector<16xi32>
      %gather3A_633 = tpu.vector_load_idx %arg10[%broadcast_in_dim3A_632] : memref<512xi32, #tpu.memory_space<vmem>>[vector<16xi32>], vector<16xi32>,
      %slice3A_634 = vector.extract_strided_slice %gather3A_633 {offsets = [0], sizes = [1], strides = [1]} : vector<16xi32> to vector<1xi32>
      %squeeze3A_635 = vector.extract %slice3A_634[0] : i32 from vector<1xi32>
      %shift_right_logical3A = arith.constant 5 : i32
      %shift_right_logical3A_636 = arith.shrui %squeeze3A_635, %shift_right_logical3A : i32
      %jit3A_637 = arith.constant 16 : i32
      %select_n3A_638 = arith.select %ge3A_629, %jit3A_637, %shift_right_logical3A_636 : i32
      %and3A_639 = arith.constant 31 : i32
      %and3A_640 = arith.andi %squeeze3A_635, %and3A_639 : i32
      %sub3A_641 = arith.constant 31 : i32
      %sub3A_642 = arith.subi %sub3A_641, %and3A_640 : i32
      %jit3A_643 = arith.constant 31 : i32
      %select_n3A_644 = arith.select %ge3A_629, %jit3A_643, %sub3A_642 : i32
      %broadcast_in_dim3A_645 = vector.broadcast %select_n3A_644 : i32 to vector<16xi32>
      %mul3A_646 = arith.constant 256 : i32
      %mul3A_647 = arith.muli %select_n3A_638, %mul3A_646 : i32
      %and3A_648 = arith.constant 1 : i32
      %and3A_649 = arith.andi %squeeze3A_628, %and3A_648 : i32
      %ne3A = arith.constant 0 : i32
      %ne3A_650 = arith.cmpi ne, %and3A_649, %ne3A : i32
      %convert_element_type3A = arith.extui %ne3A_650 : i1 to i32
      %cond3A = arith.constant 0 : i32
      %cond3A_651 = arith.cmpi ne, %convert_element_type3A, %cond3A : i32
      scf.if %cond3A_651 {
        %shift_right_arithmetic3A = arith.constant 4 : i32
        %shift_right_arithmetic3A_690 = arith.shrsi %sub3A_620, %shift_right_arithmetic3A : i32
        %add3A_691 = arith.constant 1 : i32
        %add3A_692 = arith.addi %shift_right_arithmetic3A_690, %add3A_691 : i32
        %parallel_loop3A = arith.constant 0 : i32
        %parallel_loop3A_693 = arith.constant 1 : i32
        scf.for %parallel_loop3A_694 = %parallel_loop3A to %add3A_692 step %parallel_loop3A_693  : i32 {
          %parallel_loop3A_695 = arith.constant 16 : i32
          %parallel_loop3A_696 = arith.muli %parallel_loop3A_694, %parallel_loop3A_695 : i32
          %parallel_loop3A_697 = arith.addi %mul3A_647, %parallel_loop3A_696 : i32
          %parallel_loop3A_698 = arith.index_cast %parallel_loop3A_697 : i32 to index
          %parallel_loop3A_699 = tpu.vector_load %arg6[%parallel_loop3A_698] {strides = array<i32>} : memref<4352xi32, #tpu.memory_space<vmem>>, vector<16xi32>,
          %parallel_loop3A_700 = arith.shli %parallel_loop3A_699, %broadcast_in_dim3A_645 : vector<16xi32>
          %parallel_loop3A_701 = arith.constant 31 : i32
          %parallel_loop3A_702 = vector.broadcast %parallel_loop3A_701 : i32 to vector<16xi32>
          %parallel_loop3A_703 = arith.shrsi %parallel_loop3A_700, %parallel_loop3A_702 : vector<16xi32>
          %parallel_loop3A_704 = vector.broadcast %parallel_loop3A_696 : i32 to vector<16xi32>
          %parallel_loop3A_705 = arith.addi %parallel_loop3A_704, %iota3A : vector<16xi32>
          %parallel_loop3A_706 = vector.broadcast %sub3A_620 : i32 to vector<16xi32>
          %parallel_loop3A_707 = arith.cmpi slt, %parallel_loop3A_705, %parallel_loop3A_706 : vector<16xi32>
          %parallel_loop3A_708 = arith.constant 0 : i32
          %parallel_loop3A_709 = vector.broadcast %parallel_loop3A_708 : i32 to vector<16xi32>
          %parallel_loop3A_710 = arith.select %parallel_loop3A_707, %parallel_loop3A_703, %parallel_loop3A_709 : vector<16xi1>, vector<16xi32>
          %parallel_loop3A_711 = arith.constant 1 : i32
          %parallel_loop3A_712 = vector.broadcast %parallel_loop3A_711 : i32 to vector<16xi32>
          %parallel_loop3A_713 = arith.andi %parallel_loop3A_710, %parallel_loop3A_712 : vector<16xi32>
          %parallel_loop3A_714 = arith.constant 4096 : i32
          %parallel_loop3A_715 = arith.addi %parallel_loop3A_714, %parallel_loop3A_696 : i32
          %parallel_loop3A_716 = arith.index_cast %parallel_loop3A_715 : i32 to index
          %parallel_loop3A_717 = tpu.vector_load %arg6[%parallel_loop3A_716] {strides = array<i32>} : memref<4352xi32, #tpu.memory_space<vmem>>, vector<16xi32>,
          %parallel_loop3A_718 = arith.xori %parallel_loop3A_717, %parallel_loop3A_713 : vector<16xi32>
          %parallel_loop3A_719 = arith.constant 4096 : i32
          %parallel_loop3A_720 = arith.addi %parallel_loop3A_719, %parallel_loop3A_696 : i32
          %parallel_loop3A_721 = arith.index_cast %parallel_loop3A_720 : i32 to index
          %parallel_loop3A_722 = tpu.vector_load %arg6[%parallel_loop3A_721] {strides = array<i32>} : memref<4352xi32, #tpu.memory_space<vmem>>, vector<16xi32>,
          tpu.vector_store %arg6[%parallel_loop3A_721], %parallel_loop3A_718 {strides = array<i32>} : memref<4352xi32, #tpu.memory_space<vmem>>, vector<16xi32>,
        } {sc.loop_unroll_factor = 1 : i64, sc.parallel_access}
      } else {
      }
      %broadcast_in_dim3A_652 = vector.broadcast %sub3A_620 : i32 to vector<16xi32>
      %gather3A_653 = tpu.vector_load_idx %arg13[%broadcast_in_dim3A_652] : memref<256xi32, #tpu.memory_space<vmem>>[vector<16xi32>], vector<16xi32>,
      %slice3A_654 = vector.extract_strided_slice %gather3A_653 {offsets = [0], sizes = [1], strides = [1]} : vector<16xi32> to vector<1xi32>
      %squeeze3A_655 = vector.extract %slice3A_654[0] : i32 from vector<1xi32>
      %add3A_656 = arith.constant 4096 : i32
      %add3A_657 = arith.addi %add3A_656, %sub3A_620 : i32
      %broadcast_in_dim3A_658 = vector.broadcast %add3A_657 : i32 to vector<16xi32>
      %gather3A_659 = tpu.vector_load_idx %arg7[%broadcast_in_dim3A_658] : memref<4352xi32, #tpu.memory_space<vmem>>[vector<16xi32>], vector<16xi32>,
      %slice3A_660 = vector.extract_strided_slice %gather3A_659 {offsets = [0], sizes = [1], strides = [1]} : vector<16xi32> to vector<1xi32>
      %squeeze3A_661 = vector.extract %slice3A_660[0] : i32 from vector<1xi32>
      %ge3A_662 = arith.constant 512 : i32
      %ge3A_663 = arith.cmpi sge, %squeeze3A_655, %ge3A_662 : i32
      %jit3A_664 = arith.constant 0 : i32
      %select_n3A_665 = arith.select %ge3A_663, %jit3A_664, %squeeze3A_655 : i32
      %broadcast_in_dim3A_666 = vector.broadcast %select_n3A_665 : i32 to vector<16xi32>
      %gather3A_667 = tpu.vector_load_idx %arg11[%broadcast_in_dim3A_666] : memref<512xi32, #tpu.memory_space<vmem>>[vector<16xi32>], vector<16xi32>,
      %slice3A_668 = vector.extract_strided_slice %gather3A_667 {offsets = [0], sizes = [1], strides = [1]} : vector<16xi32> to vector<1xi32>
      %squeeze3A_669 = vector.extract %slice3A_668[0] : i32 from vector<1xi32>
      %shift_right_logical3A_670 = arith.constant 5 : i32
      %shift_right_logical3A_671 = arith.shrui %squeeze3A_669, %shift_right_logical3A_670 : i32
      %jit3A_672 = arith.constant 16 : i32
      %select_n3A_673 = arith.select %ge3A_663, %jit3A_672, %shift_right_logical3A_671 : i32
      %and3A_674 = arith.constant 31 : i32
      %and3A_675 = arith.andi %squeeze3A_669, %and3A_674 : i32
      %sub3A_676 = arith.constant 31 : i32
      %sub3A_677 = arith.subi %sub3A_676, %and3A_675 : i32
      %jit3A_678 = arith.constant 31 : i32
      %select_n3A_679 = arith.select %ge3A_663, %jit3A_678, %sub3A_677 : i32
      %broadcast_in_dim3A_680 = vector.broadcast %select_n3A_679 : i32 to vector<16xi32>
      %mul3A_681 = arith.constant 256 : i32
      %mul3A_682 = arith.muli %select_n3A_673, %mul3A_681 : i32
      %and3A_683 = arith.constant 1 : i32
      %and3A_684 = arith.andi %squeeze3A_661, %and3A_683 : i32
      %ne3A_685 = arith.constant 0 : i32
      %ne3A_686 = arith.cmpi ne, %and3A_684, %ne3A_685 : i32
      %convert_element_type3A_687 = arith.extui %ne3A_686 : i1 to i32
      %cond3A_688 = arith.constant 0 : i32
      %cond3A_689 = arith.cmpi ne, %convert_element_type3A_687, %cond3A_688 : i32
      scf.if %cond3A_689 {
        %shift_right_arithmetic3A = arith.constant 4 : i32
        %shift_right_arithmetic3A_690 = arith.shrsi %sub3A_620, %shift_right_arithmetic3A : i32
        %add3A_691 = arith.constant 1 : i32
        %add3A_692 = arith.addi %shift_right_arithmetic3A_690, %add3A_691 : i32
        %parallel_loop3A = arith.constant 0 : i32
        %parallel_loop3A_693 = arith.constant 1 : i32
        scf.for %parallel_loop3A_694 = %parallel_loop3A to %add3A_692 step %parallel_loop3A_693  : i32 {
          %parallel_loop3A_695 = arith.constant 16 : i32
          %parallel_loop3A_696 = arith.muli %parallel_loop3A_694, %parallel_loop3A_695 : i32
          %parallel_loop3A_697 = arith.addi %mul3A_682, %parallel_loop3A_696 : i32
          %parallel_loop3A_698 = arith.index_cast %parallel_loop3A_697 : i32 to index
          %parallel_loop3A_699 = tpu.vector_load %arg7[%parallel_loop3A_698] {strides = array<i32>} : memref<4352xi32, #tpu.memory_space<vmem>>, vector<16xi32>,
          %parallel_loop3A_700 = arith.shli %parallel_loop3A_699, %broadcast_in_dim3A_680 : vector<16xi32>
          %parallel_loop3A_701 = arith.constant 31 : i32
          %parallel_loop3A_702 = vector.broadcast %parallel_loop3A_701 : i32 to vector<16xi32>
          %parallel_loop3A_703 = arith.shrsi %parallel_loop3A_700, %parallel_loop3A_702 : vector<16xi32>
          %parallel_loop3A_704 = vector.broadcast %parallel_loop3A_696 : i32 to vector<16xi32>
          %parallel_loop3A_705 = arith.addi %parallel_loop3A_704, %iota3A : vector<16xi32>
          %parallel_loop3A_706 = vector.broadcast %sub3A_620 : i32 to vector<16xi32>
          %parallel_loop3A_707 = arith.cmpi slt, %parallel_loop3A_705, %parallel_loop3A_706 : vector<16xi32>
          %parallel_loop3A_708 = arith.constant 0 : i32
          %parallel_loop3A_709 = vector.broadcast %parallel_loop3A_708 : i32 to vector<16xi32>
          %parallel_loop3A_710 = arith.select %parallel_loop3A_707, %parallel_loop3A_703, %parallel_loop3A_709 : vector<16xi1>, vector<16xi32>
          %parallel_loop3A_711 = arith.constant 1 : i32
          %parallel_loop3A_712 = vector.broadcast %parallel_loop3A_711 : i32 to vector<16xi32>
          %parallel_loop3A_713 = arith.andi %parallel_loop3A_710, %parallel_loop3A_712 : vector<16xi32>
          %parallel_loop3A_714 = arith.constant 4096 : i32
          %parallel_loop3A_715 = arith.addi %parallel_loop3A_714, %parallel_loop3A_696 : i32
          %parallel_loop3A_716 = arith.index_cast %parallel_loop3A_715 : i32 to index
          %parallel_loop3A_717 = tpu.vector_load %arg7[%parallel_loop3A_716] {strides = array<i32>} : memref<4352xi32, #tpu.memory_space<vmem>>, vector<16xi32>,
          %parallel_loop3A_718 = arith.xori %parallel_loop3A_717, %parallel_loop3A_713 : vector<16xi32>
          %parallel_loop3A_719 = arith.constant 4096 : i32
          %parallel_loop3A_720 = arith.addi %parallel_loop3A_719, %parallel_loop3A_696 : i32
          %parallel_loop3A_721 = arith.index_cast %parallel_loop3A_720 : i32 to index
          %parallel_loop3A_722 = tpu.vector_load %arg7[%parallel_loop3A_721] {strides = array<i32>} : memref<4352xi32, #tpu.memory_space<vmem>>, vector<16xi32>,
          tpu.vector_store %arg7[%parallel_loop3A_721], %parallel_loop3A_718 {strides = array<i32>} : memref<4352xi32, #tpu.memory_space<vmem>>, vector<16xi32>,
        } {sc.loop_unroll_factor = 1 : i64, sc.parallel_access}
      } else {
      }
    }
    %scan3A_37 = arith.constant 256 : i32
    %mul3A_38 = arith.constant 2 : i32
    %mul3A_39 = arith.muli %add3A, %mul3A_38 : i32
    %add3A_40 = arith.constant 0 : i32
    %add3A_41 = arith.addi %mul3A_39, %add3A_40 : i32
    %swap3A = arith.constant 0 : index
    %swap3A_42 = tpu.vector_load %arg14[%swap3A] {strides = array<i32>} : memref<512xi32, #tpu.memory_space<vmem>>, vector<16xi32>,
    tpu.vector_store %arg14[%swap3A], %broadcast_in_dim3A_1 {strides = array<i32>} : memref<512xi32, #tpu.memory_space<vmem>>, vector<16xi32>,
    %swap3A_43 = arith.constant 16 : index
    %swap3A_44 = tpu.vector_load %arg14[%swap3A_43] {strides = array<i32>} : memref<512xi32, #tpu.memory_space<vmem>>, vector<16xi32>,
    tpu.vector_store %arg14[%swap3A_43], %broadcast_in_dim3A_1 {strides = array<i32>} : memref<512xi32, #tpu.memory_space<vmem>>, vector<16xi32>,
    %swap3A_45 = arith.constant 32 : index
    %swap3A_46 = tpu.vector_load %arg14[%swap3A_45] {strides = array<i32>} : memref<512xi32, #tpu.memory_space<vmem>>, vector<16xi32>,
    tpu.vector_store %arg14[%swap3A_45], %broadcast_in_dim3A_1 {strides = array<i32>} : memref<512xi32, #tpu.memory_space<vmem>>, vector<16xi32>,
    %swap3A_47 = arith.constant 48 : index
    %swap3A_48 = tpu.vector_load %arg14[%swap3A_47] {strides = array<i32>} : memref<512xi32, #tpu.memory_space<vmem>>, vector<16xi32>,
    tpu.vector_store %arg14[%swap3A_47], %broadcast_in_dim3A_1 {strides = array<i32>} : memref<512xi32, #tpu.memory_space<vmem>>, vector<16xi32>,
    %swap3A_49 = arith.constant 64 : index
    %swap3A_50 = tpu.vector_load %arg14[%swap3A_49] {strides = array<i32>} : memref<512xi32, #tpu.memory_space<vmem>>, vector<16xi32>,
    tpu.vector_store %arg14[%swap3A_49], %broadcast_in_dim3A_1 {strides = array<i32>} : memref<512xi32, #tpu.memory_space<vmem>>, vector<16xi32>,
    %swap3A_51 = arith.constant 80 : index
    %swap3A_52 = tpu.vector_load %arg14[%swap3A_51] {strides = array<i32>} : memref<512xi32, #tpu.memory_space<vmem>>, vector<16xi32>,
    tpu.vector_store %arg14[%swap3A_51], %broadcast_in_dim3A_1 {strides = array<i32>} : memref<512xi32, #tpu.memory_space<vmem>>, vector<16xi32>,
    %swap3A_53 = arith.constant 96 : index
    %swap3A_54 = tpu.vector_load %arg14[%swap3A_53] {strides = array<i32>} : memref<512xi32, #tpu.memory_space<vmem>>, vector<16xi32>,
    tpu.vector_store %arg14[%swap3A_53], %broadcast_in_dim3A_1 {strides = array<i32>} : memref<512xi32, #tpu.memory_space<vmem>>, vector<16xi32>,
    %swap3A_55 = arith.constant 112 : index
    %swap3A_56 = tpu.vector_load %arg14[%swap3A_55] {strides = array<i32>} : memref<512xi32, #tpu.memory_space<vmem>>, vector<16xi32>,
    tpu.vector_store %arg14[%swap3A_55], %broadcast_in_dim3A_1 {strides = array<i32>} : memref<512xi32, #tpu.memory_space<vmem>>, vector<16xi32>,
    %swap3A_57 = arith.constant 128 : index
    %swap3A_58 = tpu.vector_load %arg14[%swap3A_57] {strides = array<i32>} : memref<512xi32, #tpu.memory_space<vmem>>, vector<16xi32>,
    tpu.vector_store %arg14[%swap3A_57], %broadcast_in_dim3A_1 {strides = array<i32>} : memref<512xi32, #tpu.memory_space<vmem>>, vector<16xi32>,
    %swap3A_59 = arith.constant 144 : index
    %swap3A_60 = tpu.vector_load %arg14[%swap3A_59] {strides = array<i32>} : memref<512xi32, #tpu.memory_space<vmem>>, vector<16xi32>,
    tpu.vector_store %arg14[%swap3A_59], %broadcast_in_dim3A_1 {strides = array<i32>} : memref<512xi32, #tpu.memory_space<vmem>>, vector<16xi32>,
    %swap3A_61 = arith.constant 160 : index
    %swap3A_62 = tpu.vector_load %arg14[%swap3A_61] {strides = array<i32>} : memref<512xi32, #tpu.memory_space<vmem>>, vector<16xi32>,
    tpu.vector_store %arg14[%swap3A_61], %broadcast_in_dim3A_1 {strides = array<i32>} : memref<512xi32, #tpu.memory_space<vmem>>, vector<16xi32>,
    %swap3A_63 = arith.constant 176 : index
    %swap3A_64 = tpu.vector_load %arg14[%swap3A_63] {strides = array<i32>} : memref<512xi32, #tpu.memory_space<vmem>>, vector<16xi32>,
    tpu.vector_store %arg14[%swap3A_63], %broadcast_in_dim3A_1 {strides = array<i32>} : memref<512xi32, #tpu.memory_space<vmem>>, vector<16xi32>,
    %swap3A_65 = arith.constant 192 : index
    %swap3A_66 = tpu.vector_load %arg14[%swap3A_65] {strides = array<i32>} : memref<512xi32, #tpu.memory_space<vmem>>, vector<16xi32>,
    tpu.vector_store %arg14[%swap3A_65], %broadcast_in_dim3A_1 {strides = array<i32>} : memref<512xi32, #tpu.memory_space<vmem>>, vector<16xi32>,
    %swap3A_67 = arith.constant 208 : index
    %swap3A_68 = tpu.vector_load %arg14[%swap3A_67] {strides = array<i32>} : memref<512xi32, #tpu.memory_space<vmem>>, vector<16xi32>,
    tpu.vector_store %arg14[%swap3A_67], %broadcast_in_dim3A_1 {strides = array<i32>} : memref<512xi32, #tpu.memory_space<vmem>>, vector<16xi32>,
    %swap3A_69 = arith.constant 224 : index
    %swap3A_70 = tpu.vector_load %arg14[%swap3A_69] {strides = array<i32>} : memref<512xi32, #tpu.memory_space<vmem>>, vector<16xi32>,
    tpu.vector_store %arg14[%swap3A_69], %broadcast_in_dim3A_1 {strides = array<i32>} : memref<512xi32, #tpu.memory_space<vmem>>, vector<16xi32>,
    %swap3A_71 = arith.constant 240 : index
    %swap3A_72 = tpu.vector_load %arg14[%swap3A_71] {strides = array<i32>} : memref<512xi32, #tpu.memory_space<vmem>>, vector<16xi32>,
    tpu.vector_store %arg14[%swap3A_71], %broadcast_in_dim3A_1 {strides = array<i32>} : memref<512xi32, #tpu.memory_space<vmem>>, vector<16xi32>,
    %swap3A_73 = arith.constant 256 : index
    %swap3A_74 = tpu.vector_load %arg14[%swap3A_73] {strides = array<i32>} : memref<512xi32, #tpu.memory_space<vmem>>, vector<16xi32>,
    tpu.vector_store %arg14[%swap3A_73], %broadcast_in_dim3A_1 {strides = array<i32>} : memref<512xi32, #tpu.memory_space<vmem>>, vector<16xi32>,
    %swap3A_75 = arith.constant 272 : index
    %swap3A_76 = tpu.vector_load %arg14[%swap3A_75] {strides = array<i32>} : memref<512xi32, #tpu.memory_space<vmem>>, vector<16xi32>,
    tpu.vector_store %arg14[%swap3A_75], %broadcast_in_dim3A_1 {strides = array<i32>} : memref<512xi32, #tpu.memory_space<vmem>>, vector<16xi32>,
    %swap3A_77 = arith.constant 288 : index
    %swap3A_78 = tpu.vector_load %arg14[%swap3A_77] {strides = array<i32>} : memref<512xi32, #tpu.memory_space<vmem>>, vector<16xi32>,
    tpu.vector_store %arg14[%swap3A_77], %broadcast_in_dim3A_1 {strides = array<i32>} : memref<512xi32, #tpu.memory_space<vmem>>, vector<16xi32>,
    %swap3A_79 = arith.constant 304 : index
    %swap3A_80 = tpu.vector_load %arg14[%swap3A_79] {strides = array<i32>} : memref<512xi32, #tpu.memory_space<vmem>>, vector<16xi32>,
    tpu.vector_store %arg14[%swap3A_79], %broadcast_in_dim3A_1 {strides = array<i32>} : memref<512xi32, #tpu.memory_space<vmem>>, vector<16xi32>,
    %swap3A_81 = arith.constant 320 : index
    %swap3A_82 = tpu.vector_load %arg14[%swap3A_81] {strides = array<i32>} : memref<512xi32, #tpu.memory_space<vmem>>, vector<16xi32>,
    tpu.vector_store %arg14[%swap3A_81], %broadcast_in_dim3A_1 {strides = array<i32>} : memref<512xi32, #tpu.memory_space<vmem>>, vector<16xi32>,
    %swap3A_83 = arith.constant 336 : index
    %swap3A_84 = tpu.vector_load %arg14[%swap3A_83] {strides = array<i32>} : memref<512xi32, #tpu.memory_space<vmem>>, vector<16xi32>,
    tpu.vector_store %arg14[%swap3A_83], %broadcast_in_dim3A_1 {strides = array<i32>} : memref<512xi32, #tpu.memory_space<vmem>>, vector<16xi32>,
    %swap3A_85 = arith.constant 352 : index
    %swap3A_86 = tpu.vector_load %arg14[%swap3A_85] {strides = array<i32>} : memref<512xi32, #tpu.memory_space<vmem>>, vector<16xi32>,
    tpu.vector_store %arg14[%swap3A_85], %broadcast_in_dim3A_1 {strides = array<i32>} : memref<512xi32, #tpu.memory_space<vmem>>, vector<16xi32>,
    %swap3A_87 = arith.constant 368 : index
    %swap3A_88 = tpu.vector_load %arg14[%swap3A_87] {strides = array<i32>} : memref<512xi32, #tpu.memory_space<vmem>>, vector<16xi32>,
    tpu.vector_store %arg14[%swap3A_87], %broadcast_in_dim3A_1 {strides = array<i32>} : memref<512xi32, #tpu.memory_space<vmem>>, vector<16xi32>,
    %swap3A_89 = arith.constant 384 : index
    %swap3A_90 = tpu.vector_load %arg14[%swap3A_89] {strides = array<i32>} : memref<512xi32, #tpu.memory_space<vmem>>, vector<16xi32>,
    tpu.vector_store %arg14[%swap3A_89], %broadcast_in_dim3A_1 {strides = array<i32>} : memref<512xi32, #tpu.memory_space<vmem>>, vector<16xi32>,
    %swap3A_91 = arith.constant 400 : index
    %swap3A_92 = tpu.vector_load %arg14[%swap3A_91] {strides = array<i32>} : memref<512xi32, #tpu.memory_space<vmem>>, vector<16xi32>,
    tpu.vector_store %arg14[%swap3A_91], %broadcast_in_dim3A_1 {strides = array<i32>} : memref<512xi32, #tpu.memory_space<vmem>>, vector<16xi32>,
    %swap3A_93 = arith.constant 416 : index
    %swap3A_94 = tpu.vector_load %arg14[%swap3A_93] {strides = array<i32>} : memref<512xi32, #tpu.memory_space<vmem>>, vector<16xi32>,
    tpu.vector_store %arg14[%swap3A_93], %broadcast_in_dim3A_1 {strides = array<i32>} : memref<512xi32, #tpu.memory_space<vmem>>, vector<16xi32>,
    %swap3A_95 = arith.constant 432 : index
    %swap3A_96 = tpu.vector_load %arg14[%swap3A_95] {strides = array<i32>} : memref<512xi32, #tpu.memory_space<vmem>>, vector<16xi32>,
    tpu.vector_store %arg14[%swap3A_95], %broadcast_in_dim3A_1 {strides = array<i32>} : memref<512xi32, #tpu.memory_space<vmem>>, vector<16xi32>,
    %swap3A_97 = arith.constant 448 : index
    %swap3A_98 = tpu.vector_load %arg14[%swap3A_97] {strides = array<i32>} : memref<512xi32, #tpu.memory_space<vmem>>, vector<16xi32>,
    tpu.vector_store %arg14[%swap3A_97], %broadcast_in_dim3A_1 {strides = array<i32>} : memref<512xi32, #tpu.memory_space<vmem>>, vector<16xi32>,
    %swap3A_99 = arith.constant 464 : index
    %swap3A_100 = tpu.vector_load %arg14[%swap3A_99] {strides = array<i32>} : memref<512xi32, #tpu.memory_space<vmem>>, vector<16xi32>,
    tpu.vector_store %arg14[%swap3A_99], %broadcast_in_dim3A_1 {strides = array<i32>} : memref<512xi32, #tpu.memory_space<vmem>>, vector<16xi32>,
    %swap3A_101 = arith.constant 480 : index
    %swap3A_102 = tpu.vector_load %arg14[%swap3A_101] {strides = array<i32>} : memref<512xi32, #tpu.memory_space<vmem>>, vector<16xi32>,
    tpu.vector_store %arg14[%swap3A_101], %broadcast_in_dim3A_1 {strides = array<i32>} : memref<512xi32, #tpu.memory_space<vmem>>, vector<16xi32>,
    %swap3A_103 = arith.constant 496 : index
    %swap3A_104 = tpu.vector_load %arg14[%swap3A_103] {strides = array<i32>} : memref<512xi32, #tpu.memory_space<vmem>>, vector<16xi32>,
    tpu.vector_store %arg14[%swap3A_103], %broadcast_in_dim3A_1 {strides = array<i32>} : memref<512xi32, #tpu.memory_space<vmem>>, vector<16xi32>,
    %get3A = arith.constant 0 : index
    %get3A_105 = tpu.vector_load %arg12[%get3A] {strides = array<i32>} : memref<256xi32, #tpu.memory_space<vmem>>, vector<16xi32>,
    %lt3A = arith.constant 512 : i32
    %lt3A_106 = vector.broadcast %lt3A : i32 to vector<16xi32>
    %lt3A_107 = arith.cmpi slt, %get3A_105, %lt3A_106 : vector<16xi32>
    %jit3A = arith.constant 0 : i32
    %broadcast_in_dim3A_108 = vector.broadcast %jit3A : i32 to vector<16xi32>
    %select_n3A = arith.select %lt3A_107, %get3A_105, %broadcast_in_dim3A_108 : vector<16xi1>, vector<16xi32>
    %gather3A = tpu.vector_load_idx %arg10[%select_n3A] : memref<512xi32, #tpu.memory_space<vmem>>[vector<16xi32>], vector<16xi32>,
    %get3A_109 = arith.constant 4096 : index
    %get3A_110 = tpu.vector_load %arg6[%get3A_109] {strides = array<i32>} : memref<4352xi32, #tpu.memory_space<vmem>>, vector<16xi32>,
    %and3A = arith.constant 1 : i32
    %and3A_111 = vector.broadcast %and3A : i32 to vector<16xi32>
    %and3A_112 = arith.andi %get3A_110, %and3A_111 : vector<16xi32>
    tpu.vector_store_idx %arg14[%gather3A], %and3A_112 masked %lt3A_107 : memref<512xi32, #tpu.memory_space<vmem>>[vector<16xi32>], vector<16xi32>, vector<16xi1>
    %get3A_113 = arith.constant 16 : index
    %get3A_114 = tpu.vector_load %arg12[%get3A_113] {strides = array<i32>} : memref<256xi32, #tpu.memory_space<vmem>>, vector<16xi32>,
    %lt3A_115 = arith.constant 512 : i32
    %lt3A_116 = vector.broadcast %lt3A_115 : i32 to vector<16xi32>
    %lt3A_117 = arith.cmpi slt, %get3A_114, %lt3A_116 : vector<16xi32>
    %jit3A_118 = arith.constant 0 : i32
    %broadcast_in_dim3A_119 = vector.broadcast %jit3A_118 : i32 to vector<16xi32>
    %select_n3A_120 = arith.select %lt3A_117, %get3A_114, %broadcast_in_dim3A_119 : vector<16xi1>, vector<16xi32>
    %gather3A_121 = tpu.vector_load_idx %arg10[%select_n3A_120] : memref<512xi32, #tpu.memory_space<vmem>>[vector<16xi32>], vector<16xi32>,
    %get3A_122 = arith.constant 4112 : index
    %get3A_123 = tpu.vector_load %arg6[%get3A_122] {strides = array<i32>} : memref<4352xi32, #tpu.memory_space<vmem>>, vector<16xi32>,
    %and3A_124 = arith.constant 1 : i32
    %and3A_125 = vector.broadcast %and3A_124 : i32 to vector<16xi32>
    %and3A_126 = arith.andi %get3A_123, %and3A_125 : vector<16xi32>
    tpu.vector_store_idx %arg14[%gather3A_121], %and3A_126 masked %lt3A_117 : memref<512xi32, #tpu.memory_space<vmem>>[vector<16xi32>], vector<16xi32>, vector<16xi1>
    %get3A_127 = arith.constant 32 : index
    %get3A_128 = tpu.vector_load %arg12[%get3A_127] {strides = array<i32>} : memref<256xi32, #tpu.memory_space<vmem>>, vector<16xi32>,
    %lt3A_129 = arith.constant 512 : i32
    %lt3A_130 = vector.broadcast %lt3A_129 : i32 to vector<16xi32>
    %lt3A_131 = arith.cmpi slt, %get3A_128, %lt3A_130 : vector<16xi32>
    %jit3A_132 = arith.constant 0 : i32
    %broadcast_in_dim3A_133 = vector.broadcast %jit3A_132 : i32 to vector<16xi32>
    %select_n3A_134 = arith.select %lt3A_131, %get3A_128, %broadcast_in_dim3A_133 : vector<16xi1>, vector<16xi32>
    %gather3A_135 = tpu.vector_load_idx %arg10[%select_n3A_134] : memref<512xi32, #tpu.memory_space<vmem>>[vector<16xi32>], vector<16xi32>,
    %get3A_136 = arith.constant 4128 : index
    %get3A_137 = tpu.vector_load %arg6[%get3A_136] {strides = array<i32>} : memref<4352xi32, #tpu.memory_space<vmem>>, vector<16xi32>,
    %and3A_138 = arith.constant 1 : i32
    %and3A_139 = vector.broadcast %and3A_138 : i32 to vector<16xi32>
    %and3A_140 = arith.andi %get3A_137, %and3A_139 : vector<16xi32>
    tpu.vector_store_idx %arg14[%gather3A_135], %and3A_140 masked %lt3A_131 : memref<512xi32, #tpu.memory_space<vmem>>[vector<16xi32>], vector<16xi32>, vector<16xi1>
    %get3A_141 = arith.constant 48 : index
    %get3A_142 = tpu.vector_load %arg12[%get3A_141] {strides = array<i32>} : memref<256xi32, #tpu.memory_space<vmem>>, vector<16xi32>,
    %lt3A_143 = arith.constant 512 : i32
    %lt3A_144 = vector.broadcast %lt3A_143 : i32 to vector<16xi32>
    %lt3A_145 = arith.cmpi slt, %get3A_142, %lt3A_144 : vector<16xi32>
    %jit3A_146 = arith.constant 0 : i32
    %broadcast_in_dim3A_147 = vector.broadcast %jit3A_146 : i32 to vector<16xi32>
    %select_n3A_148 = arith.select %lt3A_145, %get3A_142, %broadcast_in_dim3A_147 : vector<16xi1>, vector<16xi32>
    %gather3A_149 = tpu.vector_load_idx %arg10[%select_n3A_148] : memref<512xi32, #tpu.memory_space<vmem>>[vector<16xi32>], vector<16xi32>,
    %get3A_150 = arith.constant 4144 : index
    %get3A_151 = tpu.vector_load %arg6[%get3A_150] {strides = array<i32>} : memref<4352xi32, #tpu.memory_space<vmem>>, vector<16xi32>,
    %and3A_152 = arith.constant 1 : i32
    %and3A_153 = vector.broadcast %and3A_152 : i32 to vector<16xi32>
    %and3A_154 = arith.andi %get3A_151, %and3A_153 : vector<16xi32>
    tpu.vector_store_idx %arg14[%gather3A_149], %and3A_154 masked %lt3A_145 : memref<512xi32, #tpu.memory_space<vmem>>[vector<16xi32>], vector<16xi32>, vector<16xi1>
    %get3A_155 = arith.constant 64 : index
    %get3A_156 = tpu.vector_load %arg12[%get3A_155] {strides = array<i32>} : memref<256xi32, #tpu.memory_space<vmem>>, vector<16xi32>,
    %lt3A_157 = arith.constant 512 : i32
    %lt3A_158 = vector.broadcast %lt3A_157 : i32 to vector<16xi32>
    %lt3A_159 = arith.cmpi slt, %get3A_156, %lt3A_158 : vector<16xi32>
    %jit3A_160 = arith.constant 0 : i32
    %broadcast_in_dim3A_161 = vector.broadcast %jit3A_160 : i32 to vector<16xi32>
    %select_n3A_162 = arith.select %lt3A_159, %get3A_156, %broadcast_in_dim3A_161 : vector<16xi1>, vector<16xi32>
    %gather3A_163 = tpu.vector_load_idx %arg10[%select_n3A_162] : memref<512xi32, #tpu.memory_space<vmem>>[vector<16xi32>], vector<16xi32>,
    %get3A_164 = arith.constant 4160 : index
    %get3A_165 = tpu.vector_load %arg6[%get3A_164] {strides = array<i32>} : memref<4352xi32, #tpu.memory_space<vmem>>, vector<16xi32>,
    %and3A_166 = arith.constant 1 : i32
    %and3A_167 = vector.broadcast %and3A_166 : i32 to vector<16xi32>
    %and3A_168 = arith.andi %get3A_165, %and3A_167 : vector<16xi32>
    tpu.vector_store_idx %arg14[%gather3A_163], %and3A_168 masked %lt3A_159 : memref<512xi32, #tpu.memory_space<vmem>>[vector<16xi32>], vector<16xi32>, vector<16xi1>
    %get3A_169 = arith.constant 80 : index
    %get3A_170 = tpu.vector_load %arg12[%get3A_169] {strides = array<i32>} : memref<256xi32, #tpu.memory_space<vmem>>, vector<16xi32>,
    %lt3A_171 = arith.constant 512 : i32
    %lt3A_172 = vector.broadcast %lt3A_171 : i32 to vector<16xi32>
    %lt3A_173 = arith.cmpi slt, %get3A_170, %lt3A_172 : vector<16xi32>
    %jit3A_174 = arith.constant 0 : i32
    %broadcast_in_dim3A_175 = vector.broadcast %jit3A_174 : i32 to vector<16xi32>
    %select_n3A_176 = arith.select %lt3A_173, %get3A_170, %broadcast_in_dim3A_175 : vector<16xi1>, vector<16xi32>
    %gather3A_177 = tpu.vector_load_idx %arg10[%select_n3A_176] : memref<512xi32, #tpu.memory_space<vmem>>[vector<16xi32>], vector<16xi32>,
    %get3A_178 = arith.constant 4176 : index
    %get3A_179 = tpu.vector_load %arg6[%get3A_178] {strides = array<i32>} : memref<4352xi32, #tpu.memory_space<vmem>>, vector<16xi32>,
    %and3A_180 = arith.constant 1 : i32
    %and3A_181 = vector.broadcast %and3A_180 : i32 to vector<16xi32>
    %and3A_182 = arith.andi %get3A_179, %and3A_181 : vector<16xi32>
    tpu.vector_store_idx %arg14[%gather3A_177], %and3A_182 masked %lt3A_173 : memref<512xi32, #tpu.memory_space<vmem>>[vector<16xi32>], vector<16xi32>, vector<16xi1>
    %get3A_183 = arith.constant 96 : index
    %get3A_184 = tpu.vector_load %arg12[%get3A_183] {strides = array<i32>} : memref<256xi32, #tpu.memory_space<vmem>>, vector<16xi32>,
    %lt3A_185 = arith.constant 512 : i32
    %lt3A_186 = vector.broadcast %lt3A_185 : i32 to vector<16xi32>
    %lt3A_187 = arith.cmpi slt, %get3A_184, %lt3A_186 : vector<16xi32>
    %jit3A_188 = arith.constant 0 : i32
    %broadcast_in_dim3A_189 = vector.broadcast %jit3A_188 : i32 to vector<16xi32>
    %select_n3A_190 = arith.select %lt3A_187, %get3A_184, %broadcast_in_dim3A_189 : vector<16xi1>, vector<16xi32>
    %gather3A_191 = tpu.vector_load_idx %arg10[%select_n3A_190] : memref<512xi32, #tpu.memory_space<vmem>>[vector<16xi32>], vector<16xi32>,
    %get3A_192 = arith.constant 4192 : index
    %get3A_193 = tpu.vector_load %arg6[%get3A_192] {strides = array<i32>} : memref<4352xi32, #tpu.memory_space<vmem>>, vector<16xi32>,
    %and3A_194 = arith.constant 1 : i32
    %and3A_195 = vector.broadcast %and3A_194 : i32 to vector<16xi32>
    %and3A_196 = arith.andi %get3A_193, %and3A_195 : vector<16xi32>
    tpu.vector_store_idx %arg14[%gather3A_191], %and3A_196 masked %lt3A_187 : memref<512xi32, #tpu.memory_space<vmem>>[vector<16xi32>], vector<16xi32>, vector<16xi1>
    %get3A_197 = arith.constant 112 : index
    %get3A_198 = tpu.vector_load %arg12[%get3A_197] {strides = array<i32>} : memref<256xi32, #tpu.memory_space<vmem>>, vector<16xi32>,
    %lt3A_199 = arith.constant 512 : i32
    %lt3A_200 = vector.broadcast %lt3A_199 : i32 to vector<16xi32>
    %lt3A_201 = arith.cmpi slt, %get3A_198, %lt3A_200 : vector<16xi32>
    %jit3A_202 = arith.constant 0 : i32
    %broadcast_in_dim3A_203 = vector.broadcast %jit3A_202 : i32 to vector<16xi32>
    %select_n3A_204 = arith.select %lt3A_201, %get3A_198, %broadcast_in_dim3A_203 : vector<16xi1>, vector<16xi32>
    %gather3A_205 = tpu.vector_load_idx %arg10[%select_n3A_204] : memref<512xi32, #tpu.memory_space<vmem>>[vector<16xi32>], vector<16xi32>,
    %get3A_206 = arith.constant 4208 : index
    %get3A_207 = tpu.vector_load %arg6[%get3A_206] {strides = array<i32>} : memref<4352xi32, #tpu.memory_space<vmem>>, vector<16xi32>,
    %and3A_208 = arith.constant 1 : i32
    %and3A_209 = vector.broadcast %and3A_208 : i32 to vector<16xi32>
    %and3A_210 = arith.andi %get3A_207, %and3A_209 : vector<16xi32>
    tpu.vector_store_idx %arg14[%gather3A_205], %and3A_210 masked %lt3A_201 : memref<512xi32, #tpu.memory_space<vmem>>[vector<16xi32>], vector<16xi32>, vector<16xi1>
    %get3A_211 = arith.constant 128 : index
    %get3A_212 = tpu.vector_load %arg12[%get3A_211] {strides = array<i32>} : memref<256xi32, #tpu.memory_space<vmem>>, vector<16xi32>,
    %lt3A_213 = arith.constant 512 : i32
    %lt3A_214 = vector.broadcast %lt3A_213 : i32 to vector<16xi32>
    %lt3A_215 = arith.cmpi slt, %get3A_212, %lt3A_214 : vector<16xi32>
    %jit3A_216 = arith.constant 0 : i32
    %broadcast_in_dim3A_217 = vector.broadcast %jit3A_216 : i32 to vector<16xi32>
    %select_n3A_218 = arith.select %lt3A_215, %get3A_212, %broadcast_in_dim3A_217 : vector<16xi1>, vector<16xi32>
    %gather3A_219 = tpu.vector_load_idx %arg10[%select_n3A_218] : memref<512xi32, #tpu.memory_space<vmem>>[vector<16xi32>], vector<16xi32>,
    %get3A_220 = arith.constant 4224 : index
    %get3A_221 = tpu.vector_load %arg6[%get3A_220] {strides = array<i32>} : memref<4352xi32, #tpu.memory_space<vmem>>, vector<16xi32>,
    %and3A_222 = arith.constant 1 : i32
    %and3A_223 = vector.broadcast %and3A_222 : i32 to vector<16xi32>
    %and3A_224 = arith.andi %get3A_221, %and3A_223 : vector<16xi32>
    tpu.vector_store_idx %arg14[%gather3A_219], %and3A_224 masked %lt3A_215 : memref<512xi32, #tpu.memory_space<vmem>>[vector<16xi32>], vector<16xi32>, vector<16xi1>
    %get3A_225 = arith.constant 144 : index
    %get3A_226 = tpu.vector_load %arg12[%get3A_225] {strides = array<i32>} : memref<256xi32, #tpu.memory_space<vmem>>, vector<16xi32>,
    %lt3A_227 = arith.constant 512 : i32
    %lt3A_228 = vector.broadcast %lt3A_227 : i32 to vector<16xi32>
    %lt3A_229 = arith.cmpi slt, %get3A_226, %lt3A_228 : vector<16xi32>
    %jit3A_230 = arith.constant 0 : i32
    %broadcast_in_dim3A_231 = vector.broadcast %jit3A_230 : i32 to vector<16xi32>
    %select_n3A_232 = arith.select %lt3A_229, %get3A_226, %broadcast_in_dim3A_231 : vector<16xi1>, vector<16xi32>
    %gather3A_233 = tpu.vector_load_idx %arg10[%select_n3A_232] : memref<512xi32, #tpu.memory_space<vmem>>[vector<16xi32>], vector<16xi32>,
    %get3A_234 = arith.constant 4240 : index
    %get3A_235 = tpu.vector_load %arg6[%get3A_234] {strides = array<i32>} : memref<4352xi32, #tpu.memory_space<vmem>>, vector<16xi32>,
    %and3A_236 = arith.constant 1 : i32
    %and3A_237 = vector.broadcast %and3A_236 : i32 to vector<16xi32>
    %and3A_238 = arith.andi %get3A_235, %and3A_237 : vector<16xi32>
    tpu.vector_store_idx %arg14[%gather3A_233], %and3A_238 masked %lt3A_229 : memref<512xi32, #tpu.memory_space<vmem>>[vector<16xi32>], vector<16xi32>, vector<16xi1>
    %get3A_239 = arith.constant 160 : index
    %get3A_240 = tpu.vector_load %arg12[%get3A_239] {strides = array<i32>} : memref<256xi32, #tpu.memory_space<vmem>>, vector<16xi32>,
    %lt3A_241 = arith.constant 512 : i32
    %lt3A_242 = vector.broadcast %lt3A_241 : i32 to vector<16xi32>
    %lt3A_243 = arith.cmpi slt, %get3A_240, %lt3A_242 : vector<16xi32>
    %jit3A_244 = arith.constant 0 : i32
    %broadcast_in_dim3A_245 = vector.broadcast %jit3A_244 : i32 to vector<16xi32>
    %select_n3A_246 = arith.select %lt3A_243, %get3A_240, %broadcast_in_dim3A_245 : vector<16xi1>, vector<16xi32>
    %gather3A_247 = tpu.vector_load_idx %arg10[%select_n3A_246] : memref<512xi32, #tpu.memory_space<vmem>>[vector<16xi32>], vector<16xi32>,
    %get3A_248 = arith.constant 4256 : index
    %get3A_249 = tpu.vector_load %arg6[%get3A_248] {strides = array<i32>} : memref<4352xi32, #tpu.memory_space<vmem>>, vector<16xi32>,
    %and3A_250 = arith.constant 1 : i32
    %and3A_251 = vector.broadcast %and3A_250 : i32 to vector<16xi32>
    %and3A_252 = arith.andi %get3A_249, %and3A_251 : vector<16xi32>
    tpu.vector_store_idx %arg14[%gather3A_247], %and3A_252 masked %lt3A_243 : memref<512xi32, #tpu.memory_space<vmem>>[vector<16xi32>], vector<16xi32>, vector<16xi1>
    %get3A_253 = arith.constant 176 : index
    %get3A_254 = tpu.vector_load %arg12[%get3A_253] {strides = array<i32>} : memref<256xi32, #tpu.memory_space<vmem>>, vector<16xi32>,
    %lt3A_255 = arith.constant 512 : i32
    %lt3A_256 = vector.broadcast %lt3A_255 : i32 to vector<16xi32>
    %lt3A_257 = arith.cmpi slt, %get3A_254, %lt3A_256 : vector<16xi32>
    %jit3A_258 = arith.constant 0 : i32
    %broadcast_in_dim3A_259 = vector.broadcast %jit3A_258 : i32 to vector<16xi32>
    %select_n3A_260 = arith.select %lt3A_257, %get3A_254, %broadcast_in_dim3A_259 : vector<16xi1>, vector<16xi32>
    %gather3A_261 = tpu.vector_load_idx %arg10[%select_n3A_260] : memref<512xi32, #tpu.memory_space<vmem>>[vector<16xi32>], vector<16xi32>,
    %get3A_262 = arith.constant 4272 : index
    %get3A_263 = tpu.vector_load %arg6[%get3A_262] {strides = array<i32>} : memref<4352xi32, #tpu.memory_space<vmem>>, vector<16xi32>,
    %and3A_264 = arith.constant 1 : i32
    %and3A_265 = vector.broadcast %and3A_264 : i32 to vector<16xi32>
    %and3A_266 = arith.andi %get3A_263, %and3A_265 : vector<16xi32>
    tpu.vector_store_idx %arg14[%gather3A_261], %and3A_266 masked %lt3A_257 : memref<512xi32, #tpu.memory_space<vmem>>[vector<16xi32>], vector<16xi32>, vector<16xi1>
    %get3A_267 = arith.constant 192 : index
    %get3A_268 = tpu.vector_load %arg12[%get3A_267] {strides = array<i32>} : memref<256xi32, #tpu.memory_space<vmem>>, vector<16xi32>,
    %lt3A_269 = arith.constant 512 : i32
    %lt3A_270 = vector.broadcast %lt3A_269 : i32 to vector<16xi32>
    %lt3A_271 = arith.cmpi slt, %get3A_268, %lt3A_270 : vector<16xi32>
    %jit3A_272 = arith.constant 0 : i32
    %broadcast_in_dim3A_273 = vector.broadcast %jit3A_272 : i32 to vector<16xi32>
    %select_n3A_274 = arith.select %lt3A_271, %get3A_268, %broadcast_in_dim3A_273 : vector<16xi1>, vector<16xi32>
    %gather3A_275 = tpu.vector_load_idx %arg10[%select_n3A_274] : memref<512xi32, #tpu.memory_space<vmem>>[vector<16xi32>], vector<16xi32>,
    %get3A_276 = arith.constant 4288 : index
    %get3A_277 = tpu.vector_load %arg6[%get3A_276] {strides = array<i32>} : memref<4352xi32, #tpu.memory_space<vmem>>, vector<16xi32>,
    %and3A_278 = arith.constant 1 : i32
    %and3A_279 = vector.broadcast %and3A_278 : i32 to vector<16xi32>
    %and3A_280 = arith.andi %get3A_277, %and3A_279 : vector<16xi32>
    tpu.vector_store_idx %arg14[%gather3A_275], %and3A_280 masked %lt3A_271 : memref<512xi32, #tpu.memory_space<vmem>>[vector<16xi32>], vector<16xi32>, vector<16xi1>
    %get3A_281 = arith.constant 208 : index
    %get3A_282 = tpu.vector_load %arg12[%get3A_281] {strides = array<i32>} : memref<256xi32, #tpu.memory_space<vmem>>, vector<16xi32>,
    %lt3A_283 = arith.constant 512 : i32
    %lt3A_284 = vector.broadcast %lt3A_283 : i32 to vector<16xi32>
    %lt3A_285 = arith.cmpi slt, %get3A_282, %lt3A_284 : vector<16xi32>
    %jit3A_286 = arith.constant 0 : i32
    %broadcast_in_dim3A_287 = vector.broadcast %jit3A_286 : i32 to vector<16xi32>
    %select_n3A_288 = arith.select %lt3A_285, %get3A_282, %broadcast_in_dim3A_287 : vector<16xi1>, vector<16xi32>
    %gather3A_289 = tpu.vector_load_idx %arg10[%select_n3A_288] : memref<512xi32, #tpu.memory_space<vmem>>[vector<16xi32>], vector<16xi32>,
    %get3A_290 = arith.constant 4304 : index
    %get3A_291 = tpu.vector_load %arg6[%get3A_290] {strides = array<i32>} : memref<4352xi32, #tpu.memory_space<vmem>>, vector<16xi32>,
    %and3A_292 = arith.constant 1 : i32
    %and3A_293 = vector.broadcast %and3A_292 : i32 to vector<16xi32>
    %and3A_294 = arith.andi %get3A_291, %and3A_293 : vector<16xi32>
    tpu.vector_store_idx %arg14[%gather3A_289], %and3A_294 masked %lt3A_285 : memref<512xi32, #tpu.memory_space<vmem>>[vector<16xi32>], vector<16xi32>, vector<16xi1>
    %get3A_295 = arith.constant 224 : index
    %get3A_296 = tpu.vector_load %arg12[%get3A_295] {strides = array<i32>} : memref<256xi32, #tpu.memory_space<vmem>>, vector<16xi32>,
    %lt3A_297 = arith.constant 512 : i32
    %lt3A_298 = vector.broadcast %lt3A_297 : i32 to vector<16xi32>
    %lt3A_299 = arith.cmpi slt, %get3A_296, %lt3A_298 : vector<16xi32>
    %jit3A_300 = arith.constant 0 : i32
    %broadcast_in_dim3A_301 = vector.broadcast %jit3A_300 : i32 to vector<16xi32>
    %select_n3A_302 = arith.select %lt3A_299, %get3A_296, %broadcast_in_dim3A_301 : vector<16xi1>, vector<16xi32>
    %gather3A_303 = tpu.vector_load_idx %arg10[%select_n3A_302] : memref<512xi32, #tpu.memory_space<vmem>>[vector<16xi32>], vector<16xi32>,
    %get3A_304 = arith.constant 4320 : index
    %get3A_305 = tpu.vector_load %arg6[%get3A_304] {strides = array<i32>} : memref<4352xi32, #tpu.memory_space<vmem>>, vector<16xi32>,
    %and3A_306 = arith.constant 1 : i32
    %and3A_307 = vector.broadcast %and3A_306 : i32 to vector<16xi32>
    %and3A_308 = arith.andi %get3A_305, %and3A_307 : vector<16xi32>
    tpu.vector_store_idx %arg14[%gather3A_303], %and3A_308 masked %lt3A_299 : memref<512xi32, #tpu.memory_space<vmem>>[vector<16xi32>], vector<16xi32>, vector<16xi1>
    %get3A_309 = arith.constant 240 : index
    %get3A_310 = tpu.vector_load %arg12[%get3A_309] {strides = array<i32>} : memref<256xi32, #tpu.memory_space<vmem>>, vector<16xi32>,
    %lt3A_311 = arith.constant 512 : i32
    %lt3A_312 = vector.broadcast %lt3A_311 : i32 to vector<16xi32>
    %lt3A_313 = arith.cmpi slt, %get3A_310, %lt3A_312 : vector<16xi32>
    %jit3A_314 = arith.constant 0 : i32
    %broadcast_in_dim3A_315 = vector.broadcast %jit3A_314 : i32 to vector<16xi32>
    %select_n3A_316 = arith.select %lt3A_313, %get3A_310, %broadcast_in_dim3A_315 : vector<16xi1>, vector<16xi32>
    %gather3A_317 = tpu.vector_load_idx %arg10[%select_n3A_316] : memref<512xi32, #tpu.memory_space<vmem>>[vector<16xi32>], vector<16xi32>,
    %get3A_318 = arith.constant 4336 : index
    %get3A_319 = tpu.vector_load %arg6[%get3A_318] {strides = array<i32>} : memref<4352xi32, #tpu.memory_space<vmem>>, vector<16xi32>,
    %and3A_320 = arith.constant 1 : i32
    %and3A_321 = vector.broadcast %and3A_320 : i32 to vector<16xi32>
    %and3A_322 = arith.andi %get3A_319, %and3A_321 : vector<16xi32>
    tpu.vector_store_idx %arg14[%gather3A_317], %and3A_322 masked %lt3A_313 : memref<512xi32, #tpu.memory_space<vmem>>[vector<16xi32>], vector<16xi32>, vector<16xi1>
    %mul3A_323 = arith.constant 512 : i32
    %mul3A_324 = arith.muli %add3A_41, %mul3A_323 : i32
    "tpu.region"() ({
      %run_scoped3A = tpu.sem_alloc : memref<!tpu.dma_semaphore, #tpu.memory_space<semaphore_mem>>
      %dma_start3A = tpu.memref_slice %arg5[%mul3A_324] : memref<32768xi32, #tpu.memory_space<hbm>> -> memref<512xi32, #tpu.memory_space<hbm>>
      %dma_start3A_619 = tpu.memref_slice %arg5[%mul3A_324] : memref<32768xi32, #tpu.memory_space<hbm>> -> memref<512xi32, #tpu.memory_space<hbm>>
      tpu.enqueue_dma source(%arg14 : memref<512xi32, #tpu.memory_space<vmem>>) target(%dma_start3A_619 : memref<512xi32, #tpu.memory_space<hbm>>) target_semaphore(%run_scoped3A : memref<!tpu.dma_semaphore, #tpu.memory_space<semaphore_mem>>)
      %dma_wait3A = tpu.memref_slice %arg5[%mul3A_324] : memref<32768xi32, #tpu.memory_space<hbm>> -> memref<512xi32, #tpu.memory_space<hbm>>
      %dma_wait3A_620 = tpu.memref_slice %arg5[%mul3A_324] : memref<32768xi32, #tpu.memory_space<hbm>> -> memref<512xi32, #tpu.memory_space<hbm>>
      tpu.wait_dma2 semaphore(%run_scoped3A : memref<!tpu.dma_semaphore, #tpu.memory_space<semaphore_mem>>) src(%arg14 : memref<512xi32, #tpu.memory_space<vmem>>) dst(%dma_wait3A_620 : memref<512xi32, #tpu.memory_space<hbm>>)
      tpu.yield
    }) : () -> ()
    %mul3A_325 = arith.constant 2 : i32
    %mul3A_326 = arith.muli %add3A, %mul3A_325 : i32
    %add3A_327 = arith.constant 1 : i32
    %add3A_328 = arith.addi %mul3A_326, %add3A_327 : i32
    %swap3A_329 = arith.constant 0 : index
    %swap3A_330 = tpu.vector_load %arg14[%swap3A_329] {strides = array<i32>} : memref<512xi32, #tpu.memory_space<vmem>>, vector<16xi32>,
    tpu.vector_store %arg14[%swap3A_329], %broadcast_in_dim3A_1 {strides = array<i32>} : memref<512xi32, #tpu.memory_space<vmem>>, vector<16xi32>,
    %swap3A_331 = arith.constant 16 : index
    %swap3A_332 = tpu.vector_load %arg14[%swap3A_331] {strides = array<i32>} : memref<512xi32, #tpu.memory_space<vmem>>, vector<16xi32>,
    tpu.vector_store %arg14[%swap3A_331], %broadcast_in_dim3A_1 {strides = array<i32>} : memref<512xi32, #tpu.memory_space<vmem>>, vector<16xi32>,
    %swap3A_333 = arith.constant 32 : index
    %swap3A_334 = tpu.vector_load %arg14[%swap3A_333] {strides = array<i32>} : memref<512xi32, #tpu.memory_space<vmem>>, vector<16xi32>,
    tpu.vector_store %arg14[%swap3A_333], %broadcast_in_dim3A_1 {strides = array<i32>} : memref<512xi32, #tpu.memory_space<vmem>>, vector<16xi32>,
    %swap3A_335 = arith.constant 48 : index
    %swap3A_336 = tpu.vector_load %arg14[%swap3A_335] {strides = array<i32>} : memref<512xi32, #tpu.memory_space<vmem>>, vector<16xi32>,
    tpu.vector_store %arg14[%swap3A_335], %broadcast_in_dim3A_1 {strides = array<i32>} : memref<512xi32, #tpu.memory_space<vmem>>, vector<16xi32>,
    %swap3A_337 = arith.constant 64 : index
    %swap3A_338 = tpu.vector_load %arg14[%swap3A_337] {strides = array<i32>} : memref<512xi32, #tpu.memory_space<vmem>>, vector<16xi32>,
    tpu.vector_store %arg14[%swap3A_337], %broadcast_in_dim3A_1 {strides = array<i32>} : memref<512xi32, #tpu.memory_space<vmem>>, vector<16xi32>,
    %swap3A_339 = arith.constant 80 : index
    %swap3A_340 = tpu.vector_load %arg14[%swap3A_339] {strides = array<i32>} : memref<512xi32, #tpu.memory_space<vmem>>, vector<16xi32>,
    tpu.vector_store %arg14[%swap3A_339], %broadcast_in_dim3A_1 {strides = array<i32>} : memref<512xi32, #tpu.memory_space<vmem>>, vector<16xi32>,
    %swap3A_341 = arith.constant 96 : index
    %swap3A_342 = tpu.vector_load %arg14[%swap3A_341] {strides = array<i32>} : memref<512xi32, #tpu.memory_space<vmem>>, vector<16xi32>,
    tpu.vector_store %arg14[%swap3A_341], %broadcast_in_dim3A_1 {strides = array<i32>} : memref<512xi32, #tpu.memory_space<vmem>>, vector<16xi32>,
    %swap3A_343 = arith.constant 112 : index
    %swap3A_344 = tpu.vector_load %arg14[%swap3A_343] {strides = array<i32>} : memref<512xi32, #tpu.memory_space<vmem>>, vector<16xi32>,
    tpu.vector_store %arg14[%swap3A_343], %broadcast_in_dim3A_1 {strides = array<i32>} : memref<512xi32, #tpu.memory_space<vmem>>, vector<16xi32>,
    %swap3A_345 = arith.constant 128 : index
    %swap3A_346 = tpu.vector_load %arg14[%swap3A_345] {strides = array<i32>} : memref<512xi32, #tpu.memory_space<vmem>>, vector<16xi32>,
    tpu.vector_store %arg14[%swap3A_345], %broadcast_in_dim3A_1 {strides = array<i32>} : memref<512xi32, #tpu.memory_space<vmem>>, vector<16xi32>,
    %swap3A_347 = arith.constant 144 : index
    %swap3A_348 = tpu.vector_load %arg14[%swap3A_347] {strides = array<i32>} : memref<512xi32, #tpu.memory_space<vmem>>, vector<16xi32>,
    tpu.vector_store %arg14[%swap3A_347], %broadcast_in_dim3A_1 {strides = array<i32>} : memref<512xi32, #tpu.memory_space<vmem>>, vector<16xi32>,
    %swap3A_349 = arith.constant 160 : index
    %swap3A_350 = tpu.vector_load %arg14[%swap3A_349] {strides = array<i32>} : memref<512xi32, #tpu.memory_space<vmem>>, vector<16xi32>,
    tpu.vector_store %arg14[%swap3A_349], %broadcast_in_dim3A_1 {strides = array<i32>} : memref<512xi32, #tpu.memory_space<vmem>>, vector<16xi32>,
    %swap3A_351 = arith.constant 176 : index
    %swap3A_352 = tpu.vector_load %arg14[%swap3A_351] {strides = array<i32>} : memref<512xi32, #tpu.memory_space<vmem>>, vector<16xi32>,
    tpu.vector_store %arg14[%swap3A_351], %broadcast_in_dim3A_1 {strides = array<i32>} : memref<512xi32, #tpu.memory_space<vmem>>, vector<16xi32>,
    %swap3A_353 = arith.constant 192 : index
    %swap3A_354 = tpu.vector_load %arg14[%swap3A_353] {strides = array<i32>} : memref<512xi32, #tpu.memory_space<vmem>>, vector<16xi32>,
    tpu.vector_store %arg14[%swap3A_353], %broadcast_in_dim3A_1 {strides = array<i32>} : memref<512xi32, #tpu.memory_space<vmem>>, vector<16xi32>,
    %swap3A_355 = arith.constant 208 : index
    %swap3A_356 = tpu.vector_load %arg14[%swap3A_355] {strides = array<i32>} : memref<512xi32, #tpu.memory_space<vmem>>, vector<16xi32>,
    tpu.vector_store %arg14[%swap3A_355], %broadcast_in_dim3A_1 {strides = array<i32>} : memref<512xi32, #tpu.memory_space<vmem>>, vector<16xi32>,
    %swap3A_357 = arith.constant 224 : index
    %swap3A_358 = tpu.vector_load %arg14[%swap3A_357] {strides = array<i32>} : memref<512xi32, #tpu.memory_space<vmem>>, vector<16xi32>,
    tpu.vector_store %arg14[%swap3A_357], %broadcast_in_dim3A_1 {strides = array<i32>} : memref<512xi32, #tpu.memory_space<vmem>>, vector<16xi32>,
    %swap3A_359 = arith.constant 240 : index
    %swap3A_360 = tpu.vector_load %arg14[%swap3A_359] {strides = array<i32>} : memref<512xi32, #tpu.memory_space<vmem>>, vector<16xi32>,
    tpu.vector_store %arg14[%swap3A_359], %broadcast_in_dim3A_1 {strides = array<i32>} : memref<512xi32, #tpu.memory_space<vmem>>, vector<16xi32>,
    %swap3A_361 = arith.constant 256 : index
    %swap3A_362 = tpu.vector_load %arg14[%swap3A_361] {strides = array<i32>} : memref<512xi32, #tpu.memory_space<vmem>>, vector<16xi32>,
    tpu.vector_store %arg14[%swap3A_361], %broadcast_in_dim3A_1 {strides = array<i32>} : memref<512xi32, #tpu.memory_space<vmem>>, vector<16xi32>,
    %swap3A_363 = arith.constant 272 : index
    %swap3A_364 = tpu.vector_load %arg14[%swap3A_363] {strides = array<i32>} : memref<512xi32, #tpu.memory_space<vmem>>, vector<16xi32>,
    tpu.vector_store %arg14[%swap3A_363], %broadcast_in_dim3A_1 {strides = array<i32>} : memref<512xi32, #tpu.memory_space<vmem>>, vector<16xi32>,
    %swap3A_365 = arith.constant 288 : index
    %swap3A_366 = tpu.vector_load %arg14[%swap3A_365] {strides = array<i32>} : memref<512xi32, #tpu.memory_space<vmem>>, vector<16xi32>,
    tpu.vector_store %arg14[%swap3A_365], %broadcast_in_dim3A_1 {strides = array<i32>} : memref<512xi32, #tpu.memory_space<vmem>>, vector<16xi32>,
    %swap3A_367 = arith.constant 304 : index
    %swap3A_368 = tpu.vector_load %arg14[%swap3A_367] {strides = array<i32>} : memref<512xi32, #tpu.memory_space<vmem>>, vector<16xi32>,
    tpu.vector_store %arg14[%swap3A_367], %broadcast_in_dim3A_1 {strides = array<i32>} : memref<512xi32, #tpu.memory_space<vmem>>, vector<16xi32>,
    %swap3A_369 = arith.constant 320 : index
    %swap3A_370 = tpu.vector_load %arg14[%swap3A_369] {strides = array<i32>} : memref<512xi32, #tpu.memory_space<vmem>>, vector<16xi32>,
    tpu.vector_store %arg14[%swap3A_369], %broadcast_in_dim3A_1 {strides = array<i32>} : memref<512xi32, #tpu.memory_space<vmem>>, vector<16xi32>,
    %swap3A_371 = arith.constant 336 : index
    %swap3A_372 = tpu.vector_load %arg14[%swap3A_371] {strides = array<i32>} : memref<512xi32, #tpu.memory_space<vmem>>, vector<16xi32>,
    tpu.vector_store %arg14[%swap3A_371], %broadcast_in_dim3A_1 {strides = array<i32>} : memref<512xi32, #tpu.memory_space<vmem>>, vector<16xi32>,
    %swap3A_373 = arith.constant 352 : index
    %swap3A_374 = tpu.vector_load %arg14[%swap3A_373] {strides = array<i32>} : memref<512xi32, #tpu.memory_space<vmem>>, vector<16xi32>,
    tpu.vector_store %arg14[%swap3A_373], %broadcast_in_dim3A_1 {strides = array<i32>} : memref<512xi32, #tpu.memory_space<vmem>>, vector<16xi32>,
    %swap3A_375 = arith.constant 368 : index
    %swap3A_376 = tpu.vector_load %arg14[%swap3A_375] {strides = array<i32>} : memref<512xi32, #tpu.memory_space<vmem>>, vector<16xi32>,
    tpu.vector_store %arg14[%swap3A_375], %broadcast_in_dim3A_1 {strides = array<i32>} : memref<512xi32, #tpu.memory_space<vmem>>, vector<16xi32>,
    %swap3A_377 = arith.constant 384 : index
    %swap3A_378 = tpu.vector_load %arg14[%swap3A_377] {strides = array<i32>} : memref<512xi32, #tpu.memory_space<vmem>>, vector<16xi32>,
    tpu.vector_store %arg14[%swap3A_377], %broadcast_in_dim3A_1 {strides = array<i32>} : memref<512xi32, #tpu.memory_space<vmem>>, vector<16xi32>,
    %swap3A_379 = arith.constant 400 : index
    %swap3A_380 = tpu.vector_load %arg14[%swap3A_379] {strides = array<i32>} : memref<512xi32, #tpu.memory_space<vmem>>, vector<16xi32>,
    tpu.vector_store %arg14[%swap3A_379], %broadcast_in_dim3A_1 {strides = array<i32>} : memref<512xi32, #tpu.memory_space<vmem>>, vector<16xi32>,
    %swap3A_381 = arith.constant 416 : index
    %swap3A_382 = tpu.vector_load %arg14[%swap3A_381] {strides = array<i32>} : memref<512xi32, #tpu.memory_space<vmem>>, vector<16xi32>,
    tpu.vector_store %arg14[%swap3A_381], %broadcast_in_dim3A_1 {strides = array<i32>} : memref<512xi32, #tpu.memory_space<vmem>>, vector<16xi32>,
    %swap3A_383 = arith.constant 432 : index
    %swap3A_384 = tpu.vector_load %arg14[%swap3A_383] {strides = array<i32>} : memref<512xi32, #tpu.memory_space<vmem>>, vector<16xi32>,
    tpu.vector_store %arg14[%swap3A_383], %broadcast_in_dim3A_1 {strides = array<i32>} : memref<512xi32, #tpu.memory_space<vmem>>, vector<16xi32>,
    %swap3A_385 = arith.constant 448 : index
    %swap3A_386 = tpu.vector_load %arg14[%swap3A_385] {strides = array<i32>} : memref<512xi32, #tpu.memory_space<vmem>>, vector<16xi32>,
    tpu.vector_store %arg14[%swap3A_385], %broadcast_in_dim3A_1 {strides = array<i32>} : memref<512xi32, #tpu.memory_space<vmem>>, vector<16xi32>,
    %swap3A_387 = arith.constant 464 : index
    %swap3A_388 = tpu.vector_load %arg14[%swap3A_387] {strides = array<i32>} : memref<512xi32, #tpu.memory_space<vmem>>, vector<16xi32>,
    tpu.vector_store %arg14[%swap3A_387], %broadcast_in_dim3A_1 {strides = array<i32>} : memref<512xi32, #tpu.memory_space<vmem>>, vector<16xi32>,
    %swap3A_389 = arith.constant 480 : index
    %swap3A_390 = tpu.vector_load %arg14[%swap3A_389] {strides = array<i32>} : memref<512xi32, #tpu.memory_space<vmem>>, vector<16xi32>,
    tpu.vector_store %arg14[%swap3A_389], %broadcast_in_dim3A_1 {strides = array<i32>} : memref<512xi32, #tpu.memory_space<vmem>>, vector<16xi32>,
    %swap3A_391 = arith.constant 496 : index
    %swap3A_392 = tpu.vector_load %arg14[%swap3A_391] {strides = array<i32>} : memref<512xi32, #tpu.memory_space<vmem>>, vector<16xi32>,
    tpu.vector_store %arg14[%swap3A_391], %broadcast_in_dim3A_1 {strides = array<i32>} : memref<512xi32, #tpu.memory_space<vmem>>, vector<16xi32>,
    %get3A_393 = arith.constant 0 : index
    %get3A_394 = tpu.vector_load %arg13[%get3A_393] {strides = array<i32>} : memref<256xi32, #tpu.memory_space<vmem>>, vector<16xi32>,
    %lt3A_395 = arith.constant 512 : i32
    %lt3A_396 = vector.broadcast %lt3A_395 : i32 to vector<16xi32>
    %lt3A_397 = arith.cmpi slt, %get3A_394, %lt3A_396 : vector<16xi32>
    %jit3A_398 = arith.constant 0 : i32
    %broadcast_in_dim3A_399 = vector.broadcast %jit3A_398 : i32 to vector<16xi32>
    %select_n3A_400 = arith.select %lt3A_397, %get3A_394, %broadcast_in_dim3A_399 : vector<16xi1>, vector<16xi32>
    %gather3A_401 = tpu.vector_load_idx %arg11[%select_n3A_400] : memref<512xi32, #tpu.memory_space<vmem>>[vector<16xi32>], vector<16xi32>,
    %get3A_402 = arith.constant 4096 : index
    %get3A_403 = tpu.vector_load %arg7[%get3A_402] {strides = array<i32>} : memref<4352xi32, #tpu.memory_space<vmem>>, vector<16xi32>,
    %and3A_404 = arith.constant 1 : i32
    %and3A_405 = vector.broadcast %and3A_404 : i32 to vector<16xi32>
    %and3A_406 = arith.andi %get3A_403, %and3A_405 : vector<16xi32>
    tpu.vector_store_idx %arg14[%gather3A_401], %and3A_406 masked %lt3A_397 : memref<512xi32, #tpu.memory_space<vmem>>[vector<16xi32>], vector<16xi32>, vector<16xi1>
    %get3A_407 = arith.constant 16 : index
    %get3A_408 = tpu.vector_load %arg13[%get3A_407] {strides = array<i32>} : memref<256xi32, #tpu.memory_space<vmem>>, vector<16xi32>,
    %lt3A_409 = arith.constant 512 : i32
    %lt3A_410 = vector.broadcast %lt3A_409 : i32 to vector<16xi32>
    %lt3A_411 = arith.cmpi slt, %get3A_408, %lt3A_410 : vector<16xi32>
    %jit3A_412 = arith.constant 0 : i32
    %broadcast_in_dim3A_413 = vector.broadcast %jit3A_412 : i32 to vector<16xi32>
    %select_n3A_414 = arith.select %lt3A_411, %get3A_408, %broadcast_in_dim3A_413 : vector<16xi1>, vector<16xi32>
    %gather3A_415 = tpu.vector_load_idx %arg11[%select_n3A_414] : memref<512xi32, #tpu.memory_space<vmem>>[vector<16xi32>], vector<16xi32>,
    %get3A_416 = arith.constant 4112 : index
    %get3A_417 = tpu.vector_load %arg7[%get3A_416] {strides = array<i32>} : memref<4352xi32, #tpu.memory_space<vmem>>, vector<16xi32>,
    %and3A_418 = arith.constant 1 : i32
    %and3A_419 = vector.broadcast %and3A_418 : i32 to vector<16xi32>
    %and3A_420 = arith.andi %get3A_417, %and3A_419 : vector<16xi32>
    tpu.vector_store_idx %arg14[%gather3A_415], %and3A_420 masked %lt3A_411 : memref<512xi32, #tpu.memory_space<vmem>>[vector<16xi32>], vector<16xi32>, vector<16xi1>
    %get3A_421 = arith.constant 32 : index
    %get3A_422 = tpu.vector_load %arg13[%get3A_421] {strides = array<i32>} : memref<256xi32, #tpu.memory_space<vmem>>, vector<16xi32>,
    %lt3A_423 = arith.constant 512 : i32
    %lt3A_424 = vector.broadcast %lt3A_423 : i32 to vector<16xi32>
    %lt3A_425 = arith.cmpi slt, %get3A_422, %lt3A_424 : vector<16xi32>
    %jit3A_426 = arith.constant 0 : i32
    %broadcast_in_dim3A_427 = vector.broadcast %jit3A_426 : i32 to vector<16xi32>
    %select_n3A_428 = arith.select %lt3A_425, %get3A_422, %broadcast_in_dim3A_427 : vector<16xi1>, vector<16xi32>
    %gather3A_429 = tpu.vector_load_idx %arg11[%select_n3A_428] : memref<512xi32, #tpu.memory_space<vmem>>[vector<16xi32>], vector<16xi32>,
    %get3A_430 = arith.constant 4128 : index
    %get3A_431 = tpu.vector_load %arg7[%get3A_430] {strides = array<i32>} : memref<4352xi32, #tpu.memory_space<vmem>>, vector<16xi32>,
    %and3A_432 = arith.constant 1 : i32
    %and3A_433 = vector.broadcast %and3A_432 : i32 to vector<16xi32>
    %and3A_434 = arith.andi %get3A_431, %and3A_433 : vector<16xi32>
    tpu.vector_store_idx %arg14[%gather3A_429], %and3A_434 masked %lt3A_425 : memref<512xi32, #tpu.memory_space<vmem>>[vector<16xi32>], vector<16xi32>, vector<16xi1>
    %get3A_435 = arith.constant 48 : index
    %get3A_436 = tpu.vector_load %arg13[%get3A_435] {strides = array<i32>} : memref<256xi32, #tpu.memory_space<vmem>>, vector<16xi32>,
    %lt3A_437 = arith.constant 512 : i32
    %lt3A_438 = vector.broadcast %lt3A_437 : i32 to vector<16xi32>
    %lt3A_439 = arith.cmpi slt, %get3A_436, %lt3A_438 : vector<16xi32>
    %jit3A_440 = arith.constant 0 : i32
    %broadcast_in_dim3A_441 = vector.broadcast %jit3A_440 : i32 to vector<16xi32>
    %select_n3A_442 = arith.select %lt3A_439, %get3A_436, %broadcast_in_dim3A_441 : vector<16xi1>, vector<16xi32>
    %gather3A_443 = tpu.vector_load_idx %arg11[%select_n3A_442] : memref<512xi32, #tpu.memory_space<vmem>>[vector<16xi32>], vector<16xi32>,
    %get3A_444 = arith.constant 4144 : index
    %get3A_445 = tpu.vector_load %arg7[%get3A_444] {strides = array<i32>} : memref<4352xi32, #tpu.memory_space<vmem>>, vector<16xi32>,
    %and3A_446 = arith.constant 1 : i32
    %and3A_447 = vector.broadcast %and3A_446 : i32 to vector<16xi32>
    %and3A_448 = arith.andi %get3A_445, %and3A_447 : vector<16xi32>
    tpu.vector_store_idx %arg14[%gather3A_443], %and3A_448 masked %lt3A_439 : memref<512xi32, #tpu.memory_space<vmem>>[vector<16xi32>], vector<16xi32>, vector<16xi1>
    %get3A_449 = arith.constant 64 : index
    %get3A_450 = tpu.vector_load %arg13[%get3A_449] {strides = array<i32>} : memref<256xi32, #tpu.memory_space<vmem>>, vector<16xi32>,
    %lt3A_451 = arith.constant 512 : i32
    %lt3A_452 = vector.broadcast %lt3A_451 : i32 to vector<16xi32>
    %lt3A_453 = arith.cmpi slt, %get3A_450, %lt3A_452 : vector<16xi32>
    %jit3A_454 = arith.constant 0 : i32
    %broadcast_in_dim3A_455 = vector.broadcast %jit3A_454 : i32 to vector<16xi32>
    %select_n3A_456 = arith.select %lt3A_453, %get3A_450, %broadcast_in_dim3A_455 : vector<16xi1>, vector<16xi32>
    %gather3A_457 = tpu.vector_load_idx %arg11[%select_n3A_456] : memref<512xi32, #tpu.memory_space<vmem>>[vector<16xi32>], vector<16xi32>,
    %get3A_458 = arith.constant 4160 : index
    %get3A_459 = tpu.vector_load %arg7[%get3A_458] {strides = array<i32>} : memref<4352xi32, #tpu.memory_space<vmem>>, vector<16xi32>,
    %and3A_460 = arith.constant 1 : i32
    %and3A_461 = vector.broadcast %and3A_460 : i32 to vector<16xi32>
    %and3A_462 = arith.andi %get3A_459, %and3A_461 : vector<16xi32>
    tpu.vector_store_idx %arg14[%gather3A_457], %and3A_462 masked %lt3A_453 : memref<512xi32, #tpu.memory_space<vmem>>[vector<16xi32>], vector<16xi32>, vector<16xi1>
    %get3A_463 = arith.constant 80 : index
    %get3A_464 = tpu.vector_load %arg13[%get3A_463] {strides = array<i32>} : memref<256xi32, #tpu.memory_space<vmem>>, vector<16xi32>,
    %lt3A_465 = arith.constant 512 : i32
    %lt3A_466 = vector.broadcast %lt3A_465 : i32 to vector<16xi32>
    %lt3A_467 = arith.cmpi slt, %get3A_464, %lt3A_466 : vector<16xi32>
    %jit3A_468 = arith.constant 0 : i32
    %broadcast_in_dim3A_469 = vector.broadcast %jit3A_468 : i32 to vector<16xi32>
    %select_n3A_470 = arith.select %lt3A_467, %get3A_464, %broadcast_in_dim3A_469 : vector<16xi1>, vector<16xi32>
    %gather3A_471 = tpu.vector_load_idx %arg11[%select_n3A_470] : memref<512xi32, #tpu.memory_space<vmem>>[vector<16xi32>], vector<16xi32>,
    %get3A_472 = arith.constant 4176 : index
    %get3A_473 = tpu.vector_load %arg7[%get3A_472] {strides = array<i32>} : memref<4352xi32, #tpu.memory_space<vmem>>, vector<16xi32>,
    %and3A_474 = arith.constant 1 : i32
    %and3A_475 = vector.broadcast %and3A_474 : i32 to vector<16xi32>
    %and3A_476 = arith.andi %get3A_473, %and3A_475 : vector<16xi32>
    tpu.vector_store_idx %arg14[%gather3A_471], %and3A_476 masked %lt3A_467 : memref<512xi32, #tpu.memory_space<vmem>>[vector<16xi32>], vector<16xi32>, vector<16xi1>
    %get3A_477 = arith.constant 96 : index
    %get3A_478 = tpu.vector_load %arg13[%get3A_477] {strides = array<i32>} : memref<256xi32, #tpu.memory_space<vmem>>, vector<16xi32>,
    %lt3A_479 = arith.constant 512 : i32
    %lt3A_480 = vector.broadcast %lt3A_479 : i32 to vector<16xi32>
    %lt3A_481 = arith.cmpi slt, %get3A_478, %lt3A_480 : vector<16xi32>
    %jit3A_482 = arith.constant 0 : i32
    %broadcast_in_dim3A_483 = vector.broadcast %jit3A_482 : i32 to vector<16xi32>
    %select_n3A_484 = arith.select %lt3A_481, %get3A_478, %broadcast_in_dim3A_483 : vector<16xi1>, vector<16xi32>
    %gather3A_485 = tpu.vector_load_idx %arg11[%select_n3A_484] : memref<512xi32, #tpu.memory_space<vmem>>[vector<16xi32>], vector<16xi32>,
    %get3A_486 = arith.constant 4192 : index
    %get3A_487 = tpu.vector_load %arg7[%get3A_486] {strides = array<i32>} : memref<4352xi32, #tpu.memory_space<vmem>>, vector<16xi32>,
    %and3A_488 = arith.constant 1 : i32
    %and3A_489 = vector.broadcast %and3A_488 : i32 to vector<16xi32>
    %and3A_490 = arith.andi %get3A_487, %and3A_489 : vector<16xi32>
    tpu.vector_store_idx %arg14[%gather3A_485], %and3A_490 masked %lt3A_481 : memref<512xi32, #tpu.memory_space<vmem>>[vector<16xi32>], vector<16xi32>, vector<16xi1>
    %get3A_491 = arith.constant 112 : index
    %get3A_492 = tpu.vector_load %arg13[%get3A_491] {strides = array<i32>} : memref<256xi32, #tpu.memory_space<vmem>>, vector<16xi32>,
    %lt3A_493 = arith.constant 512 : i32
    %lt3A_494 = vector.broadcast %lt3A_493 : i32 to vector<16xi32>
    %lt3A_495 = arith.cmpi slt, %get3A_492, %lt3A_494 : vector<16xi32>
    %jit3A_496 = arith.constant 0 : i32
    %broadcast_in_dim3A_497 = vector.broadcast %jit3A_496 : i32 to vector<16xi32>
    %select_n3A_498 = arith.select %lt3A_495, %get3A_492, %broadcast_in_dim3A_497 : vector<16xi1>, vector<16xi32>
    %gather3A_499 = tpu.vector_load_idx %arg11[%select_n3A_498] : memref<512xi32, #tpu.memory_space<vmem>>[vector<16xi32>], vector<16xi32>,
    %get3A_500 = arith.constant 4208 : index
    %get3A_501 = tpu.vector_load %arg7[%get3A_500] {strides = array<i32>} : memref<4352xi32, #tpu.memory_space<vmem>>, vector<16xi32>,
    %and3A_502 = arith.constant 1 : i32
    %and3A_503 = vector.broadcast %and3A_502 : i32 to vector<16xi32>
    %and3A_504 = arith.andi %get3A_501, %and3A_503 : vector<16xi32>
    tpu.vector_store_idx %arg14[%gather3A_499], %and3A_504 masked %lt3A_495 : memref<512xi32, #tpu.memory_space<vmem>>[vector<16xi32>], vector<16xi32>, vector<16xi1>
    %get3A_505 = arith.constant 128 : index
    %get3A_506 = tpu.vector_load %arg13[%get3A_505] {strides = array<i32>} : memref<256xi32, #tpu.memory_space<vmem>>, vector<16xi32>,
    %lt3A_507 = arith.constant 512 : i32
    %lt3A_508 = vector.broadcast %lt3A_507 : i32 to vector<16xi32>
    %lt3A_509 = arith.cmpi slt, %get3A_506, %lt3A_508 : vector<16xi32>
    %jit3A_510 = arith.constant 0 : i32
    %broadcast_in_dim3A_511 = vector.broadcast %jit3A_510 : i32 to vector<16xi32>
    %select_n3A_512 = arith.select %lt3A_509, %get3A_506, %broadcast_in_dim3A_511 : vector<16xi1>, vector<16xi32>
    %gather3A_513 = tpu.vector_load_idx %arg11[%select_n3A_512] : memref<512xi32, #tpu.memory_space<vmem>>[vector<16xi32>], vector<16xi32>,
    %get3A_514 = arith.constant 4224 : index
    %get3A_515 = tpu.vector_load %arg7[%get3A_514] {strides = array<i32>} : memref<4352xi32, #tpu.memory_space<vmem>>, vector<16xi32>,
    %and3A_516 = arith.constant 1 : i32
    %and3A_517 = vector.broadcast %and3A_516 : i32 to vector<16xi32>
    %and3A_518 = arith.andi %get3A_515, %and3A_517 : vector<16xi32>
    tpu.vector_store_idx %arg14[%gather3A_513], %and3A_518 masked %lt3A_509 : memref<512xi32, #tpu.memory_space<vmem>>[vector<16xi32>], vector<16xi32>, vector<16xi1>
    %get3A_519 = arith.constant 144 : index
    %get3A_520 = tpu.vector_load %arg13[%get3A_519] {strides = array<i32>} : memref<256xi32, #tpu.memory_space<vmem>>, vector<16xi32>,
    %lt3A_521 = arith.constant 512 : i32
    %lt3A_522 = vector.broadcast %lt3A_521 : i32 to vector<16xi32>
    %lt3A_523 = arith.cmpi slt, %get3A_520, %lt3A_522 : vector<16xi32>
    %jit3A_524 = arith.constant 0 : i32
    %broadcast_in_dim3A_525 = vector.broadcast %jit3A_524 : i32 to vector<16xi32>
    %select_n3A_526 = arith.select %lt3A_523, %get3A_520, %broadcast_in_dim3A_525 : vector<16xi1>, vector<16xi32>
    %gather3A_527 = tpu.vector_load_idx %arg11[%select_n3A_526] : memref<512xi32, #tpu.memory_space<vmem>>[vector<16xi32>], vector<16xi32>,
    %get3A_528 = arith.constant 4240 : index
    %get3A_529 = tpu.vector_load %arg7[%get3A_528] {strides = array<i32>} : memref<4352xi32, #tpu.memory_space<vmem>>, vector<16xi32>,
    %and3A_530 = arith.constant 1 : i32
    %and3A_531 = vector.broadcast %and3A_530 : i32 to vector<16xi32>
    %and3A_532 = arith.andi %get3A_529, %and3A_531 : vector<16xi32>
    tpu.vector_store_idx %arg14[%gather3A_527], %and3A_532 masked %lt3A_523 : memref<512xi32, #tpu.memory_space<vmem>>[vector<16xi32>], vector<16xi32>, vector<16xi1>
    %get3A_533 = arith.constant 160 : index
    %get3A_534 = tpu.vector_load %arg13[%get3A_533] {strides = array<i32>} : memref<256xi32, #tpu.memory_space<vmem>>, vector<16xi32>,
    %lt3A_535 = arith.constant 512 : i32
    %lt3A_536 = vector.broadcast %lt3A_535 : i32 to vector<16xi32>
    %lt3A_537 = arith.cmpi slt, %get3A_534, %lt3A_536 : vector<16xi32>
    %jit3A_538 = arith.constant 0 : i32
    %broadcast_in_dim3A_539 = vector.broadcast %jit3A_538 : i32 to vector<16xi32>
    %select_n3A_540 = arith.select %lt3A_537, %get3A_534, %broadcast_in_dim3A_539 : vector<16xi1>, vector<16xi32>
    %gather3A_541 = tpu.vector_load_idx %arg11[%select_n3A_540] : memref<512xi32, #tpu.memory_space<vmem>>[vector<16xi32>], vector<16xi32>,
    %get3A_542 = arith.constant 4256 : index
    %get3A_543 = tpu.vector_load %arg7[%get3A_542] {strides = array<i32>} : memref<4352xi32, #tpu.memory_space<vmem>>, vector<16xi32>,
    %and3A_544 = arith.constant 1 : i32
    %and3A_545 = vector.broadcast %and3A_544 : i32 to vector<16xi32>
    %and3A_546 = arith.andi %get3A_543, %and3A_545 : vector<16xi32>
    tpu.vector_store_idx %arg14[%gather3A_541], %and3A_546 masked %lt3A_537 : memref<512xi32, #tpu.memory_space<vmem>>[vector<16xi32>], vector<16xi32>, vector<16xi1>
    %get3A_547 = arith.constant 176 : index
    %get3A_548 = tpu.vector_load %arg13[%get3A_547] {strides = array<i32>} : memref<256xi32, #tpu.memory_space<vmem>>, vector<16xi32>,
    %lt3A_549 = arith.constant 512 : i32
    %lt3A_550 = vector.broadcast %lt3A_549 : i32 to vector<16xi32>
    %lt3A_551 = arith.cmpi slt, %get3A_548, %lt3A_550 : vector<16xi32>
    %jit3A_552 = arith.constant 0 : i32
    %broadcast_in_dim3A_553 = vector.broadcast %jit3A_552 : i32 to vector<16xi32>
    %select_n3A_554 = arith.select %lt3A_551, %get3A_548, %broadcast_in_dim3A_553 : vector<16xi1>, vector<16xi32>
    %gather3A_555 = tpu.vector_load_idx %arg11[%select_n3A_554] : memref<512xi32, #tpu.memory_space<vmem>>[vector<16xi32>], vector<16xi32>,
    %get3A_556 = arith.constant 4272 : index
    %get3A_557 = tpu.vector_load %arg7[%get3A_556] {strides = array<i32>} : memref<4352xi32, #tpu.memory_space<vmem>>, vector<16xi32>,
    %and3A_558 = arith.constant 1 : i32
    %and3A_559 = vector.broadcast %and3A_558 : i32 to vector<16xi32>
    %and3A_560 = arith.andi %get3A_557, %and3A_559 : vector<16xi32>
    tpu.vector_store_idx %arg14[%gather3A_555], %and3A_560 masked %lt3A_551 : memref<512xi32, #tpu.memory_space<vmem>>[vector<16xi32>], vector<16xi32>, vector<16xi1>
    %get3A_561 = arith.constant 192 : index
    %get3A_562 = tpu.vector_load %arg13[%get3A_561] {strides = array<i32>} : memref<256xi32, #tpu.memory_space<vmem>>, vector<16xi32>,
    %lt3A_563 = arith.constant 512 : i32
    %lt3A_564 = vector.broadcast %lt3A_563 : i32 to vector<16xi32>
    %lt3A_565 = arith.cmpi slt, %get3A_562, %lt3A_564 : vector<16xi32>
    %jit3A_566 = arith.constant 0 : i32
    %broadcast_in_dim3A_567 = vector.broadcast %jit3A_566 : i32 to vector<16xi32>
    %select_n3A_568 = arith.select %lt3A_565, %get3A_562, %broadcast_in_dim3A_567 : vector<16xi1>, vector<16xi32>
    %gather3A_569 = tpu.vector_load_idx %arg11[%select_n3A_568] : memref<512xi32, #tpu.memory_space<vmem>>[vector<16xi32>], vector<16xi32>,
    %get3A_570 = arith.constant 4288 : index
    %get3A_571 = tpu.vector_load %arg7[%get3A_570] {strides = array<i32>} : memref<4352xi32, #tpu.memory_space<vmem>>, vector<16xi32>,
    %and3A_572 = arith.constant 1 : i32
    %and3A_573 = vector.broadcast %and3A_572 : i32 to vector<16xi32>
    %and3A_574 = arith.andi %get3A_571, %and3A_573 : vector<16xi32>
    tpu.vector_store_idx %arg14[%gather3A_569], %and3A_574 masked %lt3A_565 : memref<512xi32, #tpu.memory_space<vmem>>[vector<16xi32>], vector<16xi32>, vector<16xi1>
    %get3A_575 = arith.constant 208 : index
    %get3A_576 = tpu.vector_load %arg13[%get3A_575] {strides = array<i32>} : memref<256xi32, #tpu.memory_space<vmem>>, vector<16xi32>,
    %lt3A_577 = arith.constant 512 : i32
    %lt3A_578 = vector.broadcast %lt3A_577 : i32 to vector<16xi32>
    %lt3A_579 = arith.cmpi slt, %get3A_576, %lt3A_578 : vector<16xi32>
    %jit3A_580 = arith.constant 0 : i32
    %broadcast_in_dim3A_581 = vector.broadcast %jit3A_580 : i32 to vector<16xi32>
    %select_n3A_582 = arith.select %lt3A_579, %get3A_576, %broadcast_in_dim3A_581 : vector<16xi1>, vector<16xi32>
    %gather3A_583 = tpu.vector_load_idx %arg11[%select_n3A_582] : memref<512xi32, #tpu.memory_space<vmem>>[vector<16xi32>], vector<16xi32>,
    %get3A_584 = arith.constant 4304 : index
    %get3A_585 = tpu.vector_load %arg7[%get3A_584] {strides = array<i32>} : memref<4352xi32, #tpu.memory_space<vmem>>, vector<16xi32>,
    %and3A_586 = arith.constant 1 : i32
    %and3A_587 = vector.broadcast %and3A_586 : i32 to vector<16xi32>
    %and3A_588 = arith.andi %get3A_585, %and3A_587 : vector<16xi32>
    tpu.vector_store_idx %arg14[%gather3A_583], %and3A_588 masked %lt3A_579 : memref<512xi32, #tpu.memory_space<vmem>>[vector<16xi32>], vector<16xi32>, vector<16xi1>
    %get3A_589 = arith.constant 224 : index
    %get3A_590 = tpu.vector_load %arg13[%get3A_589] {strides = array<i32>} : memref<256xi32, #tpu.memory_space<vmem>>, vector<16xi32>,
    %lt3A_591 = arith.constant 512 : i32
    %lt3A_592 = vector.broadcast %lt3A_591 : i32 to vector<16xi32>
    %lt3A_593 = arith.cmpi slt, %get3A_590, %lt3A_592 : vector<16xi32>
    %jit3A_594 = arith.constant 0 : i32
    %broadcast_in_dim3A_595 = vector.broadcast %jit3A_594 : i32 to vector<16xi32>
    %select_n3A_596 = arith.select %lt3A_593, %get3A_590, %broadcast_in_dim3A_595 : vector<16xi1>, vector<16xi32>
    %gather3A_597 = tpu.vector_load_idx %arg11[%select_n3A_596] : memref<512xi32, #tpu.memory_space<vmem>>[vector<16xi32>], vector<16xi32>,
    %get3A_598 = arith.constant 4320 : index
    %get3A_599 = tpu.vector_load %arg7[%get3A_598] {strides = array<i32>} : memref<4352xi32, #tpu.memory_space<vmem>>, vector<16xi32>,
    %and3A_600 = arith.constant 1 : i32
    %and3A_601 = vector.broadcast %and3A_600 : i32 to vector<16xi32>
    %and3A_602 = arith.andi %get3A_599, %and3A_601 : vector<16xi32>
    tpu.vector_store_idx %arg14[%gather3A_597], %and3A_602 masked %lt3A_593 : memref<512xi32, #tpu.memory_space<vmem>>[vector<16xi32>], vector<16xi32>, vector<16xi1>
    %get3A_603 = arith.constant 240 : index
    %get3A_604 = tpu.vector_load %arg13[%get3A_603] {strides = array<i32>} : memref<256xi32, #tpu.memory_space<vmem>>, vector<16xi32>,
    %lt3A_605 = arith.constant 512 : i32
    %lt3A_606 = vector.broadcast %lt3A_605 : i32 to vector<16xi32>
    %lt3A_607 = arith.cmpi slt, %get3A_604, %lt3A_606 : vector<16xi32>
    %jit3A_608 = arith.constant 0 : i32
    %broadcast_in_dim3A_609 = vector.broadcast %jit3A_608 : i32 to vector<16xi32>
    %select_n3A_610 = arith.select %lt3A_607, %get3A_604, %broadcast_in_dim3A_609 : vector<16xi1>, vector<16xi32>
    %gather3A_611 = tpu.vector_load_idx %arg11[%select_n3A_610] : memref<512xi32, #tpu.memory_space<vmem>>[vector<16xi32>], vector<16xi32>,
    %get3A_612 = arith.constant 4336 : index
    %get3A_613 = tpu.vector_load %arg7[%get3A_612] {strides = array<i32>} : memref<4352xi32, #tpu.memory_space<vmem>>, vector<16xi32>,
    %and3A_614 = arith.constant 1 : i32
    %and3A_615 = vector.broadcast %and3A_614 : i32 to vector<16xi32>
    %and3A_616 = arith.andi %get3A_613, %and3A_615 : vector<16xi32>
    tpu.vector_store_idx %arg14[%gather3A_611], %and3A_616 masked %lt3A_607 : memref<512xi32, #tpu.memory_space<vmem>>[vector<16xi32>], vector<16xi32>, vector<16xi1>
    %mul3A_617 = arith.constant 512 : i32
    %mul3A_618 = arith.muli %add3A_328, %mul3A_617 : i32
    "tpu.region"() ({
      %run_scoped3A = tpu.sem_alloc : memref<!tpu.dma_semaphore, #tpu.memory_space<semaphore_mem>>
      %dma_start3A = tpu.memref_slice %arg5[%mul3A_618] : memref<32768xi32, #tpu.memory_space<hbm>> -> memref<512xi32, #tpu.memory_space<hbm>>
      %dma_start3A_619 = tpu.memref_slice %arg5[%mul3A_618] : memref<32768xi32, #tpu.memory_space<hbm>> -> memref<512xi32, #tpu.memory_space<hbm>>
      tpu.enqueue_dma source(%arg14 : memref<512xi32, #tpu.memory_space<vmem>>) target(%dma_start3A_619 : memref<512xi32, #tpu.memory_space<hbm>>) target_semaphore(%run_scoped3A : memref<!tpu.dma_semaphore, #tpu.memory_space<semaphore_mem>>)
      %dma_wait3A = tpu.memref_slice %arg5[%mul3A_618] : memref<32768xi32, #tpu.memory_space<hbm>> -> memref<512xi32, #tpu.memory_space<hbm>>
      %dma_wait3A_620 = tpu.memref_slice %arg5[%mul3A_618] : memref<32768xi32, #tpu.memory_space<hbm>> -> memref<512xi32, #tpu.memory_space<hbm>>
      tpu.wait_dma2 semaphore(%run_scoped3A : memref<!tpu.dma_semaphore, #tpu.memory_space<semaphore_mem>>) src(%arg14 : memref<512xi32, #tpu.memory_space<vmem>>) dst(%dma_wait3A_620 : memref<512xi32, #tpu.memory_space<hbm>>)
      tpu.yield
    }) : () -> ()
    return
  }
}

</mosaic_0001>

<sc_bundles>
// kernel: kernel.3.cloned.1.call-start
scs
__scs_entry_jumppad:
0x0: {  	(pc) =	sbr.rel $0x88, $3  }
0x1: {  	(tag) =	ssettag $0x0;
	lr =	simm.s32 $0x1  }
0x2: {  	[smem:$0x3F9E] =	sst lr;
	_ =	strace $0xD0000000  }
0x3: {  	_ = 	snop  }
0x4: {  	_ = 	snop  }
0x5: {  	_ = 	snop  }
0x6: {  	_ = 	snop  }
0x7: {  	_ = 	snop  }
__scs_overlays_trampoline_lowered:
0x8: {  	[smem:$0x3FAD] =	sst s0  }
0x9: {  	[smem:$0x3FAE] =	sst s1  }
0xa: {  	[smem:$0x3FAF] =	sst s2  }
0xb: {  	[smem:$0x3FB0] =	sst s3  }
0xc: {  	[smem:$0x3FB1] =	sst s4  }
0xd: {  	[smem:$0x3FB2] =	sst s5  }
0xe: {  	[smem:$0x3FB3] =	sst s6  }
0xf: {  	[smem:$0x3FB4] =	sst s7  }
0x10: {  	[smem:$0x3FB5] =	sst s8  }
0x11: {  	[smem:$0x3FB6] =	sst s9;
	s0 =	simm.s32 @!p0 $0x0  }
0x12: {  	s1 =	sld [smem:$0x3F9C];
	s0 =	simm.s32 @p0 $0x1  }
0x13: {  	[smem:$0x3FB7] =	sst s0;
	s0 =	simm.s32 @!p1 $0x0  }
0x14: {  	s2 =	sld [smem:$0x3F9B];
	s0 =	simm.s32 @p1 $0x1  }
0x15: {  	[smem:$0x3FB8] =	sst s0;
	s0 =	simm.s32 @!p2 $0x0  }
0x16: {  	s3 =	sld [smem:$0x3FDB];
	s0 =	simm.s32 @p2 $0x1  }
0x17: {  	s4 =	simm.s32 $0x1BF5;
	[smem:$0x3FBA] =	sst s0  }
0x18: {  	s0 =	sld [smem:$0x3F9D];
	_ =	swait.ge [sflag:s4], $0x0  }
0x19: {  	s7 =	sld [smem:$0x3F9E]  }
0x1a: {  	s8 =	sadd.s32 $0xFFFFE003, lr  }
0x1b: {  	s9 =	sadd.s32 $0xFFFFFEF7, lr;
	s5 =	simm.s32 $0xFFFFFFFF;
	p2 =	slt.u32 s8, $0xFFFFF086  }
0x1c: {  	p1 =	slt.u32 s9, $0xF7A;
	s5 =	simm.s32 @!p2 $0x0  }
0x1d: {  	s5 =	simm.s32 @p1 $0x1;
	p0 =	seq.s32 s7, s2  }
0x1e: {  	s7 =	smul.u32 @!p0 $0xF7A, s2;
	p2 =	seq.s32 @!p0 s5, $0x0  }
0x1f: {  	s9 =	smul.u32 $0xF7A, s1;
	s8 =	simm.s32 @!p0 $0x1BF5;
	p2 =	por !p2, p0  }
0x20: {  	[sflag:s8] =	ssyncset.s32 @!p0 $0xFFFFF086;
	s6 =	sadd.s32 @!p0 s3, s7;
	s7 =	simm.s32 @!p0 $0x108  }
0x21: {  	s3 =	sadd.s32 s3, s9;
	s6 =	sadd.s32 @!p0 $0x88, s6;
	s7 =	simm.s32 @p2 $0x1082  }
0x22: {  	[simem:s7], [sflag:s8] =	dma.local @!p0 [hbm:s6], $0xF7A  }
0x23: {  	s9 =	sor.u32 $0xD0000000, s2;
	s6 =	simm.s32 $0x108;
	_ =	swait.ge @!p0 [sflag:s8], $0x0  }
0x24: {  	s3 =	sadd.s32 $0x88, s3;
	s6 =	simm.s32 @!p1 $0x1082;
	[sflag:s4] =	ssyncset.s32 $0xFFFFF086  }
0x25: {  	[simem:s6], [sflag:s4] =	dma.local [hbm:s3], $0xF7A  }
0x26: {  	[smem:$0x3F9E] =	sst s1;
	(tag) =	ssettag s2;
	_ =	strace s9  }
0x27: {  	s1 =	sld [smem:$0x3FAE]  }
0x28: {  	s2 =	sld [smem:$0x3FAF]  }
0x29: {  	s4 =	sld [smem:$0x3FB1]  }
0x2a: {  	p0 =	seq.s32 s5, $0x0;
	s5 =	sld [smem:$0x3FB2]  }
0x2b: {  	s6 =	sld [smem:$0x3FB3]  }
0x2c: {  	s7 =	sld [smem:$0x3FB4]  }
0x2d: {  	s3 =	simm.s32 $0x108;
	s8 =	sld [smem:$0x3FB5]  }
0x2e: {  	s3 =	simm.s32 @!p0 $0x1082;
	s9 =	sld [smem:$0x3FB6]  }
0x2f: {  	lr =	sadd.s32 s0, s3;
	s0 =	sld [smem:$0x3FAD]  }
0x30: {  	s3 =	sld [smem:$0x3FB0]  }
0x31: {  	[smem:$0x3FB9] =	sst s10  }
0x32: {  	s10 =	sld [smem:$0x3FB7];
	_ =	sdelay $0x3  }
0x33: {  	p0 =	seq.s32 s10, $0x1;
	s10 =	sld [smem:$0x3FB9];
	_ =	sdelay $0x3  }
0x34: {  	[smem:$0x3FB9] =	sst s10  }
0x35: {  	s10 =	sld [smem:$0x3FB8];
	_ =	sdelay $0x3  }
0x36: {  	p1 =	seq.s32 s10, $0x1;
	s10 =	sld [smem:$0x3FB9];
	_ =	sdelay $0x3  }
0x37: {  	[smem:$0x3FB9] =	sst s10  }
0x38: {  	s10 =	sld [smem:$0x3FBA]  }
0x39: {  	_ = 	snop;
	(pc) =	sbr.ind lr, $3  }
0x3a: {  	_ = 	snop  }
0x3b: {  	_ = 	snop  }
0x3c: {  	p2 =	seq.s32 s10, $0x1;
	s10 =	sld [smem:$0x3FB9]  }
0x3d: {  	_ =	shalt  }
0x3e: {  	_ =	shalt  }
0x3f: {  	_ =	shalt  }
0x40: {  	_ =	shalt  }
0x41: {  	_ =	shalt  }
0x42: {  	_ =	shalt  }
0x43: {  	_ =	shalt  }
0x44: {  	_ =	shalt  }
0x45: {  	_ =	shalt  }
0x46: {  	_ =	shalt  }
0x47: {  	_ =	shalt  }
0x48: {  	_ =	shalt  }
0x49: {  	_ =	shalt  }
0x4a: {  	_ =	shalt  }
0x4b: {  	_ =	shalt  }
0x4c: {  	_ =	shalt  }
0x4d: {  	_ =	shalt  }
0x4e: {  	_ =	shalt  }
0x4f: {  	_ =	shalt  }
0x50: {  	_ =	shalt  }
0x51: {  	_ =	shalt  }
0x52: {  	_ =	shalt  }
0x53: {  	_ =	shalt  }
0x54: {  	_ =	shalt  }
0x55: {  	_ =	shalt  }
0x56: {  	_ =	shalt  }
0x57: {  	_ =	shalt  }
0x58: {  	_ =	shalt  }
0x59: {  	_ =	shalt  }
0x5a: {  	_ =	shalt  }
0x5b: {  	_ =	shalt  }
0x5c: {  	_ =	shalt  }
0x5d: {  	_ =	shalt  }
0x5e: {  	_ =	shalt  }
0x5f: {  	_ =	shalt  }
0x60: {  	_ =	shalt  }
0x61: {  	_ =	shalt  }
0x62: {  	_ =	shalt  }
0x63: {  	_ =	shalt  }
0x64: {  	_ =	shalt  }
0x65: {  	_ =	shalt  }
0x66: {  	_ =	shalt  }
0x67: {  	_ =	shalt  }
0x68: {  	_ =	shalt  }
0x69: {  	_ =	shalt  }
0x6a: {  	_ =	shalt  }
0x6b: {  	_ =	shalt  }
0x6c: {  	_ =	shalt  }
0x6d: {  	_ =	shalt  }
0x6e: {  	_ =	shalt  }
0x6f: {  	_ =	shalt  }
0x70: {  	_ =	shalt  }
0x71: {  	_ =	shalt  }
0x72: {  	_ =	shalt  }
0x73: {  	_ =	shalt  }
0x74: {  	_ =	shalt  }
0x75: {  	_ =	shalt  }
0x76: {  	_ =	shalt  }
0x77: {  	_ =	shalt  }
0x78: {  	_ =	shalt  }
0x79: {  	_ =	shalt  }
0x7a: {  	_ =	shalt  }
0x7b: {  	_ =	shalt  }
0x7c: {  	_ =	shalt  }
0x7d: {  	_ =	shalt  }
0x7e: {  	_ =	shalt  }
0x7f: {  	_ =	shalt  }
0x80: {  	_ =	shalt  }
0x81: {  	_ =	shalt  }
0x82: {  	_ =	shalt  }
0x83: {  	_ =	shalt  }
0x84: {  	_ =	shalt  }
0x85: {  	_ =	shalt  }
0x86: {  	_ =	shalt  }
0x87: {  	_ =	shalt  }
.Lfunc_end0:
.L_simem_size_0:
called_computation_lowered:
.L_overlay_start_0:
0x88: {  	s2 =	sld [smem:$0x3FD9]  }
0x89: {  	s3 =	sld [smem:$0x3FFE];
	_ =	sdelay $0x1  }
0x8a: {  	s1 =	srdreg.scid  }
0x8b: {  	s0 =	sand.u32 $0x1, s1  }
0x8c: {  	s16 =	sshll.u32 s0, $0xA;
	s2 =	sadd.s32 s3, s2  }
0x8d: {  	s2 =	sadd.s32 s2, s16  }
0x8e: {  	[smem:$0x3FC5] =	sst s2  }
0x8f: {  	_ = 	snop  }
0x90: {  	(tm) =	ssettm $0x1  }
0x91: {  	s17 =	sld [smem:$0x3FFB];
	_ =	sdelay $0x3  }
0x92: {  	_ =	strace s17  }
0x93: {  	s2 =	sld [smem:$0x3FFC];
	_ =	sdelay $0x3  }
0x94: {  	_ =	strace s2  }
0x95: {  	s2 =	sld [smem:$0x3FFD];
	_ =	sdelay $0x3  }
0x96: {  	_ =	strace s2  }
0x97: {  	_ =	strace $0x8FFFFFFF  }
0x98: {  	s18 =	sld [smem:$0x3FDB];
	_ =	sdelay $0x1  }
0x99: {  	s19 =	simm.s32 $_scs_section_size  }
0x9a: {  	s4 =	simm.s32 $_size__tile_overlayer_lowered;
	s5 =	simm.s32 $_tile_overlayer_lowered  }
0x9b: {  	s22 =	simm.s32 $0x1BFF;
	s21 =	sshll.u32 s5, $0x1;
	s2 =	sadd.s32 s19, s18  }
0x9c: {  	s6 =	simm.s32 $0x0;
	s20 =	sshll.u32 s4, $0x1;
	s4 =	sadd.s32 s21, s2  }
0x9d: {  	[timem:s6], [sflag:s22] =	dma.local [hbm:s4], s20  }
0x9e: {  	_ =	swait.ge [sflag:s22], s20  }
0x9f: {  	s3 =	ssub.s32 $0x0, s20;
	[sflag:s22] =	ssyncset.done $0x0  }
0xa0: {  	[sflag:s22] =	ssyncadd.s32 s3;
	_ =	sdelay $0x1  }
0xa1: {  	s23 =	simm.s32 $0x1B8B  }
0xa2: {  	_ =	swait.ge [sflag:s23], $0x1  }
0xa3: {  	[sflag:s23] =	ssyncset.done $0x0  }
0xa4: {  	s25 =	simm.s32 $0x1B8E;
	s24 =	sld [smem:$0x3FFE];
	[sflag:s23] =	ssyncadd.s32 $0xFFFFFFFF  }
0xa5: {  	s26 =	simm.s32 $execute0_lowered;
	[smem:$0x3FD2] =	sst s25  }
0xa6: {  	s4 =	sshll.u32 s26, $0x1;
	_ =	strace $0x80000046;
	[dreg:$0x1] =	wrdreg $0xFFFFFFFF  }
0xa7: {  	s28 =	simm.s32 $_size_execute0_lowered;
	s2 =	sadd.s32 s2, s4;
	[dreg:$0x0] =	wrdreg $0x0  }
0xa8: {  	s4 =	sshll.u32 s28, $0x1;
	[dreg:$0x2] =	wrdreg s2  }
0xa9: {  	[dreg:$0x3] =	wrdreg s4  }
0xaa: {  	[dreg:$0x4] =	wrdreg $0xC0  }
0xab: {  	_ =	task [dreg:s6], $0x5FFFF  }
0xac: {  	[dreg:$0x1] =	wrdreg $0xFFFFFFFF  }
0xad: {  	[dreg:$0x0] =	wrdreg $0x60  }
0xae: {  	[dreg:$0x2] =	wrdreg s24  }
0xaf: {  	[dreg:$0x3] =	wrdreg $0x9  }
0xb0: {  	_ =	task.clear_ibuf [dreg:s6], $0x4FFFF;
	_ =	strace $0x90000046  }
0xb1: {  	s29 =	simm.s32 $0x9;
	_ =	strace $0x80000048  }
0xb2: {  	_ =	swait.ge [sflag:s29], $0x1  }
0xb3: {  	[sflag:s29] =	ssyncadd.s32 $0xFFFFFFFF  }
0xb4: {  	_ =	strace $0x90000048  }
0xb5: {  	_ =	sfence  }
0xb6: {  	s30 =	sld [smem:$0x0];
	_ =	sdelay $0x2  }
0xb7: {  	s31 =	sshll.u32 s1, $0xD;
	s1 =	sshrl.u32 s1, $0x2  }
0xb8: {  	s3 =	sand.u32 $0x4000, s31;
	s1 =	sadd.s32 s1, s30  }
0xb9: {  	s0 =	sor.u32 s3, s0;
	s1 =	sshll.u32 s1, $0x11  }
0xba: {  	s0 =	sor.u32 s1, s0  }
0xbb: {  	s0 =	sadd.s32 $0x8F2B, s0  }
0xbc: {  	[sflag:s0] =	ssyncadd.remote.s32 $0x1  }
0xbd: {  	_ =	sfence.sel $0xFFFF  }
0xbe: {  	[dreg:$0x0] =	wrdreg $0xFFFFFFFF;
	(pc) =	sbr.abs _section_cstart, $3  }
0xbf: {  	[dreg:$0x1] =	wrdreg $0xFFFFFFFF  }
0xc0: {  	_ =	task.clear_ibuf [dreg:s6], $0x2FFFF;
	_ =	strace $0x9FFFFFFF  }
0xc1: {  	(tm) =	ssettm $0x7FFFFFFF  }
tec
execute0_lowered:
.L_overlay_start_1:
0x0: {  	(tag) =	ssettag $0x1  }
0x1: {  	s6 =	rddreg [dreg:$0x0]  }
0x2: {  	s0 =	rddreg [dreg:$0x1]  }
0x3: {  	s2 =	simm.s32 $0x0;
	s3 =	srdreg.scid;
	s1 =	stileid.u32  }
0x4: {  	s14 =	simm.s32 $0x2600;
	s15 =	simm.s32 $0x1100;
	s16 =	simm.s32 $0x2400  }
0x5: {  	s17 =	simm.s32 $0x2800;
	s18 =	simm.s32 $0x2A00;
	s19 =	simm.s32 $0x2B00  }
0x6: {  	s20 =	simm.s32 $0x2C00;
	s21 =	simm.s32 $0x0;
	[smem:$0x7FF] =	sst s2  }
0x7: {  	s7 =	sadd.s32 $0x8800, s6;
	s3 =	sand.u32 $0x1, s3;
	s4 =	sshll.u32 s1, $0x1  }
0x8: {  	s8 =	sadd.s32 $0x9800, s6;
	s10 =	sadd.s32 $0xA800, s6;
	s4 =	sor.u32 s3, s4  }
0x9: {  	s3 =	ssub.s32 $0x2, s3;
	s5 =	smul.u32 $0x440, s4;
	s9 =	sshllo.u32 s4, $0x1  }
0xa: {  	_ =	strace $0x80000047;
	s11 =	sshrl.u32 s3, $0x1;
	s13 =	smul.u32 $0x220, s9  }
.Ltmp0:
0xb: {  	s12 =	sshll.u32 s4, $0x7;
	s11 =	ssub.s32 s3, s11;
	(pc) =	sbr.rel .LBB2_1-.Ltmp0, $4  }
0xc: {  	s4 =	sadd.s32 s7, s12;
	s31 =	sshll.u32 s9, $0x6;
	s9 =	sadd.s32 s10, s12  }
0xd: {  	s3 =	sadd.s32 s6, s5;
	s5 =	sadd.s32 s8, s12;
	s7 =	sadd.s32 s7, s31  }
0xe: {  	v0 =	vlaneseq.u32;
	s8 =	sadd.s32 s8, s31;
	s10 =	sadd.s32 s10, s31;
	s11 =	smax.u32 s11, $0x1  }
0xf: {  	v2 =	vimm.s32 $0x0;
	v1 =	vmul.u32 $0x100, v0;
	s12 =	simm.s32 $0x1;
	s6 =	sadd.s32 s6, s13;
	s13 =	simm.s32 $0x2200  }
.LBB2_25:
0x10: {  	[tilespmem:$0x2C00] =	vst v2  }
0x11: {  	[tilespmem:$0x2C10] =	vst v2  }
0x12: {  	[tilespmem:$0x2C20] =	vst v2  }
0x13: {  	[tilespmem:$0x2C30] =	vst v2  }
0x14: {  	[tilespmem:$0x2C40] =	vst v2  }
0x15: {  	[tilespmem:$0x2C50] =	vst v2  }
0x16: {  	[tilespmem:$0x2C60] =	vst v2  }
0x17: {  	[tilespmem:$0x2C70] =	vst v2  }
0x18: {  	[tilespmem:$0x2C80] =	vst v2  }
0x19: {  	[tilespmem:$0x2C90] =	vst v2  }
0x1a: {  	[tilespmem:$0x2CA0] =	vst v2  }
0x1b: {  	[tilespmem:$0x2CB0] =	vst v2  }
0x1c: {  	[tilespmem:$0x2CC0] =	vst v2  }
0x1d: {  	[tilespmem:$0x2CD0] =	vst v2  }
0x1e: {  	[tilespmem:$0x2CE0] =	vst v2  }
0x1f: {  	[tilespmem:$0x2CF0] =	vst v2  }
0x20: {  	[tilespmem:$0x2D00] =	vst v2  }
0x21: {  	[tilespmem:$0x2D10] =	vst v2  }
0x22: {  	[tilespmem:$0x2D20] =	vst v2  }
0x23: {  	[tilespmem:$0x2D30] =	vst v2  }
0x24: {  	[tilespmem:$0x2D40] =	vst v2  }
0x25: {  	[tilespmem:$0x2D50] =	vst v2;
	v3 =	vld [tilespmem:$0x2A00]  }
0x26: {  	[tilespmem:$0x2D60] =	vst v2  }
0x27: {  	[tilespmem:$0x2D70] =	vst v2  }
0x28: {  	[tilespmem:$0x2D80] =	vst v2  }
0x29: {  	[tilespmem:$0x2D90] =	vst v2  }
0x2a: {  	[tilespmem:$0x2DA0] =	vst v2;
	vm0 =	vlt.s32 v3, $0x200  }
0x2b: {  	[tilespmem:$0x2DB0] =	vst v2;
	v3 =	vnsel vm0, $0x0, v3  }
0x2c: {  	[tilespmem:$0x2DC0] =	vst v2  }
0x2d: {  	[tilespmem:$0x2DD0] =	vst v2  }
0x2e: {  	[tilespmem:$0x2DE0] =	vst v2  }
0x2f: {  	[tilespmem:$0x2DF0] =	vst v2  }
0x30: {  	v3 =	vld.idx.msk [tilespmem:v3+s14+$0x0], $0xffff;
	_ =	sdelay $0x1  }
0x31: {  	v4 =	vld [tilespmem:$0x1000];
	_ =	sdelay $0x4  }
0x32: {  	v4 =	vand.u32 $0x1, v4  }
0x33: {  	[tilespmem:v3+s20+$0x0] =	vst.idx.msk vm0, v4  }
0x34: {  	v3 =	vld [tilespmem:$0x2A10];
	_ =	sdelay $0x4  }
0x35: {  	vm9 =	vlt.s32 v3, $0x200  }
0x36: {  	v3 =	vnsel vm9, $0x0, v3;
	_ =	sdelay $0x4  }
0x37: {  	v3 =	vld.idx.msk [tilespmem:v3+s14+$0x0], $0xffff;
	_ =	sdelay $0x1  }
0x38: {  	v4 =	vld [tilespmem:$0x1010];
	_ =	sdelay $0x4  }
0x39: {  	v4 =	vand.u32 $0x1, v4  }
0x3a: {  	[tilespmem:v3+s20+$0x0] =	vst.idx.msk vm9, v4  }
0x3b: {  	v3 =	vld [tilespmem:$0x2A20];
	_ =	sdelay $0x4  }
0x3c: {  	vm10 =	vlt.s32 v3, $0x200  }
0x3d: {  	v3 =	vnsel vm10, $0x0, v3;
	_ =	sdelay $0x4  }
0x3e: {  	v3 =	vld.idx.msk [tilespmem:v3+s14+$0x0], $0xffff;
	_ =	sdelay $0x1  }
0x3f: {  	v4 =	vld [tilespmem:$0x1020];
	_ =	sdelay $0x4  }
0x40: {  	v4 =	vand.u32 $0x1, v4  }
0x41: {  	[tilespmem:v3+s20+$0x0] =	vst.idx.msk vm10, v4  }
0x42: {  	v3 =	vld [tilespmem:$0x2A30];
	_ =	sdelay $0x4  }
0x43: {  	vm11 =	vlt.s32 v3, $0x200  }
0x44: {  	v3 =	vnsel vm11, $0x0, v3;
	_ =	sdelay $0x4  }
0x45: {  	v3 =	vld.idx.msk [tilespmem:v3+s14+$0x0], $0xffff;
	_ =	sdelay $0x1  }
0x46: {  	v4 =	vld [tilespmem:$0x1030];
	_ =	sdelay $0x4  }
0x47: {  	v4 =	vand.u32 $0x1, v4  }
0x48: {  	[tilespmem:v3+s20+$0x0] =	vst.idx.msk vm11, v4  }
0x49: {  	v3 =	vld [tilespmem:$0x2A40];
	_ =	sdelay $0x4  }
0x4a: {  	vm12 =	vlt.s32 v3, $0x200  }
0x4b: {  	v3 =	vnsel vm12, $0x0, v3;
	_ =	sdelay $0x4  }
0x4c: {  	v3 =	vld.idx.msk [tilespmem:v3+s14+$0x0], $0xffff;
	_ =	sdelay $0x1  }
0x4d: {  	v4 =	vld [tilespmem:$0x1040];
	_ =	sdelay $0x4  }
0x4e: {  	v4 =	vand.u32 $0x1, v4  }
0x4f: {  	[tilespmem:v3+s20+$0x0] =	vst.idx.msk vm12, v4  }
0x50: {  	v3 =	vld [tilespmem:$0x2A50];
	_ =	sdelay $0x4  }
0x51: {  	vm13 =	vlt.s32 v3, $0x200  }
0x52: {  	v3 =	vnsel vm13, $0x0, v3;
	_ =	sdelay $0x4  }
0x53: {  	v3 =	vld.idx.msk [tilespmem:v3+s14+$0x0], $0xffff;
	_ =	sdelay $0x1  }
0x54: {  	v4 =	vld [tilespmem:$0x1050];
	_ =	sdelay $0x4  }
0x55: {  	v4 =	vand.u32 $0x1, v4  }
0x56: {  	[tilespmem:v3+s20+$0x0] =	vst.idx.msk vm13, v4  }
0x57: {  	v3 =	vld [tilespmem:$0x2A60];
	_ =	sdelay $0x4  }
0x58: {  	vm14 =	vlt.s32 v3, $0x200  }
0x59: {  	v3 =	vnsel vm14, $0x0, v3;
	_ =	sdelay $0x4  }
0x5a: {  	v3 =	vld.idx.msk [tilespmem:v3+s14+$0x0], $0xffff;
	_ =	sdelay $0x1  }
0x5b: {  	v4 =	vld [tilespmem:$0x1060];
	_ =	sdelay $0x4  }
0x5c: {  	v4 =	vand.u32 $0x1, v4  }
0x5d: {  	[tilespmem:v3+s20+$0x0] =	vst.idx.msk vm14, v4  }
0x5e: {  	v3 =	vld [tilespmem:$0x2A70];
	_ =	sdelay $0x4  }
0x5f: {  	vm15 =	vlt.s32 v3, $0x200  }
0x60: {  	v3 =	vnsel vm15, $0x0, v3;
	_ =	sdelay $0x4  }
0x61: {  	v3 =	vld.idx.msk [tilespmem:v3+s14+$0x0], $0xffff;
	_ =	sdelay $0x1  }
0x62: {  	v4 =	vld [tilespmem:$0x1070];
	_ =	sdelay $0x4  }
0x63: {  	v4 =	vand.u32 $0x1, v4  }
0x64: {  	[tilespmem:v3+s20+$0x0] =	vst.idx.msk vm15, v4  }
0x65: {  	v3 =	vld [tilespmem:$0x2A80];
	_ =	sdelay $0x4  }
0x66: {  	vm4 =	vlt.s32 v3, $0x200  }
0x67: {  	v3 =	vnsel vm4, $0x0, v3;
	_ =	sdelay $0x4  }
0x68: {  	v3 =	vld.idx.msk [tilespmem:v3+s14+$0x0], $0xffff;
	_ =	sdelay $0x1  }
0x69: {  	v4 =	vld [tilespmem:$0x1080];
	_ =	sdelay $0x4  }
0x6a: {  	v4 =	vand.u32 $0x1, v4  }
0x6b: {  	[tilespmem:v3+s20+$0x0] =	vst.idx.msk vm4, v4  }
0x6c: {  	v3 =	vld [tilespmem:$0x2A90];
	_ =	sdelay $0x4  }
0x6d: {  	vm5 =	vlt.s32 v3, $0x200  }
0x6e: {  	v3 =	vnsel vm5, $0x0, v3;
	_ =	sdelay $0x4  }
0x6f: {  	v3 =	vld.idx.msk [tilespmem:v3+s14+$0x0], $0xffff;
	_ =	sdelay $0x1  }
0x70: {  	v4 =	vld [tilespmem:$0x1090];
	_ =	sdelay $0x4  }
0x71: {  	v4 =	vand.u32 $0x1, v4  }
0x72: {  	[tilespmem:v3+s20+$0x0] =	vst.idx.msk vm5, v4  }
0x73: {  	v3 =	vld [tilespmem:$0x2AA0];
	_ =	sdelay $0x4  }
0x74: {  	vm6 =	vlt.s32 v3, $0x200  }
0x75: {  	v3 =	vnsel vm6, $0x0, v3;
	_ =	sdelay $0x4  }
0x76: {  	v3 =	vld.idx.msk [tilespmem:v3+s14+$0x0], $0xffff;
	_ =	sdelay $0x1  }
0x77: {  	v4 =	vld [tilespmem:$0x10A0];
	_ =	sdelay $0x4  }
0x78: {  	v4 =	vand.u32 $0x1, v4  }
0x79: {  	[tilespmem:v3+s20+$0x0] =	vst.idx.msk vm6, v4  }
0x7a: {  	v3 =	vld [tilespmem:$0x2AB0];
	_ =	sdelay $0x4  }
0x7b: {  	vm7 =	vlt.s32 v3, $0x200  }
0x7c: {  	v3 =	vnsel vm7, $0x0, v3;
	_ =	sdelay $0x4  }
0x7d: {  	v3 =	vld.idx.msk [tilespmem:v3+s14+$0x0], $0xffff;
	_ =	sdelay $0x1  }
0x7e: {  	v4 =	vld [tilespmem:$0x10B0];
	_ =	sdelay $0x4  }
0x7f: {  	v4 =	vand.u32 $0x1, v4  }
0x80: {  	[tilespmem:v3+s20+$0x0] =	vst.idx.msk vm7, v4  }
0x81: {  	v3 =	vld [tilespmem:$0x2AC0];
	_ =	sdelay $0x4  }
0x82: {  	vm8 =	vlt.s32 v3, $0x200  }
0x83: {  	v3 =	vnsel vm8, $0x0, v3;
	_ =	sdelay $0x4  }
0x84: {  	v3 =	vld.idx.msk [tilespmem:v3+s14+$0x0], $0xffff;
	_ =	sdelay $0x1  }
0x85: {  	v4 =	vld [tilespmem:$0x10C0];
	_ =	sdelay $0x4  }
0x86: {  	v4 =	vand.u32 $0x1, v4  }
0x87: {  	[tilespmem:v3+s20+$0x0] =	vst.idx.msk vm8, v4  }
0x88: {  	v3 =	vld [tilespmem:$0x2AD0];
	_ =	sdelay $0x4  }
0x89: {  	vm9 =	vlt.s32 v3, $0x200  }
0x8a: {  	v3 =	vnsel vm9, $0x0, v3;
	_ =	sdelay $0x4  }
0x8b: {  	v3 =	vld.idx.msk [tilespmem:v3+s14+$0x0], $0xffff;
	_ =	sdelay $0x1  }
0x8c: {  	v4 =	vld [tilespmem:$0x10D0];
	_ =	sdelay $0x4  }
0x8d: {  	v4 =	vand.u32 $0x1, v4  }
0x8e: {  	[tilespmem:v3+s20+$0x0] =	vst.idx.msk vm9, v4  }
0x8f: {  	v3 =	vld [tilespmem:$0x2AE0];
	_ =	sdelay $0x4  }
0x90: {  	vm10 =	vlt.s32 v3, $0x200  }
0x91: {  	v3 =	vnsel vm10, $0x0, v3;
	_ =	sdelay $0x4  }
0x92: {  	v3 =	vld.idx.msk [tilespmem:v3+s14+$0x0], $0xffff;
	_ =	sdelay $0x1  }
0x93: {  	v4 =	vld [tilespmem:$0x10E0];
	_ =	sdelay $0x4  }
0x94: {  	v4 =	vand.u32 $0x1, v4  }
0x95: {  	[tilespmem:v3+s20+$0x0] =	vst.idx.msk vm10, v4  }
0x96: {  	v3 =	vld [tilespmem:$0x2AF0];
	_ =	sdelay $0x4  }
0x97: {  	vm11 =	vlt.s32 v3, $0x200  }
0x98: {  	v3 =	vnsel vm11, $0x0, v3;
	_ =	sdelay $0x4  }
0x99: {  	v3 =	vld.idx.msk [tilespmem:v3+s14+$0x0], $0xffff;
	_ =	sdelay $0x1  }
0x9a: {  	v4 =	vld [tilespmem:$0x10F0];
	_ =	sdelay $0x4  }
0x9b: {  	v4 =	vand.u32 $0x1, v4  }
0x9c: {  	[tilespmem:v3+s20+$0x0] =	vst.idx.msk vm11, v4  }
0x9d: {  	[hbm4b:s9+s2] =	stream.linear.scatter [tilespmem:s20], [sflag:$0x1], $0x200, $0x38;
	[tilespmem:$0x2E00] =	vst v63  }
0x9e: {  	_ =	swait.ge [sflag:s12], $0x200  }
0x9f: {  	[sflag:s12] =	ssyncset.done $0x0  }
0xa0: {  	[sflag:s12] =	ssyncadd.s32 $0xFFFFFE00  }
0xa1: {  	[tilespmem:$0x2C00] =	vst v2  }
0xa2: {  	[tilespmem:$0x2C10] =	vst v2  }
0xa3: {  	[tilespmem:$0x2C20] =	vst v2  }
0xa4: {  	[tilespmem:$0x2C30] =	vst v2  }
0xa5: {  	[tilespmem:$0x2C40] =	vst v2  }
0xa6: {  	[tilespmem:$0x2C50] =	vst v2  }
0xa7: {  	[tilespmem:$0x2C60] =	vst v2  }
0xa8: {  	[tilespmem:$0x2C70] =	vst v2  }
0xa9: {  	[tilespmem:$0x2C80] =	vst v2  }
0xaa: {  	[tilespmem:$0x2C90] =	vst v2  }
0xab: {  	[tilespmem:$0x2CA0] =	vst v2  }
0xac: {  	[tilespmem:$0x2CB0] =	vst v2  }
0xad: {  	[tilespmem:$0x2CC0] =	vst v2  }
0xae: {  	[tilespmem:$0x2CD0] =	vst v2  }
0xaf: {  	[tilespmem:$0x2CE0] =	vst v2  }
0xb0: {  	[tilespmem:$0x2CF0] =	vst v2  }
0xb1: {  	[tilespmem:$0x2D00] =	vst v2  }
0xb2: {  	[tilespmem:$0x2D10] =	vst v2  }
0xb3: {  	[tilespmem:$0x2D20] =	vst v2  }
0xb4: {  	[tilespmem:$0x2D30] =	vst v2  }
0xb5: {  	[tilespmem:$0x2D40] =	vst v2  }
0xb6: {  	[tilespmem:$0x2D50] =	vst v2;
	v3 =	vld [tilespmem:$0x2B00]  }
0xb7: {  	[tilespmem:$0x2D60] =	vst v2  }
0xb8: {  	[tilespmem:$0x2D70] =	vst v2  }
0xb9: {  	[tilespmem:$0x2D80] =	vst v2  }
0xba: {  	[tilespmem:$0x2D90] =	vst v2  }
0xbb: {  	[tilespmem:$0x2DA0] =	vst v2;
	vm12 =	vlt.s32 v3, $0x200  }
0xbc: {  	[tilespmem:$0x2DB0] =	vst v2;
	v3 =	vnsel vm12, $0x0, v3  }
0xbd: {  	[tilespmem:$0x2DC0] =	vst v2  }
0xbe: {  	[tilespmem:$0x2DD0] =	vst v2  }
0xbf: {  	[tilespmem:$0x2DE0] =	vst v2  }
0xc0: {  	[tilespmem:$0x2DF0] =	vst v2  }
0xc1: {  	v3 =	vld.idx.msk [tilespmem:v3+s17+$0x0], $0xffff;
	_ =	sdelay $0x1  }
0xc2: {  	v63 =	vld [tilespmem:$0x2100];
	_ =	sdelay $0x4  }
0xc3: {  	v4 =	vand.u32 $0x1, v63  }
0xc4: {  	[tilespmem:v3+s20+$0x0] =	vst.idx.msk vm12, v4  }
0xc5: {  	v3 =	vld [tilespmem:$0x2B10];
	_ =	sdelay $0x4  }
0xc6: {  	vm13 =	vlt.s32 v3, $0x200  }
0xc7: {  	v3 =	vnsel vm13, $0x0, v3;
	_ =	sdelay $0x4  }
0xc8: {  	v3 =	vld.idx.msk [tilespmem:v3+s17+$0x0], $0xffff;
	_ =	sdelay $0x1  }
0xc9: {  	v4 =	vld [tilespmem:$0x2110];
	_ =	sdelay $0x4  }
0xca: {  	v4 =	vand.u32 $0x1, v4  }
0xcb: {  	[tilespmem:v3+s20+$0x0] =	vst.idx.msk vm13, v4  }
0xcc: {  	v3 =	vld [tilespmem:$0x2B20];
	_ =	sdelay $0x4  }
0xcd: {  	vm14 =	vlt.s32 v3, $0x200  }
0xce: {  	v3 =	vnsel vm14, $0x0, v3;
	_ =	sdelay $0x4  }
0xcf: {  	v3 =	vld.idx.msk [tilespmem:v3+s17+$0x0], $0xffff;
	_ =	sdelay $0x1  }
0xd0: {  	v4 =	vld [tilespmem:$0x2120];
	_ =	sdelay $0x4  }
0xd1: {  	v4 =	vand.u32 $0x1, v4  }
0xd2: {  	[tilespmem:v3+s20+$0x0] =	vst.idx.msk vm14, v4  }
0xd3: {  	v3 =	vld [tilespmem:$0x2B30];
	_ =	sdelay $0x4  }
0xd4: {  	vm15 =	vlt.s32 v3, $0x200  }
0xd5: {  	v3 =	vnsel vm15, $0x0, v3;
	_ =	sdelay $0x4  }
0xd6: {  	v3 =	vld.idx.msk [tilespmem:v3+s17+$0x0], $0xffff;
	_ =	sdelay $0x1  }
0xd7: {  	v4 =	vld [tilespmem:$0x2130];
	_ =	sdelay $0x4  }
0xd8: {  	v4 =	vand.u32 $0x1, v4  }
0xd9: {  	[tilespmem:v3+s20+$0x0] =	vst.idx.msk vm15, v4  }
0xda: {  	v3 =	vld [tilespmem:$0x2B40];
	_ =	sdelay $0x4  }
0xdb: {  	vm4 =	vlt.s32 v3, $0x200  }
0xdc: {  	v3 =	vnsel vm4, $0x0, v3;
	_ =	sdelay $0x4  }
0xdd: {  	v3 =	vld.idx.msk [tilespmem:v3+s17+$0x0], $0xffff;
	_ =	sdelay $0x1  }
0xde: {  	v4 =	vld [tilespmem:$0x2140];
	_ =	sdelay $0x4  }
0xdf: {  	v4 =	vand.u32 $0x1, v4  }
0xe0: {  	[tilespmem:v3+s20+$0x0] =	vst.idx.msk vm4, v4  }
0xe1: {  	v3 =	vld [tilespmem:$0x2B50];
	_ =	sdelay $0x4  }
0xe2: {  	vm5 =	vlt.s32 v3, $0x200  }
0xe3: {  	v3 =	vnsel vm5, $0x0, v3;
	_ =	sdelay $0x4  }
0xe4: {  	v3 =	vld.idx.msk [tilespmem:v3+s17+$0x0], $0xffff;
	_ =	sdelay $0x1  }
0xe5: {  	v4 =	vld [tilespmem:$0x2150];
	_ =	sdelay $0x4  }
0xe6: {  	v4 =	vand.u32 $0x1, v4  }
0xe7: {  	[tilespmem:v3+s20+$0x0] =	vst.idx.msk vm5, v4  }
0xe8: {  	v3 =	vld [tilespmem:$0x2B60];
	_ =	sdelay $0x4  }
0xe9: {  	vm6 =	vlt.s32 v3, $0x200  }
0xea: {  	v3 =	vnsel vm6, $0x0, v3;
	_ =	sdelay $0x4  }
0xeb: {  	v3 =	vld.idx.msk [tilespmem:v3+s17+$0x0], $0xffff;
	_ =	sdelay $0x1  }
0xec: {  	v4 =	vld [tilespmem:$0x2160];
	_ =	sdelay $0x4  }
0xed: {  	v4 =	vand.u32 $0x1, v4  }
0xee: {  	[tilespmem:v3+s20+$0x0] =	vst.idx.msk vm6, v4  }
0xef: {  	v3 =	vld [tilespmem:$0x2B70];
	_ =	sdelay $0x4  }
0xf0: {  	vm7 =	vlt.s32 v3, $0x200  }
0xf1: {  	v3 =	vnsel vm7, $0x0, v3;
	_ =	sdelay $0x4  }
0xf2: {  	v3 =	vld.idx.msk [tilespmem:v3+s17+$0x0], $0xffff;
	_ =	sdelay $0x1  }
0xf3: {  	v4 =	vld [tilespmem:$0x2170];
	_ =	sdelay $0x4  }
0xf4: {  	v4 =	vand.u32 $0x1, v4  }
0xf5: {  	[tilespmem:v3+s20+$0x0] =	vst.idx.msk vm7, v4  }
0xf6: {  	v3 =	vld [tilespmem:$0x2B80];
	_ =	sdelay $0x4  }
0xf7: {  	vm8 =	vlt.s32 v3, $0x200  }
0xf8: {  	v3 =	vnsel vm8, $0x0, v3;
	_ =	sdelay $0x4  }
0xf9: {  	v3 =	vld.idx.msk [tilespmem:v3+s17+$0x0], $0xffff;
	_ =	sdelay $0x1  }
0xfa: {  	v4 =	vld [tilespmem:$0x2180];
	_ =	sdelay $0x4  }
0xfb: {  	v4 =	vand.u32 $0x1, v4  }
0xfc: {  	[tilespmem:v3+s20+$0x0] =	vst.idx.msk vm8, v4  }
0xfd: {  	v3 =	vld [tilespmem:$0x2B90];
	_ =	sdelay $0x4  }
0xfe: {  	vm9 =	vlt.s32 v3, $0x200  }
0xff: {  	v3 =	vnsel vm9, $0x0, v3;
	_ =	sdelay $0x4  }
0x100: {  	v3 =	vld.idx.msk [tilespmem:v3+s17+$0x0], $0xffff;
	_ =	sdelay $0x1  }
0x101: {  	v4 =	vld [tilespmem:$0x2190];
	_ =	sdelay $0x4  }
0x102: {  	v4 =	vand.u32 $0x1, v4  }
0x103: {  	[tilespmem:v3+s20+$0x0] =	vst.idx.msk vm9, v4  }
0x104: {  	v3 =	vld [tilespmem:$0x2BA0];
	_ =	sdelay $0x4  }
0x105: {  	vm10 =	vlt.s32 v3, $0x200  }
0x106: {  	v3 =	vnsel vm10, $0x0, v3;
	_ =	sdelay $0x4  }
0x107: {  	v3 =	vld.idx.msk [tilespmem:v3+s17+$0x0], $0xffff;
	_ =	sdelay $0x1  }
0x108: {  	v4 =	vld [tilespmem:$0x21A0];
	_ =	sdelay $0x4  }
0x109: {  	v4 =	vand.u32 $0x1, v4  }
0x10a: {  	[tilespmem:v3+s20+$0x0] =	vst.idx.msk vm10, v4  }
0x10b: {  	v3 =	vld [tilespmem:$0x2BB0];
	_ =	sdelay $0x4  }
0x10c: {  	vm11 =	vlt.s32 v3, $0x200  }
0x10d: {  	v3 =	vnsel vm11, $0x0, v3;
	_ =	sdelay $0x4  }
0x10e: {  	v3 =	vld.idx.msk [tilespmem:v3+s17+$0x0], $0xffff;
	_ =	sdelay $0x1  }
0x10f: {  	v4 =	vld [tilespmem:$0x21B0];
	_ =	sdelay $0x4  }
0x110: {  	v4 =	vand.u32 $0x1, v4  }
0x111: {  	[tilespmem:v3+s20+$0x0] =	vst.idx.msk vm11, v4  }
0x112: {  	v3 =	vld [tilespmem:$0x2BC0];
	_ =	sdelay $0x4  }
0x113: {  	vm12 =	vlt.s32 v3, $0x200  }
0x114: {  	v3 =	vnsel vm12, $0x0, v3;
	_ =	sdelay $0x4  }
0x115: {  	v3 =	vld.idx.msk [tilespmem:v3+s17+$0x0], $0xffff;
	_ =	sdelay $0x1  }
0x116: {  	v4 =	vld [tilespmem:$0x21C0];
	_ =	sdelay $0x4  }
0x117: {  	v4 =	vand.u32 $0x1, v4  }
0x118: {  	[tilespmem:v3+s20+$0x0] =	vst.idx.msk vm12, v4  }
0x119: {  	v3 =	vld [tilespmem:$0x2BD0];
	_ =	sdelay $0x4  }
0x11a: {  	vm13 =	vlt.s32 v3, $0x200  }
0x11b: {  	v3 =	vnsel vm13, $0x0, v3;
	_ =	sdelay $0x4  }
0x11c: {  	v3 =	vld.idx.msk [tilespmem:v3+s17+$0x0], $0xffff;
	_ =	sdelay $0x1  }
0x11d: {  	v4 =	vld [tilespmem:$0x21D0];
	_ =	sdelay $0x4  }
0x11e: {  	v4 =	vand.u32 $0x1, v4  }
0x11f: {  	[tilespmem:v3+s20+$0x0] =	vst.idx.msk vm13, v4  }
0x120: {  	v3 =	vld [tilespmem:$0x2BE0];
	_ =	sdelay $0x4  }
0x121: {  	vm14 =	vlt.s32 v3, $0x200  }
0x122: {  	v3 =	vnsel vm14, $0x0, v3;
	_ =	sdelay $0x4  }
0x123: {  	v3 =	vld.idx.msk [tilespmem:v3+s17+$0x0], $0xffff;
	_ =	sdelay $0x1  }
0x124: {  	v4 =	vld [tilespmem:$0x21E0];
	_ =	sdelay $0x4  }
0x125: {  	v4 =	vand.u32 $0x1, v4  }
0x126: {  	[tilespmem:v3+s20+$0x0] =	vst.idx.msk vm14, v4  }
0x127: {  	v3 =	vld [tilespmem:$0x2BF0];
	_ =	sdelay $0x4  }
0x128: {  	vm15 =	vlt.s32 v3, $0x200  }
0x129: {  	v3 =	vnsel vm15, $0x0, v3;
	_ =	sdelay $0x4  }
0x12a: {  	v3 =	vld.idx.msk [tilespmem:v3+s17+$0x0], $0xffff;
	_ =	sdelay $0x1  }
0x12b: {  	v4 =	vld [tilespmem:$0x21F0];
	_ =	sdelay $0x3  }
0x12c: {  	s21 =	sadd.s32 $0x1, s21  }
0x12d: {  	p0 =	sne.s32 s21, s11;
	v4 =	vand.u32 $0x1, v4  }
.Ltmp1:
0x12e: {  	[tilespmem:v3+s20+$0x0] =	vst.idx.msk vm15, v4;
	(pc) =	sbr.rel @!p0 .LBB2_26-.Ltmp1, $4  }
0x12f: {  	[hbm4b:s10+s2] =	stream.linear.scatter [tilespmem:s20], [sflag:$0x1], $0x200, $0x38;
	[tilespmem:$0x2E00] =	vst v63  }
0x130: {  	_ =	swait.ge [sflag:s12], $0x200  }
0x131: {  	[sflag:s12] =	ssyncset.done $0x0  }
0x132: {  	[sflag:s12] =	ssyncadd.s32 $0xFFFFFE00  }
.LBB2_1:
0x133: {  	[tilespmem:s2], [sflag:$0x1] =	stream.linear.gather [hbm4b:s3+s2], $0x1100, $0x38;
	[tilespmem:$0x2E00] =	vst v63  }
0x134: {  	_ =	swait.ge [sflag:s12], $0x1100  }
0x135: {  	[sflag:s12] =	ssyncset.done $0x0  }
0x136: {  	[sflag:s12] =	ssyncadd.s32 $0xFFFFEF00  }
0x137: {  	[tilespmem:s13], [sflag:$0x1] =	stream.linear.gather [hbm4b:s4+s2], $0x200, $0x38;
	[tilespmem:$0x2E00] =	vst v63  }
0x138: {  	_ =	swait.ge [sflag:s12], $0x200  }
0x139: {  	[sflag:s12] =	ssyncset.done $0x0  }
0x13a: {  	[sflag:s12] =	ssyncadd.s32 $0xFFFFFE00  }
0x13b: {  	[tilespmem:s14], [sflag:$0x1] =	stream.linear.gather [hbm4b:s5+s2], $0x200, $0x38;
	[tilespmem:$0x2E00] =	vst v63  }
0x13c: {  	_ =	swait.ge [sflag:s12], $0x200  }
0x13d: {  	[sflag:s12] =	ssyncset.done $0x0  }
0x13e: {  	[sflag:s12] =	ssyncadd.s32 $0xFFFFFE00  }
0x13f: {  	[tilespmem:s15], [sflag:$0x1] =	stream.linear.gather [hbm4b:s6+s2], $0x1100, $0x38;
	[tilespmem:$0x2E00] =	vst v63  }
0x140: {  	_ =	swait.ge [sflag:s12], $0x1100  }
0x141: {  	[sflag:s12] =	ssyncset.done $0x0  }
0x142: {  	[sflag:s12] =	ssyncadd.s32 $0xFFFFEF00  }
0x143: {  	[tilespmem:s16], [sflag:$0x1] =	stream.linear.gather [hbm4b:s7+s2], $0x200, $0x38;
	[tilespmem:$0x2E00] =	vst v63  }
0x144: {  	_ =	swait.ge [sflag:s12], $0x200  }
0x145: {  	[sflag:s12] =	ssyncset.done $0x0  }
0x146: {  	[sflag:s12] =	ssyncadd.s32 $0xFFFFFE00  }
0x147: {  	[tilespmem:s17], [sflag:$0x1] =	stream.linear.gather [hbm4b:s8+s2], $0x200, $0x38;
	[tilespmem:$0x2E00] =	vst v63  }
0x148: {  	_ =	swait.ge [sflag:s12], $0x200  }
0x149: {  	[sflag:s12] =	ssyncset.done $0x0  }
0x14a: {  	v3 =	vimm.s32 $0x0;
	v4 =	vimm.s32 $0x0;
	s22 =	simm.s32 $0x0;
	[sflag:s12] =	ssyncadd.s32 $0xFFFFFE00  }
.LBB2_2:
0x14b: {  	v7 =	vor.u32 s22, v1;
	_ =	sdelay $0x4  }
0x14c: {  	v8 =	vld.idx.msk [tilespmem:v7+s2+$0x0], $0xffff  }
0x14d: {  	v5 =	vld [tilespmem:$0x2200]  }
0x14e: {  	v6 =	vld [tilespmem:$0x2210];
	_ =	sdelay $0x1  }
0x14f: {  	v9 =	vld [tilespmem:$0x2220]  }
0x150: {  	v10 =	vand.u32 $0x1, v8  }
0x151: {  	vm1 =	vlt.s32 v5, $0x100000;
	vm0 =	veq.s32 v10, $0x0;
	v10 =	vld [tilespmem:$0x2230]  }
0x152: {  	v12 =	vld [tilespmem:$0x2240];
	v5 =	vnsel vm1, $0x100000, v5;
	vm1 =	vlt.s32 v6, $0x100000;
	v11 =	vand.u32 $0x2, v8  }
0x153: {  	v6 =	vnsel vm1, $0x100000, v6;
	v5 =	vsel vm0, $0x100000, v5;
	vm0 =	veq.s32 v11, $0x0  }
0x154: {  	v13 =	vld [tilespmem:$0x2250];
	v11 =	vand.u32 $0x4, v8;
	v6 =	vsel vm0, $0x100000, v6;
	vm0 =	vlt.s32 v9, $0x100000  }
0x155: {  	vm1 =	veq.s32 v11, $0x0;
	v11 =	vand.u32 $0x8, v8;
	v9 =	vnsel vm0, $0x100000, v9  }
0x156: {  	vm0 =	veq.s32 v11, $0x0;
	v11 =	vld [tilespmem:$0x2260];
	v9 =	vsel vm1, $0x100000, v9;
	vm1 =	vlt.s32 v10, $0x100000  }
0x157: {  	v15 =	vld [tilespmem:$0x2270];
	v14 =	vand.u32 $0x10, v8;
	v10 =	vnsel vm1, $0x100000, v10;
	vm1 =	vlt.s32 v5, v12  }
0x158: {  	v10 =	vsel vm0, $0x100000, v10;
	vm0 =	veq.s32 v14, $0x0;
	v12 =	vsel vm1, v5, v12  }
0x159: {  	v5 =	vsel vm0, v5, v12;
	v12 =	vand.u32 $0x20, v8;
	vm0 =	vlt.s32 v6, v13  }
0x15a: {  	v14 =	vld [tilespmem:$0x2280];
	vm1 =	veq.s32 v12, $0x0;
	v12 =	vsel vm0, v6, v13;
	v13 =	vand.u32 $0x40, v8  }
0x15b: {  	v6 =	vsel vm1, v6, v12;
	vm0 =	veq.s32 v13, $0x0;
	vm1 =	vlt.s32 v9, v11;
	v12 =	vld [tilespmem:$0x2290]  }
0x15c: {  	v16 =	vld [tilespmem:$0x22A0];
	v13 =	vand.u32 $0x80, v8;
	v11 =	vsel vm1, v9, v11;
	vm1 =	vlt.s32 v10, v15  }
0x15d: {  	v9 =	vsel vm0, v9, v11;
	vm0 =	veq.s32 v13, $0x0;
	v11 =	vsel vm1, v10, v15  }
0x15e: {  	v13 =	vand.u32 $0x200, v8;
	v10 =	vsel vm0, v10, v11;
	v11 =	vand.u32 $0x100, v8  }
0x15f: {  	vm1 =	veq.s32 v13, $0x0;
	v13 =	vld [tilespmem:$0x22B0];
	vm0 =	veq.s32 v11, $0x0;
	v11 =	vand.u32 $0x400, v8  }
0x160: {  	v14 =	vsel vm0, $0x100000, v14;
	v12 =	vsel vm1, $0x100000, v12;
	vm0 =	veq.s32 v11, $0x0;
	v11 =	vld [tilespmem:$0x22C0]  }
0x161: {  	vm1 =	vlt.s32 v5, v14;
	vm2 =	vlt.s32 v6, v12;
	v15 =	vsel vm0, $0x100000, v16;
	v16 =	vld [tilespmem:$0x22D0]  }
0x162: {  	v5 =	vsel vm1, v5, v14;
	v6 =	vsel vm2, v6, v12;
	vm0 =	vlt.s32 v9, v15  }
0x163: {  	v12 =	vand.u32 $0x800, v8;
	v14 =	vand.u32 $0x1000, v8;
	v9 =	vsel vm0, v9, v15  }
0x164: {  	vm0 =	veq.s32 v12, $0x0;
	vm1 =	veq.s32 v14, $0x0;
	v12 =	vand.u32 $0x2000, v8;
	v14 =	vld [tilespmem:$0x22E0]  }
0x165: {  	v13 =	vsel vm0, $0x100000, v13;
	vm0 =	veq.s32 v12, $0x0;
	v12 =	vld [tilespmem:$0x22F0];
	v11 =	vsel vm1, $0x100000, v11  }
0x166: {  	vm1 =	vlt.s32 v10, v13;
	vm2 =	vlt.s32 v5, v11;
	v15 =	vsel vm0, $0x100000, v16;
	v16 =	vld [tilespmem:$0x2300]  }
0x167: {  	v10 =	vsel vm1, v10, v13;
	v13 =	vand.u32 $0x8000, v8;
	v5 =	vsel vm2, v5, v11  }
0x168: {  	vm0 =	vlt.s32 v6, v15;
	v11 =	vand.u32 $0x4000, v8;
	vm1 =	veq.s32 v13, $0x0  }
0x169: {  	v13 =	vld [tilespmem:$0x2310];
	v6 =	vsel vm0, v6, v15;
	vm0 =	veq.s32 v11, $0x0;
	v11 =	vand.u32 $0x10000, v8  }
0x16a: {  	v14 =	vsel vm0, $0x100000, v14;
	v12 =	vsel vm1, $0x100000, v12;
	vm0 =	veq.s32 v11, $0x0;
	v11 =	vld [tilespmem:$0x2320]  }
0x16b: {  	vm1 =	vlt.s32 v9, v14;
	vm2 =	vlt.s32 v10, v12;
	v15 =	vsel vm0, $0x100000, v16;
	v16 =	vld [tilespmem:$0x2330]  }
0x16c: {  	v9 =	vsel vm1, v9, v14;
	v10 =	vsel vm2, v10, v12;
	v14 =	vand.u32 $0x40000, v8  }
0x16d: {  	v12 =	vand.u32 $0x20000, v8;
	vm0 =	vlt.s32 v5, v15;
	vm1 =	veq.s32 v14, $0x0  }
0x16e: {  	v14 =	vld [tilespmem:$0x2340];
	v5 =	vsel vm0, v5, v15;
	vm0 =	veq.s32 v12, $0x0;
	v12 =	vand.u32 $0x80000, v8  }
0x16f: {  	v13 =	vsel vm0, $0x100000, v13;
	v11 =	vsel vm1, $0x100000, v11;
	vm0 =	veq.s32 v12, $0x0;
	v12 =	vld [tilespmem:$0x2350]  }
0x170: {  	vm1 =	vlt.s32 v6, v13;
	vm2 =	vlt.s32 v9, v11;
	v15 =	vsel vm0, $0x100000, v16;
	v16 =	vld [tilespmem:$0x2360]  }
0x171: {  	v6 =	vsel vm1, v6, v13;
	v9 =	vsel vm2, v9, v11;
	v13 =	vand.u32 $0x200000, v8  }
0x172: {  	v11 =	vand.u32 $0x100000, v8;
	vm0 =	vlt.s32 v10, v15;
	vm1 =	veq.s32 v13, $0x0  }
0x173: {  	v13 =	vld [tilespmem:$0x2370];
	v10 =	vsel vm0, v10, v15;
	vm0 =	veq.s32 v11, $0x0;
	v11 =	vand.u32 $0x400000, v8  }
0x174: {  	v14 =	vsel vm0, $0x100000, v14;
	v12 =	vsel vm1, $0x100000, v12;
	vm0 =	veq.s32 v11, $0x0;
	v11 =	vld [tilespmem:$0x2380]  }
0x175: {  	vm1 =	vlt.s32 v5, v14;
	vm2 =	vlt.s32 v6, v12;
	v15 =	vsel vm0, $0x100000, v16;
	v16 =	vld [tilespmem:$0x2390]  }
0x176: {  	v5 =	vsel vm1, v5, v14;
	v6 =	vsel vm2, v6, v12;
	v14 =	vand.u32 $0x1000000, v8  }
0x177: {  	v12 =	vand.u32 $0x800000, v8;
	vm0 =	vlt.s32 v9, v15;
	vm1 =	veq.s32 v14, $0x0  }
0x178: {  	v14 =	vld [tilespmem:$0x23A0];
	v9 =	vsel vm0, v9, v15;
	vm0 =	veq.s32 v12, $0x0;
	v12 =	vand.u32 $0x2000000, v8  }
0x179: {  	v13 =	vsel vm0, $0x100000, v13;
	v11 =	vsel vm1, $0x100000, v11;
	vm0 =	veq.s32 v12, $0x0;
	v12 =	vld [tilespmem:$0x23B0]  }
0x17a: {  	vm1 =	vlt.s32 v10, v13;
	vm2 =	vlt.s32 v5, v11;
	v15 =	vsel vm0, $0x100000, v16;
	v16 =	vld [tilespmem:$0x23C0]  }
0x17b: {  	v10 =	vsel vm1, v10, v13;
	v5 =	vsel vm2, v5, v11;
	v13 =	vand.u32 $0x8000000, v8  }
0x17c: {  	v11 =	vand.u32 $0x4000000, v8;
	vm0 =	vlt.s32 v6, v15;
	vm1 =	veq.s32 v13, $0x0;
	v13 =	vld [tilespmem:$0x23E0]  }
0x17d: {  	v6 =	vsel vm0, v6, v15;
	v15 =	vld [tilespmem:$0x23D0];
	vm0 =	veq.s32 v11, $0x0;
	v11 =	vand.u32 $0x10000000, v8  }
0x17e: {  	v14 =	vsel vm0, $0x100000, v14;
	v12 =	vsel vm1, $0x100000, v12;
	vm0 =	veq.s32 v11, $0x0;
	v11 =	vld [tilespmem:$0x23F0]  }
0x17f: {  	vm1 =	vlt.s32 v9, v14;
	vm2 =	vlt.s32 v10, v12;
	v16 =	vsel vm0, $0x100000, v16  }
0x180: {  	v9 =	vsel vm1, v9, v14;
	v10 =	vsel vm2, v10, v12;
	v12 =	vand.u32 $0x20000000, v8  }
0x181: {  	v14 =	vand.u32 $0x40000000, v8;
	vm2 =	vlt.s32 v8, $0x0;
	vm0 =	vlt.s32 v5, v16  }
0x182: {  	vm1 =	veq.s32 v14, $0x0;
	v5 =	vsel vm0, v5, v16;
	vm0 =	veq.s32 v12, $0x0  }
0x183: {  	v13 =	vsel vm1, $0x100000, v13;
	v12 =	vsel vm0, $0x100000, v15;
	v11 =	vnsel vm2, $0x100000, v11  }
0x184: {  	vm1 =	vlt.s32 v9, v13;
	vm0 =	vlt.s32 v6, v12;
	vm2 =	vlt.s32 v10, v11  }
0x185: {  	v9 =	vsel vm1, v9, v13;
	v12 =	vsel vm0, v6, v12;
	v10 =	vsel vm2, v10, v11  }
0x186: {  	s23 =	sor.u32 $0x1000, s22;
	vm0 =	vlt.s32 v5, v12;
	vm1 =	vlt.s32 v9, v10  }
0x187: {  	v6 =	vmov s23;
	v5 =	vsel vm0, v5, v12;
	v9 =	vsel vm1, v9, v10  }
0x188: {  	vm0 =	vlt.s32 v5, v9  }
0x189: {  	v5 =	vsel vm0, v5, v9  }
0x18a: {  	v5 =	vxor.u32 $0x80000000, v5  }
0x18b: {  	(xrf0) =	vmin.scan.msk.u32 $0xffff, v5  }
0x18c: {  	v19 =	vld.idx.msk [tilespmem:v6+s2+$0x0], $0xffff;
	_ =	sdelay $0x4  }
0x18d: {  	(v2sf) =	vpush v19, $0x0;
	v5, _, _ =	vpop (xrf0)  }
0x18e: {  	(v2sf) =	vpush v5, $0xF;
	_ =	sdelay $0xd  }
0x18f: {  	s26 =	spop (v2sf)  }
0x190: {  	s24 =	spop (v2sf)  }
0x191: {  	s24 =	sxor.u32 $0x80000000, s24  }
0x192: {  	p0 =	slt.s32 s24, $0x200;
	s25 =	smov.u32 s24  }
0x193: {  	p1 =	seq.s32 s26, $0x0;
	s25 =	simm.s32 @!p0 $0x200  }
0x194: {  	s25 =	smov.u32 @p1 s24  }
0x195: {  	p0 =	sgt.s32 s25, $0x1FF  }
0x196: {  	p1 =	sgt.s32 s25, $0xFFFFF;
	s23 =	smov.u32 s25;
	s25 =	simm.s32 @p0 $0x0  }
0x197: {  	s26 =	sand.u32 $0xF, s22;
	v5 =	vmov s25  }
0x198: {  	v9 =	vmov s26  }
0x199: {  	vm0 =	veq.s32 v9, v0;
	s23 =	simm.s32 @p1 $0x0  }
0x19a: {  	v4 =	vsel vm0, s23, v4;
	s25 =	sand.u32 $0xF0, s22  }
0x19b: {  	[tilespmem:s25+$0x2A00] =	vst v4  }
0x19c: {  	v5 =	vld.idx.msk [tilespmem:v5+s14+$0x0], $0xffff;
	_ =	sdelay $0x4  }
0x19d: {  	(v2sf) =	vpush v5, $0x0;
	_ =	sdelay $0xe  }
0x19e: {  	s23 =	spop (v2sf)  }
0x19f: {  	s26 =	sshll.u32 s23, $0x3  }
0x1a0: {  	s24 =	sand.u32 $0x3FFFFF00, s26  }
0x1a1: {  	s24 =	simm.s32 @p0 $0x1000  }
0x1a2: {  	s24 =	sshll.u32 s24, $0x2  }
0x1a3: {  	s24 =	sshra.s32 s24, $0x2  }
0x1a4: {  	v9 =	vmov s24;
	_ =	sdelay $0x3  }
0x1a5: {  	s28 =	sand.u32 $0x3FFFFFF0, s22;
	v17 =	vbroadcast v8, $0x6  }
0x1a6: {  	v18 =	vbroadcast v8, $0x7;
	v23 =	vbroadcast v8, $0xB;
	v20 =	vld.idx.msk [tilespmem:v9+s28+$0x0 ss:$0x1], $0xffff  }
0x1a7: {  	v24 =	vbroadcast v8, $0xC;
	v25 =	vbroadcast v8, $0xD;
	v29 =	vld [tilespmem:s28+$0x0];
	s23 =	sxor.u32 $0xFFFFFFFF, s23  }
0x1a8: {  	v14 =	vbroadcast v8, $0x4;
	v16 =	vbroadcast v8, $0x5;
	v39 =	vld [tilespmem:s28+$0x100];
	s24 =	sand.u32 $0x1F, s23  }
0x1a9: {  	v13 =	vbroadcast v8, $0x3;
	v11 =	vbroadcast v8, $0x1;
	v40 =	vld [tilespmem:s28+$0x200];
	s24 =	simm.s32 @p0 $0x1F  }
0x1aa: {  	v10 =	vbroadcast v8, $0x0;
	v12 =	vbroadcast v8, $0x2;
	v41 =	vld [tilespmem:s28+$0x300];
	s23 =	sand.u32 $0xFFFFFFF0, s22;
	v15 =	vmov s24  }
0x1ab: {  	v26 =	vld [tilespmem:s28+$0x1000];
	v5 =	vmov s22;
	v21 =	vor.u32 s23, v0;
	v20 =	vshll.u32 v20, v15  }
0x1ac: {  	v19 =	vbroadcast v19, $0x0;
	v42 =	vld [tilespmem:s28+$0x400];
	vm1 =	vgt.u32 v21, v5;
	v22 =	vshra.s32 v20, $0x1F  }
0x1ad: {  	v43 =	vld [tilespmem:s28+$0x500];
	v21 =	vbroadcast v8, $0x9;
	v20 =	vbroadcast v8, $0x8;
	v44 =	vnsel vm1, $0x0, v22  }
0x1ae: {  	v45 =	vld [tilespmem:s28+$0x600];
	v22 =	vbroadcast v8, $0xA;
	v27 =	vand.u32 v19, v44;
	v31 =	vand.u32 v10, v44  }
0x1af: {  	v48 =	vld [tilespmem:s28+$0x700];
	s26 =	sshrl.u32 s22, $0x4;
	v46 =	vand.u32 v11, v44;
	v47 =	vand.u32 v12, v44;
	v50 =	vand.u32 v13, v44  }
0x1b0: {  	v49 =	vld [tilespmem:s28+$0x800];
	s26 =	sadd.s32 $0xFFFFFFFF, s26;
	v51 =	vand.u32 v14, v44;
	v52 =	vand.u32 v16, v44;
	v53 =	vand.u32 v17, v44  }
0x1b1: {  	v30 =	vld [tilespmem:s28+$0xB00];
	s29 =	sadd.s32 $0x1, s26;
	v54 =	vand.u32 v18, v44;
	v55 =	vand.u32 v20, v44;
	v33 =	vand.u32 v21, v44  }
0x1b2: {  	p0 =	slt.u32 s29, $0xF;
	v37 =	vand.u32 v23, v44;
	v35 =	vand.u32 v24, v44;
	v28 =	vxor.u32 v27, v26;
	v27 =	vld [tilespmem:s28+$0x900]  }
.Ltmp2:
0x1b3: {  	v34 =	vand.u32 v25, v44;
	v26 =	vbroadcast v8, $0xE;
	v8 =	vbroadcast v8, $0xF;
	[tilespmem:s28+$0x1000] =	vst v28;
	v28 =	vld [tilespmem:s28+$0xA00];
	(pc) =	sbr.rel @!p0 .LBB2_4-.Ltmp2, $4  }
0x1b4: {  	v32 =	vld [tilespmem:s28+$0xC00];
	v36 =	vand.u32 v22, v44;
	v29 =	vxor.u32 v29, v31;
	v56 =	vxor.u32 v39, v46  }
0x1b5: {  	v38 =	vld [tilespmem:s28+$0xD00];
	v46 =	vxor.u32 v51, v42;
	v43 =	vxor.u32 v52, v43;
	v45 =	vxor.u32 v53, v45  }
0x1b6: {  	v39 =	vld [tilespmem:s28+$0xE00];
	v42 =	vxor.u32 v54, v48;
	[tilespmem:s28+$0x0] =	vst v29;
	v31 =	vand.u32 v26, v44;
	v29 =	vand.u32 v8, v44  }
0x1b7: {  	s30 =	sadd.s32 $0x10, s28;
	s31 =	smov.u32 s23;
	s24 =	sadd.s32 $0x1100, s28;
	[tilespmem:s28+$0x100] =	vst v56;
	v44 =	vxor.u32 v47, v40;
	v47 =	vxor.u32 v50, v41;
	v40 =	vxor.u32 v55, v49;
	v41 =	vld [tilespmem:s28+$0xF00]  }
.LBB2_3:
0x1b8: {  	v48 =	vld.idx.msk [tilespmem:v9+s30+$0x0 ss:$0x1], $0xffff;
	s29 =	sadd.s32 $0x1, s29;
	v27 =	vxor.u32 v33, v27;
	v28 =	vxor.u32 v36, v28;
	v30 =	vxor.u32 v37, v30  }
0x1b9: {  	v49 =	vld [tilespmem:s30+$0x0];
	p0 =	slt.u32 s29, $0xF;
	[tilespmem:s28+$0x200] =	vst v44;
	v32 =	vxor.u32 v35, v32  }
0x1ba: {  	v44 =	vld [tilespmem:s30+$0x100];
	[tilespmem:s28+$0x300] =	vst v47;
	v34 =	vxor.u32 v34, v38  }
0x1bb: {  	v38 =	vld [tilespmem:s30+$0x200];
	[tilespmem:s28+$0x400] =	vst v46;
	v39 =	vxor.u32 v31, v39  }
0x1bc: {  	v46 =	vld [tilespmem:s30+$0x300];
	[tilespmem:s28+$0x500] =	vst v43;
	v41 =	vxor.u32 v29, v41  }
0x1bd: {  	s31 =	sadd.s32 $0x10, s31;
	v29 =	vld [tilespmem:s30+$0x1000];
	[tilespmem:s28+$0x600] =	vst v45  }
0x1be: {  	v33 =	vor.u32 s31, v0;
	v31 =	vshll.u32 v48, v15;
	v43 =	vld [tilespmem:s30+$0x400];
	[tilespmem:s28+$0x700] =	vst v42  }
0x1bf: {  	vm2 =	vgt.u32 v33, v5;
	v31 =	vshra.s32 v31, $0x1F;
	v42 =	vld [tilespmem:s30+$0x500];
	[tilespmem:s28+$0x800] =	vst v40  }
0x1c0: {  	v40 =	vnsel vm2, $0x0, v31;
	v45 =	vld [tilespmem:s30+$0x600];
	[tilespmem:s28+$0x900] =	vst v27  }
0x1c1: {  	v47 =	vand.u32 v10, v40;
	v48 =	vand.u32 v11, v40;
	v27 =	vand.u32 v19, v40;
	v50 =	vld [tilespmem:s30+$0x700];
	[tilespmem:s28+$0xA00] =	vst v28  }
0x1c2: {  	v51 =	vand.u32 v12, v40;
	v52 =	vand.u32 v13, v40;
	v53 =	vld [tilespmem:s30+$0x800];
	v28 =	vxor.u32 v27, v29;
	[tilespmem:s28+$0xB00] =	vst v30  }
0x1c3: {  	v54 =	vand.u32 v14, v40;
	v55 =	vand.u32 v16, v40;
	v56 =	vand.u32 v17, v40;
	v27 =	vld [tilespmem:s30+$0x900];
	[tilespmem:s30+$0x1000] =	vst v28  }
0x1c4: {  	v57 =	vand.u32 v18, v40;
	v58 =	vand.u32 v20, v40;
	v33 =	vand.u32 v21, v40;
	v28 =	vld [tilespmem:s30+$0xA00];
	[tilespmem:s28+$0xC00] =	vst v32  }
.Ltmp3:
0x1c5: {  	v36 =	vand.u32 v22, v40;
	v37 =	vand.u32 v23, v40;
	v35 =	vand.u32 v24, v40;
	v30 =	vld [tilespmem:s30+$0xB00];
	[tilespmem:s28+$0xD00] =	vst v34;
	(pc) =	sbr.rel @p0 .LBB2_3-.Ltmp3, $4  }
0x1c6: {  	v31 =	vand.u32 v26, v40;
	v29 =	vand.u32 v8, v40;
	v34 =	vand.u32 v25, v40;
	v32 =	vld [tilespmem:s30+$0xC00];
	[tilespmem:s28+$0xE00] =	vst v39  }
0x1c7: {  	v40 =	vxor.u32 v44, v48;
	v44 =	vxor.u32 v51, v38;
	v39 =	vxor.u32 v49, v47;
	v38 =	vld [tilespmem:s30+$0xD00];
	[tilespmem:s28+$0xF00] =	vst v41;
	s28 =	smov.u32 s30  }
0x1c8: {  	v47 =	vxor.u32 v52, v46;
	v46 =	vxor.u32 v54, v43;
	v43 =	vxor.u32 v55, v42;
	[tilespmem:s30+$0x0] =	vst v39;
	v39 =	vld [tilespmem:s30+$0xE00]  }
0x1c9: {  	v45 =	vxor.u32 v56, v45;
	v42 =	vxor.u32 v57, v50;
	s30 =	sadd.s32 $0x10, s30;
	[tilespmem:s28+$0x100] =	vst v40;
	v40 =	vxor.u32 v58, v53;
	v41 =	vld [tilespmem:s28+$0xF00]  }
.LBB2_4:
0x1ca: {  	[tilespmem:s28+$0x200] =	vst v44  }
0x1cb: {  	[tilespmem:s28+$0x300] =	vst v47  }
0x1cc: {  	[tilespmem:s28+$0x400] =	vst v46  }
0x1cd: {  	[tilespmem:s28+$0x500] =	vst v43  }
0x1ce: {  	[tilespmem:s28+$0x600] =	vst v45  }
0x1cf: {  	[tilespmem:s28+$0x700] =	vst v42  }
0x1d0: {  	v8 =	vxor.u32 v33, v27;
	[tilespmem:s28+$0x800] =	vst v40  }
0x1d1: {  	v9 =	vxor.u32 v36, v28;
	[tilespmem:s28+$0x900] =	vst v8  }
0x1d2: {  	v8 =	vxor.u32 v37, v30;
	[tilespmem:s28+$0xA00] =	vst v9  }
0x1d3: {  	v9 =	vxor.u32 v35, v32;
	[tilespmem:s28+$0xB00] =	vst v8  }
0x1d4: {  	v8 =	vxor.u32 v34, v38;
	[tilespmem:s28+$0xC00] =	vst v9  }
0x1d5: {  	v9 =	vxor.u32 v31, v39;
	[tilespmem:s28+$0xD00] =	vst v8  }
0x1d6: {  	v8 =	vxor.u32 v29, v41;
	[tilespmem:s28+$0xE00] =	vst v9  }
0x1d7: {  	[tilespmem:s28+$0xF00] =	vst v8  }
0x1d8: {  	v7 =	vld.idx.msk [tilespmem:v7+s15+$0x0], $0xffff  }
0x1d9: {  	v8 =	vld [tilespmem:$0x2400]  }
0x1da: {  	v9 =	vld [tilespmem:$0x2410]  }
0x1db: {  	v10 =	vld [tilespmem:$0x2420];
	_ =	sdelay $0x2  }
0x1dc: {  	v11 =	vand.u32 $0x1, v7  }
0x1dd: {  	v13 =	vld [tilespmem:$0x2440];
	vm3 =	vlt.s32 v8, $0x100000;
	v12 =	vand.u32 $0x2, v7;
	vm13 =	vlt.s32 v9, $0x100000  }
0x1de: {  	v14 =	vld [tilespmem:$0x2450];
	vm15 =	vlt.s32 v10, $0x100000;
	v15 =	vand.u32 $0x10, v7;
	vm2 =	veq.s32 v11, $0x0  }
0x1df: {  	v11 =	vld [tilespmem:$0x2430];
	v8 =	vnsel vm3, $0x100000, v8;
	vm14 =	veq.s32 v12, $0x0;
	v9 =	vnsel vm13, $0x100000, v9  }
0x1e0: {  	v12 =	vand.u32 $0x4, v7;
	v10 =	vnsel vm15, $0x100000, v10;
	vm10 =	veq.s32 v15, $0x0  }
0x1e1: {  	v8 =	vsel vm2, $0x100000, v8;
	vm6 =	veq.s32 v12, $0x0;
	v12 =	vand.u32 $0x8, v7  }
0x1e2: {  	v9 =	vsel vm14, $0x100000, v9;
	vm7 =	veq.s32 v12, $0x0;
	v12 =	vld [tilespmem:$0x2460];
	vm9 =	vlt.s32 v8, v13  }
0x1e3: {  	v16 =	vld [tilespmem:$0x2470];
	v10 =	vsel vm6, $0x100000, v10;
	vm11 =	vlt.s32 v9, v14;
	v13 =	vsel vm9, v8, v13  }
0x1e4: {  	v8 =	vsel vm10, v8, v13;
	v13 =	vand.u32 $0x20, v7;
	vm8 =	vlt.s32 v11, $0x100000  }
0x1e5: {  	vm12 =	veq.s32 v13, $0x0;
	v13 =	vsel vm11, v9, v14;
	v14 =	vand.u32 $0x40, v7  }
0x1e6: {  	v11 =	vnsel vm8, $0x100000, v11;
	v9 =	vsel vm12, v9, v13;
	vm13 =	veq.s32 v14, $0x0;
	v13 =	vld [tilespmem:$0x2490]  }
0x1e7: {  	v15 =	vld [tilespmem:$0x2480];
	v14 =	vand.u32 $0x80, v7;
	v11 =	vsel vm7, $0x100000, v11;
	vm14 =	vlt.s32 v10, v12  }
0x1e8: {  	v17 =	vld [tilespmem:$0x24A0];
	vm6 =	veq.s32 v14, $0x0;
	v12 =	vsel vm14, v10, v12;
	vm15 =	vlt.s32 v11, v16  }
0x1e9: {  	v14 =	vand.u32 $0x200, v7;
	v10 =	vsel vm13, v10, v12;
	v12 =	vsel vm15, v11, v16  }
0x1ea: {  	vm8 =	veq.s32 v14, $0x0;
	v11 =	vsel vm6, v11, v12;
	v12 =	vand.u32 $0x100, v7  }
0x1eb: {  	v14 =	vld [tilespmem:$0x24B0];
	vm7 =	veq.s32 v12, $0x0;
	v12 =	vand.u32 $0x400, v7;
	v13 =	vsel vm8, $0x100000, v13  }
0x1ec: {  	v15 =	vsel vm7, $0x100000, v15;
	vm9 =	veq.s32 v12, $0x0;
	v12 =	vld [tilespmem:$0x24C0];
	vm4 =	vlt.s32 v9, v13  }
0x1ed: {  	vm10 =	vlt.s32 v8, v15;
	v16 =	vsel vm9, $0x100000, v17;
	v17 =	vld [tilespmem:$0x24D0];
	v9 =	vsel vm4, v9, v13  }
0x1ee: {  	v13 =	vand.u32 $0x800, v7;
	v8 =	vsel vm10, v8, v15;
	vm2 =	vlt.s32 v10, v16  }
0x1ef: {  	v15 =	vand.u32 $0x1000, v7;
	vm11 =	veq.s32 v13, $0x0;
	v13 =	vand.u32 $0x2000, v7  }
0x1f0: {  	vm12 =	veq.s32 v15, $0x0;
	v14 =	vsel vm11, $0x100000, v14;
	vm13 =	veq.s32 v13, $0x0;
	v13 =	vld [tilespmem:$0x24F0]  }
0x1f1: {  	v10 =	vsel vm2, v10, v16;
	v15 =	vld [tilespmem:$0x24E0];
	vm14 =	vlt.s32 v11, v14;
	v12 =	vsel vm12, $0x100000, v12  }
0x1f2: {  	v11 =	vsel vm14, v11, v14;
	v14 =	vand.u32 $0x8000, v7;
	v16 =	vsel vm13, $0x100000, v17  }
0x1f3: {  	vm15 =	vlt.s32 v8, v12;
	v17 =	vld [tilespmem:$0x2500];
	vm7 =	veq.s32 v14, $0x0;
	vm2 =	vlt.s32 v9, v16  }
0x1f4: {  	v8 =	vsel vm15, v8, v12;
	v12 =	vand.u32 $0x4000, v7;
	v9 =	vsel vm2, v9, v16  }
0x1f5: {  	v14 =	vld [tilespmem:$0x2510];
	vm6 =	veq.s32 v12, $0x0;
	v12 =	vand.u32 $0x10000, v7;
	v13 =	vsel vm7, $0x100000, v13  }
0x1f6: {  	v15 =	vsel vm6, $0x100000, v15;
	vm8 =	veq.s32 v12, $0x0;
	v12 =	vld [tilespmem:$0x2520];
	vm10 =	vlt.s32 v11, v13  }
0x1f7: {  	vm9 =	vlt.s32 v10, v15;
	v11 =	vsel vm10, v11, v13;
	v13 =	vand.u32 $0x20000, v7  }
0x1f8: {  	v16 =	vsel vm8, $0x100000, v17;
	v17 =	vld [tilespmem:$0x2530];
	v10 =	vsel vm9, v10, v15;
	v15 =	vand.u32 $0x40000, v7  }
0x1f9: {  	vm11 =	veq.s32 v13, $0x0;
	v13 =	vand.u32 $0x80000, v7;
	vm2 =	vlt.s32 v8, v16  }
0x1fa: {  	vm12 =	veq.s32 v15, $0x0;
	v14 =	vsel vm11, $0x100000, v14;
	vm13 =	veq.s32 v13, $0x0;
	v13 =	vld [tilespmem:$0x2550]  }
0x1fb: {  	v15 =	vld [tilespmem:$0x2540];
	v8 =	vsel vm2, v8, v16;
	vm14 =	vlt.s32 v9, v14;
	v12 =	vsel vm12, $0x100000, v12  }
0x1fc: {  	v9 =	vsel vm14, v9, v14;
	v14 =	vand.u32 $0x200000, v7;
	vm15 =	vlt.s32 v10, v12  }
0x1fd: {  	v16 =	vsel vm13, $0x100000, v17;
	v10 =	vsel vm15, v10, v12;
	v12 =	vand.u32 $0x100000, v7  }
0x1fe: {  	vm7 =	veq.s32 v14, $0x0;
	v17 =	vld [tilespmem:$0x2560];
	vm2 =	vlt.s32 v11, v16;
	vm6 =	veq.s32 v12, $0x0  }
0x1ff: {  	v14 =	vld [tilespmem:$0x2570];
	v12 =	vand.u32 $0x400000, v7;
	v13 =	vsel vm7, $0x100000, v13;
	v11 =	vsel vm2, v11, v16  }
0x200: {  	v15 =	vsel vm6, $0x100000, v15;
	vm8 =	veq.s32 v12, $0x0;
	v12 =	vld [tilespmem:$0x2580];
	vm10 =	vlt.s32 v9, v13  }
0x201: {  	vm9 =	vlt.s32 v8, v15;
	v9 =	vsel vm10, v9, v13;
	v13 =	vand.u32 $0x800000, v7  }
0x202: {  	v8 =	vsel vm9, v8, v15;
	v15 =	vand.u32 $0x1000000, v7;
	vm11 =	veq.s32 v13, $0x0  }
0x203: {  	v13 =	vand.u32 $0x2000000, v7;
	v16 =	vsel vm8, $0x100000, v17;
	v17 =	vld [tilespmem:$0x2590];
	vm12 =	veq.s32 v15, $0x0  }
0x204: {  	v15 =	vld [tilespmem:$0x25A0];
	v14 =	vsel vm11, $0x100000, v14;
	vm13 =	veq.s32 v13, $0x0;
	vm2 =	vlt.s32 v10, v16  }
0x205: {  	v13 =	vld [tilespmem:$0x25B0];
	vm14 =	vlt.s32 v11, v14;
	v10 =	vsel vm2, v10, v16;
	v12 =	vsel vm12, $0x100000, v12  }
0x206: {  	v11 =	vsel vm14, v11, v14;
	v14 =	vand.u32 $0x8000000, v7;
	vm15 =	vlt.s32 v8, v12  }
0x207: {  	vm9 =	veq.s32 v14, $0x0;
	v14 =	vld [tilespmem:$0x25E0];
	v8 =	vsel vm15, v8, v12;
	v12 =	vand.u32 $0x4000000, v7  }
0x208: {  	v16 =	vsel vm13, $0x100000, v17;
	v17 =	vld [tilespmem:$0x25C0];
	vm8 =	veq.s32 v12, $0x0;
	v12 =	vand.u32 $0x10000000, v7  }
0x209: {  	vm2 =	vlt.s32 v9, v16;
	vm10 =	veq.s32 v12, $0x0;
	v12 =	vld [tilespmem:$0x25F0]  }
0x20a: {  	v13 =	vsel vm9, $0x100000, v13;
	v15 =	vsel vm8, $0x100000, v15;
	v9 =	vsel vm2, v9, v16;
	v16 =	vld [tilespmem:$0x25D0]  }
0x20b: {  	vm15 =	vlt.s32 v7, $0x0;
	vm12 =	vlt.s32 v11, v13;
	vm11 =	vlt.s32 v10, v15  }
0x20c: {  	v11 =	vsel vm12, v11, v13;
	v10 =	vsel vm11, v10, v15;
	v15 =	vand.u32 $0x40000000, v7  }
0x20d: {  	v13 =	vand.u32 $0x20000000, v7;
	vm14 =	veq.s32 v15, $0x0;
	v17 =	vsel vm10, $0x100000, v17  }
0x20e: {  	vm13 =	veq.s32 v13, $0x0;
	v14 =	vsel vm14, $0x100000, v14;
	vm2 =	vlt.s32 v8, v17  }
0x20f: {  	v12 =	vnsel vm15, $0x100000, v12;
	vm3 =	vlt.s32 v10, v14;
	v13 =	vsel vm13, $0x100000, v16  }
0x210: {  	v8 =	vsel vm2, v8, v17;
	vm4 =	vlt.s32 v11, v12;
	vm2 =	vlt.s32 v9, v13  }
0x211: {  	v10 =	vsel vm3, v10, v14;
	v11 =	vsel vm4, v11, v12;
	v9 =	vsel vm2, v9, v13  }
0x212: {  	vm3 =	vlt.s32 v10, v11;
	vm2 =	vlt.s32 v8, v9  }
0x213: {  	v8 =	vsel vm2, v8, v9;
	v9 =	vsel vm3, v10, v11  }
0x214: {  	vm2 =	vlt.s32 v8, v9  }
0x215: {  	v8 =	vsel vm2, v8, v9  }
0x216: {  	v8 =	vxor.u32 $0x80000000, v8  }
0x217: {  	(xrf0) =	vmin.scan.msk.u32 $0xffff, v8  }
0x218: {  	v17 =	vld.idx.msk [tilespmem:v6+s15+$0x0], $0xffff;
	_ =	sdelay $0x4  }
0x219: {  	(v2sf) =	vpush v17, $0x0;
	v6, _, _ =	vpop (xrf0)  }
0x21a: {  	(v2sf) =	vpush v6, $0xF;
	_ =	sdelay $0xd  }
0x21b: {  	s31 =	spop (v2sf)  }
0x21c: {  	s29 =	spop (v2sf)  }
0x21d: {  	s29 =	sxor.u32 $0x80000000, s29  }
0x21e: {  	p0 =	slt.s32 s29, $0x200;
	s30 =	smov.u32 s29  }
0x21f: {  	p1 =	seq.s32 s31, $0x0;
	s30 =	simm.s32 @!p0 $0x200  }
0x220: {  	s30 =	smov.u32 @p1 s29  }
0x221: {  	p0 =	sgt.s32 s30, $0x1FF  }
0x222: {  	p1 =	sgt.s32 s30, $0xFFFFF;
	s28 =	smov.u32 s30;
	s30 =	simm.s32 @p0 $0x0  }
0x223: {  	v6 =	vmov s30;
	_ =	sdelay $0x1  }
0x224: {  	s28 =	simm.s32 @p1 $0x0  }
0x225: {  	v3 =	vsel vm0, s28, v3  }
0x226: {  	[tilespmem:s25+$0x2B00] =	vst v3  }
0x227: {  	v6 =	vld.idx.msk [tilespmem:v6+s17+$0x0], $0xffff;
	_ =	sdelay $0x4  }
0x228: {  	(v2sf) =	vpush v6, $0x0;
	_ =	sdelay $0xe  }
0x229: {  	s30 =	spop (v2sf)  }
0x22a: {  	s31 =	sshll.u32 s30, $0x3  }
0x22b: {  	s28 =	sand.u32 $0x3FFFFF00, s31  }
0x22c: {  	s28 =	simm.s32 @p0 $0x1000  }
0x22d: {  	s28 =	sshll.u32 s28, $0x2  }
0x22e: {  	s28 =	sshra.s32 s28, $0x2  }
0x22f: {  	v6 =	vmov s28;
	_ =	sdelay $0x4  }
0x230: {  	v16 =	vld.idx.msk [tilespmem:v6+s24+$0x0 ss:$0x1], $0xffff  }
0x231: {  	v19 =	vbroadcast v7, $0x9;
	v21 =	vbroadcast v7, $0xB;
	v27 =	vld [tilespmem:s24+$0x0];
	s25 =	sxor.u32 $0xFFFFFFFF, s30  }
0x232: {  	v22 =	vbroadcast v7, $0xC;
	v23 =	vbroadcast v7, $0xD;
	v57 =	vld [tilespmem:s24+$0x100];
	s25 =	sand.u32 $0x1F, s25  }
0x233: {  	v15 =	vbroadcast v7, $0x6;
	v14 =	vbroadcast v7, $0x5;
	v58 =	vld [tilespmem:s24+$0x200];
	s25 =	simm.s32 @p0 $0x1F  }
0x234: {  	v12 =	vbroadcast v7, $0x3;
	v13 =	vbroadcast v7, $0x4;
	v59 =	vld [tilespmem:s24+$0x300];
	v11 =	vmov s25  }
0x235: {  	v10 =	vbroadcast v7, $0x2;
	v17 =	vbroadcast v17, $0x0;
	v24 =	vld [tilespmem:s24+$0x1000];
	v18 =	vshll.u32 v16, v11  }
0x236: {  	v9 =	vbroadcast v7, $0x1;
	v8 =	vbroadcast v7, $0x0;
	v40 =	vld [tilespmem:s24+$0x400];
	v20 =	vshra.s32 v18, $0x1F  }
0x237: {  	v60 =	vld [tilespmem:s24+$0x500];
	v16 =	vbroadcast v7, $0x7;
	v18 =	vbroadcast v7, $0x8;
	v61 =	vnsel vm1, $0x0, v20  }
0x238: {  	v42 =	vld [tilespmem:s24+$0x600];
	v20 =	vbroadcast v7, $0xA;
	v25 =	vand.u32 v17, v61;
	v28 =	vand.u32 v8, v61  }
0x239: {  	v46 =	vld [tilespmem:s24+$0x700];
	v62 =	vand.u32 v9, v61;
	v63 =	vand.u32 v10, v61;
	v48 =	vand.u32 v12, v61  }
0x23a: {  	v47 =	vld [tilespmem:s24+$0x800];
	v49 =	vand.u32 v13, v61;
	v50 =	vand.u32 v14, v61;
	v51 =	vand.u32 v15, v61  }
0x23b: {  	v29 =	vld [tilespmem:s24+$0xB00];
	s25 =	sadd.s32 $0x1, s26;
	v52 =	vand.u32 v16, v61;
	v53 =	vand.u32 v18, v61;
	v32 =	vand.u32 v19, v61  }
0x23c: {  	p0 =	slt.u32 s25, $0xF;
	v35 =	vand.u32 v21, v61;
	v33 =	vand.u32 v22, v61;
	v26 =	vxor.u32 v25, v24;
	v25 =	vld [tilespmem:s24+$0x900]  }
.Ltmp4:
0x23d: {  	v31 =	vand.u32 v23, v61;
	v24 =	vbroadcast v7, $0xE;
	v7 =	vbroadcast v7, $0xF;
	[tilespmem:s24+$0x1000] =	vst v26;
	v26 =	vld [tilespmem:s24+$0xA00];
	(pc) =	sbr.rel @!p0 .LBB2_6-.Ltmp4, $4  }
0x23e: {  	v30 =	vld [tilespmem:s24+$0xC00];
	v34 =	vand.u32 v20, v61;
	v27 =	vxor.u32 v27, v28;
	v54 =	vxor.u32 v57, v62  }
0x23f: {  	v36 =	vld [tilespmem:s24+$0xD00];
	v43 =	vxor.u32 v63, v58;
	v45 =	vxor.u32 v48, v59;
	v44 =	vxor.u32 v49, v40  }
0x240: {  	v37 =	vld [tilespmem:s24+$0xE00];
	v41 =	vxor.u32 v50, v60;
	v42 =	vxor.u32 v51, v42;
	v40 =	vxor.u32 v52, v46;
	[tilespmem:s24+$0x0] =	vst v27  }
0x241: {  	v39 =	vld [tilespmem:s24+$0xF00];
	s26 =	sadd.s32 $0x10, s24;
	v38 =	vxor.u32 v53, v47;
	[tilespmem:s24+$0x100] =	vst v54;
	v28 =	vand.u32 v24, v61;
	v27 =	vand.u32 v7, v61  }
.LBB2_5:
0x242: {  	v46 =	vld.idx.msk [tilespmem:v6+s26+$0x0 ss:$0x1], $0xffff;
	s25 =	sadd.s32 $0x1, s25;
	v25 =	vxor.u32 v32, v25;
	v26 =	vxor.u32 v34, v26;
	v29 =	vxor.u32 v35, v29  }
0x243: {  	v47 =	vld [tilespmem:s26+$0x0];
	p0 =	slt.u32 s25, $0xF;
	[tilespmem:s24+$0x200] =	vst v43;
	v30 =	vxor.u32 v33, v30  }
0x244: {  	v43 =	vld [tilespmem:s26+$0x100];
	[tilespmem:s24+$0x300] =	vst v45;
	v31 =	vxor.u32 v31, v36  }
0x245: {  	v36 =	vld [tilespmem:s26+$0x200];
	[tilespmem:s24+$0x400] =	vst v44;
	v37 =	vxor.u32 v28, v37  }
0x246: {  	v44 =	vld [tilespmem:s26+$0x300];
	[tilespmem:s24+$0x500] =	vst v41;
	v39 =	vxor.u32 v27, v39  }
0x247: {  	s23 =	sadd.s32 $0x10, s23;
	v27 =	vld [tilespmem:s26+$0x1000];
	[tilespmem:s24+$0x600] =	vst v42  }
0x248: {  	v32 =	vor.u32 s23, v0;
	v28 =	vshll.u32 v46, v11;
	v41 =	vld [tilespmem:s26+$0x400];
	[tilespmem:s24+$0x700] =	vst v40  }
0x249: {  	vm0 =	vgt.u32 v32, v5;
	v28 =	vshra.s32 v28, $0x1F;
	v40 =	vld [tilespmem:s26+$0x500];
	[tilespmem:s24+$0x800] =	vst v38  }
0x24a: {  	v38 =	vnsel vm0, $0x0, v28;
	v42 =	vld [tilespmem:s26+$0x600];
	[tilespmem:s24+$0x900] =	vst v25  }
0x24b: {  	v45 =	vand.u32 v8, v38;
	v46 =	vand.u32 v9, v38;
	v25 =	vand.u32 v17, v38;
	v48 =	vld [tilespmem:s26+$0x700];
	[tilespmem:s24+$0xA00] =	vst v26  }
0x24c: {  	v49 =	vand.u32 v10, v38;
	v50 =	vand.u32 v12, v38;
	v51 =	vld [tilespmem:s26+$0x800];
	v26 =	vxor.u32 v25, v27;
	[tilespmem:s24+$0xB00] =	vst v29  }
0x24d: {  	v52 =	vand.u32 v13, v38;
	v53 =	vand.u32 v14, v38;
	v54 =	vand.u32 v15, v38;
	v25 =	vld [tilespmem:s26+$0x900];
	[tilespmem:s26+$0x1000] =	vst v26  }
0x24e: {  	v55 =	vand.u32 v16, v38;
	v56 =	vand.u32 v18, v38;
	v32 =	vand.u32 v19, v38;
	v26 =	vld [tilespmem:s26+$0xA00];
	[tilespmem:s24+$0xC00] =	vst v30  }
.Ltmp5:
0x24f: {  	v34 =	vand.u32 v20, v38;
	v35 =	vand.u32 v21, v38;
	v33 =	vand.u32 v22, v38;
	v29 =	vld [tilespmem:s26+$0xB00];
	[tilespmem:s24+$0xD00] =	vst v31;
	(pc) =	sbr.rel @p0 .LBB2_5-.Ltmp5, $4  }
0x250: {  	v28 =	vand.u32 v24, v38;
	v27 =	vand.u32 v7, v38;
	v31 =	vand.u32 v23, v38;
	v30 =	vld [tilespmem:s26+$0xC00];
	[tilespmem:s24+$0xE00] =	vst v37  }
0x251: {  	v38 =	vxor.u32 v43, v46;
	v43 =	vxor.u32 v49, v36;
	v37 =	vxor.u32 v47, v45;
	v36 =	vld [tilespmem:s26+$0xD00];
	[tilespmem:s24+$0xF00] =	vst v39;
	s24 =	smov.u32 s26  }
0x252: {  	v45 =	vxor.u32 v50, v44;
	v44 =	vxor.u32 v52, v41;
	v41 =	vxor.u32 v53, v40;
	[tilespmem:s26+$0x0] =	vst v37;
	v37 =	vld [tilespmem:s26+$0xE00]  }
0x253: {  	v42 =	vxor.u32 v54, v42;
	v40 =	vxor.u32 v55, v48;
	s26 =	sadd.s32 $0x10, s26;
	[tilespmem:s24+$0x100] =	vst v38;
	v38 =	vxor.u32 v56, v51;
	v39 =	vld [tilespmem:s24+$0xF00]  }
.LBB2_6:
0x254: {  	[tilespmem:s24+$0x200] =	vst v43  }
0x255: {  	[tilespmem:s24+$0x300] =	vst v45  }
0x256: {  	[tilespmem:s24+$0x400] =	vst v44  }
0x257: {  	[tilespmem:s24+$0x500] =	vst v41  }
0x258: {  	[tilespmem:s24+$0x600] =	vst v42  }
0x259: {  	[tilespmem:s24+$0x700] =	vst v40  }
0x25a: {  	v5 =	vxor.u32 v32, v25;
	[tilespmem:s24+$0x800] =	vst v38  }
0x25b: {  	v6 =	vxor.u32 v34, v26;
	s22 =	sadd.s32 $0x1, s22;
	[tilespmem:s24+$0x900] =	vst v5  }
0x25c: {  	v5 =	vxor.u32 v35, v29;
	[tilespmem:s24+$0xA00] =	vst v6;
	p0 =	sne.s32 s22, $0x100  }
.Ltmp6:
0x25d: {  	v6 =	vxor.u32 v33, v30;
	[tilespmem:s24+$0xB00] =	vst v5;
	(pc) =	sbr.rel @p0 .LBB2_2-.Ltmp6, $4  }
0x25e: {  	v5 =	vxor.u32 v31, v36;
	[tilespmem:s24+$0xC00] =	vst v6  }
0x25f: {  	v6 =	vxor.u32 v28, v37;
	[tilespmem:s24+$0xD00] =	vst v5  }
0x260: {  	v5 =	vxor.u32 v27, v39;
	[tilespmem:s24+$0xE00] =	vst v6  }
0x261: {  	[tilespmem:s24+$0xF00] =	vst v5  }
.Ltmp7:
0x262: {  	(pc) =	sbr.rel .LBB2_8-.Ltmp7, $2  }
0x263: {  	_ =	sdelay $0x2  }
0x264: {  	s22 =	simm.s32 $0x0;
	s23 =	simm.s32 $0xFF  }
.LBB2_18:
0x265: {  	_ = 	snop  }
.LBB2_23:
0x266: {  	v4 =	vshll.u32 v7, v4;
	v5 =	vmov s29  }
0x267: {  	v4 =	vshrl.u32 v4, $0x1F;
	vm0 =	vlt.s32 v5, v3  }
0x268: {  	v3 =	vnsel vm0, $0x0, v4  }
0x269: {  	[tilespmem:s24+$0x1000] =	vst @p0 v9;
	v3 =	vxor.u32 v8, v3  }
0x26a: {  	[tilespmem:s25+$0x1000] =	vst v3  }
.LBB2_24:
0x26b: {  	s22 =	sadd.s32 $0x1, s22  }
0x26c: {  	p0 =	sne.s32 s22, $0x100  }
.Ltmp8:
0x26d: {  	_ = 	snop;
	(pc) =	sbr.rel @!p0 .LBB2_25-.Ltmp8, $2  }
0x26e: {  	_ =	sdelay $0x2  }
0x26f: {  	s23 =	sadd.s32 $0xFFFFFFFF, s23  }
.LBB2_8:
0x270: {  	s24 =	sxor.u32 $0xFF, s22  }
0x271: {  	v3 =	vmov s24;
	_ =	sdelay $0x4  }
0x272: {  	v4 =	vld.idx.msk [tilespmem:v3+s18+$0x0], $0xffff;
	_ =	sdelay $0x4  }
0x273: {  	(v2sf) =	vpush v4, $0x0;
	_ =	sdelay $0x9  }
0x274: {  	s29 =	ssub.s32 $0x10FF, s22  }
0x275: {  	v4 =	vmov s29;
	_ =	sdelay $0x3  }
0x276: {  	s25 =	spop (v2sf)  }
0x277: {  	v6 =	vld.idx.msk [tilespmem:v4+s2+$0x0], $0xffff;
	p0 =	sgt.s32 s25, $0x1FF  }
0x278: {  	s25 =	simm.s32 @p0 $0x0  }
0x279: {  	v5 =	vmov s25;
	_ =	sdelay $0x2  }
0x27a: {  	(v2sf) =	vpush v6, $0x0;
	_ =	sdelay $0x1  }
0x27b: {  	v5 =	vld.idx.msk [tilespmem:v5+s14+$0x0], $0xffff;
	_ =	sdelay $0x4  }
0x27c: {  	(v2sf) =	vpush v5, $0x0;
	_ =	sdelay $0x7  }
0x27d: {  	s30 =	spop (v2sf)  }
0x27e: {  	s24 =	sand.u32 $0x1, s30  }
0x27f: {  	p1 =	seq.s32 s24, $0x0  }
.Ltmp9:
0x280: {  	_ = 	snop;
	(pc) =	sbr.rel @p1 .LBB2_16-.Ltmp9, $3  }
0x281: {  	_ =	sdelay $0x1  }
0x282: {  	s31 =	sand.u32 $0xFFFFFFF0, s23  }
0x283: {  	s24 =	sadd.s32 $0x10, s31;
	s25 =	spop (v2sf)  }
0x284: {  	s26 =	sshll.u32 s25, $0x3  }
0x285: {  	s26 =	sand.u32 $0x3FFFFF00, s26  }
0x286: {  	s26 =	simm.s32 @p0 $0x1000  }
0x287: {  	s26 =	sshll.u32 s26, $0x2  }
0x288: {  	s26 =	sshra.s32 s26, $0x2  }
0x289: {  	p1 =	sne.s32 s24, $0x10;
	v7 =	vmov s26  }
.Ltmp10:
0x28a: {  	_ = 	snop;
	(pc) =	sbr.rel @!p1 .LBB2_10-.Ltmp10, $4  }
0x28b: {  	s31 =	sxor.u32 $0xFFFFFFFF, s25  }
0x28c: {  	v5 =	vmul.u32 $0xFFFFFFFF, v0;
	s25 =	simm.s32 $0x0;
	s26 =	sand.u32 $0x1F, s31  }
0x28d: {  	v11 =	vld [tilespmem:s25+$0x1000];
	s26 =	simm.s32 @p0 $0x1F  }
0x28e: {  	v5 =	vadd.s32 v5, v3;
	p0 =	por $0x0, $0x0;
	v6 =	vmov s26;
	s26 =	simm.s32 $0x10;
	v9 =	vld.idx.msk [tilespmem:v7+s25+$0x0 ss:$0x1], $0xffff  }
0x28f: {  	_ =	sdelay $0x1  }
0x290: {  	p1 =	sne.s32 s24, $0x20  }
.Ltmp11:
0x291: {  	_ = 	snop;
	(pc) =	sbr.rel @!p1 .LBB2_12-.Ltmp11, $4  }
0x292: {  	v8 =	vshll.u32 v9, v6;
	v9 =	vmov s25  }
0x293: {  	v10 =	vshrl.u32 v8, $0x1F;
	vm0 =	vlt.s32 v9, v5  }
0x294: {  	s29 =	simm.s32 $0x20;
	v9 =	vld.idx.msk [tilespmem:v7+s26+$0x0 ss:$0x1], $0xffff;
	v10 =	vnsel vm0, $0x0, v10  }
0x295: {  	p0 =	por $0x1, $0x1;
	s30 =	simm.s32 $0x20;
	s28 =	simm.s32 $0x10;
	v8 =	vld [tilespmem:s26+$0x1000];
	v10 =	vxor.u32 v11, v10  }
.LBB2_13:
0x296: {  	s31 =	smov.u32 s30;
	s30 =	sadd.s32 $0x10, s30  }
0x297: {  	v11 =	vld [tilespmem:s29+$0x1000];
	[tilespmem:s25+$0x1000] =	vst v10;
	s25 =	smov.u32 s26;
	p1 =	sne.s32 s24, s30  }
.Ltmp12:
0x298: {  	s26 =	smov.u32 s29;
	(pc) =	sbr.rel @p1 .LBB2_13-.Ltmp12, $4  }
0x299: {  	v12 =	vmov s28;
	v10 =	vshll.u32 v9, v6;
	s28 =	smov.u32 s31;
	v9 =	vld.idx.msk [tilespmem:v7+s29+$0x0 ss:$0x1], $0xffff  }
0x29a: {  	vm0 =	vlt.s32 v12, v5;
	v10 =	vshrl.u32 v10, $0x1F  }
0x29b: {  	v10 =	vnsel vm0, $0x0, v10  }
0x29c: {  	s29 =	sadd.s32 $0x10, s29;
	v10 =	vxor.u32 v8, v10;
	v8 =	vmov v11  }
0x29d: {  	s29 =	smov.u32 s25;
	s25 =	smov.u32 s26;
	v11 =	vmov v8  }
.LBB2_15:
0x29e: {  	v6 =	vshll.u32 v9, v6;
	v7 =	vmov s28  }
0x29f: {  	v6 =	vshrl.u32 v6, $0x1F;
	vm0 =	vlt.s32 v7, v5  }
0x2a0: {  	v5 =	vnsel vm0, $0x0, v6  }
0x2a1: {  	[tilespmem:s29+$0x1000] =	vst @p0 v10;
	v5 =	vxor.u32 v11, v5  }
0x2a2: {  	[tilespmem:s25+$0x1000] =	vst v5  }
.LBB2_16:
0x2a3: {  	_ =	sdelay $0x3  }
0x2a4: {  	v5 =	vld.idx.msk [tilespmem:v3+s19+$0x0], $0xffff;
	_ =	sdelay $0x4  }
0x2a5: {  	(v2sf) =	vpush v5, $0x0;
	_ =	sdelay $0xe  }
0x2a6: {  	s25 =	spop (v2sf)  }
0x2a7: {  	v4 =	vld.idx.msk [tilespmem:v4+s15+$0x0], $0xffff;
	p0 =	sgt.s32 s25, $0x1FF  }
0x2a8: {  	s25 =	simm.s32 @p0 $0x0  }
0x2a9: {  	v5 =	vmov s25;
	_ =	sdelay $0x2  }
0x2aa: {  	(v2sf) =	vpush v4, $0x0;
	_ =	sdelay $0x1  }
0x2ab: {  	v5 =	vld.idx.msk [tilespmem:v5+s17+$0x0], $0xffff;
	_ =	sdelay $0x4  }
0x2ac: {  	(v2sf) =	vpush v5, $0x0;
	_ =	sdelay $0x7  }
0x2ad: {  	s31 =	spop (v2sf)  }
0x2ae: {  	s25 =	sand.u32 $0x1, s31  }
0x2af: {  	p1 =	seq.s32 s25, $0x0  }
.Ltmp13:
0x2b0: {  	_ = 	snop;
	(pc) =	sbr.rel @p1 .LBB2_24-.Ltmp13, $2  }
0x2b1: {  	_ =	sdelay $0x2  }
0x2b2: {  	s25 =	spop (v2sf)  }
0x2b3: {  	s26 =	sshll.u32 s25, $0x3  }
0x2b4: {  	s26 =	sand.u32 $0x3FFFFF00, s26  }
0x2b5: {  	s26 =	simm.s32 @p0 $0x1000  }
0x2b6: {  	s26 =	sshll.u32 s26, $0x2  }
0x2b7: {  	s26 =	sshra.s32 s26, $0x2  }
0x2b8: {  	v5 =	vmov s26;
	_ =	sdelay $0x3  }
0x2b9: {  	s31 =	sxor.u32 $0xFFFFFFFF, s25;
	s25 =	simm.s32 $0x1100;
	p1 =	sne.s32 s24, $0x10  }
.Ltmp14:
0x2ba: {  	v7 =	vld.idx.msk [tilespmem:v5+s25+$0x0 ss:$0x1], $0xffff;
	(pc) =	sbr.rel @!p1 .LBB2_18-.Ltmp14, $4  }
0x2bb: {  	_ = 	snop  }
0x2bc: {  	v6 =	vmul.u32 $0xFFFFFFFF, v0;
	s26 =	sand.u32 $0x1F, s31  }
0x2bd: {  	s29 =	simm.s32 $0x0;
	v8 =	vld [tilespmem:s25+$0x1000];
	s26 =	simm.s32 @p0 $0x1F  }
0x2be: {  	s28 =	simm.s32 $0x1110;
	v3 =	vadd.s32 v6, v3;
	p0 =	por $0x0, $0x0;
	v4 =	vmov s26;
	s26 =	simm.s32 $0x10  }
0x2bf: {  	_ =	sdelay $0x2  }
0x2c0: {  	v6 =	vshll.u32 v7, v4;
	v7 =	vmov s29;
	p1 =	sne.s32 s24, $0x20  }
.Ltmp15:
0x2c1: {  	vm0 =	vlt.s32 v7, v3;
	v7 =	vld.idx.msk [tilespmem:v5+s28+$0x0 ss:$0x1], $0xffff;
	(pc) =	sbr.rel @!p1 .LBB2_20-.Ltmp15, $4  }
0x2c2: {  	_ = 	snop  }
0x2c3: {  	v9 =	vshrl.u32 v6, $0x1F  }
0x2c4: {  	v9 =	vnsel vm0, $0x0, v9  }
0x2c5: {  	s29 =	simm.s32 $0x20;
	s30 =	simm.s32 $0x1120;
	p0 =	por $0x1, $0x1;
	v6 =	vld [tilespmem:s28+$0x1000];
	v9 =	vxor.u32 v8, v9  }
.LBB2_21:
0x2c6: {  	s31 =	smov.u32 s29;
	s29 =	sadd.s32 $0x10, s29  }
0x2c7: {  	v8 =	vld [tilespmem:s30+$0x1000];
	[tilespmem:s25+$0x1000] =	vst v9;
	s25 =	smov.u32 s28;
	p1 =	sne.s32 s24, s29  }
.Ltmp16:
0x2c8: {  	s28 =	smov.u32 s30;
	(pc) =	sbr.rel @p1 .LBB2_21-.Ltmp16, $4  }
0x2c9: {  	v10 =	vmov s26;
	v9 =	vshll.u32 v7, v4;
	s26 =	smov.u32 s31;
	v7 =	vld.idx.msk [tilespmem:v5+s30+$0x0 ss:$0x1], $0xffff  }
0x2ca: {  	vm0 =	vlt.s32 v10, v3;
	v9 =	vshrl.u32 v9, $0x1F  }
0x2cb: {  	v9 =	vnsel vm0, $0x0, v9  }
0x2cc: {  	s30 =	sadd.s32 $0x10, s30;
	v9 =	vxor.u32 v6, v9;
	v6 =	vmov v8  }
.Ltmp17:
0x2cd: {  	(pc) =	sbr.rel .LBB2_23-.Ltmp17, $2  }
0x2ce: {  	_ =	sdelay $0x2  }
0x2cf: {  	s24 =	smov.u32 s25;
	s25 =	smov.u32 s28;
	s29 =	smov.u32 s26;
	v8 =	vmov v6  }
.LBB2_10:
.Ltmp18:
0x2d0: {  	(pc) =	sbr.rel .LBB2_15-.Ltmp18, $2  }
0x2d1: {  	_ =	sdelay $0x2  }
0x2d2: {  	s28 =	simm.s32 $0x0  }
.LBB2_12:
.Ltmp19:
0x2d3: {  	_ = 	snop;
	(pc) =	sbr.rel .LBB2_15-.Ltmp19, $2  }
0x2d4: {  	_ =	sdelay $0x2  }
0x2d5: {  	s29 =	simm.s32 $0x0;
	s25 =	simm.s32 $0x10;
	s28 =	simm.s32 $0x10;
	v11 =	vmov v8  }
.LBB2_20:
.Ltmp20:
0x2d6: {  	_ = 	snop;
	(pc) =	sbr.rel .LBB2_23-.Ltmp20, $2  }
0x2d7: {  	_ =	sdelay $0x2  }
0x2d8: {  	s24 =	simm.s32 $0x1100;
	s25 =	simm.s32 $0x1110;
	s29 =	simm.s32 $0x10;
	v8 =	vmov v6  }
.LBB2_26:
0x2d9: {  	_ =	sfence.sel $0x180000  }
0x2da: {  	[bflag:$0x0] =	sbarrier.arrive $0xFFFF  }
0x2db: {  	p0 =	sne.s32 s1, $0x0;
	_ =	strace $0x90000047  }
0x2dc: {  	s0 =	sadd.s32 @!p0 $0x100000, s0;
	[bflag:$0x2] =	sbarrier.arrive $0xFFFF  }
0x2dd: {  	[sflag:s0] =	ssyncadd.tile.s32 @!p0 $0x1;
	_ =	shalt  }
.Lfunc_end2:
_tile_overlayer_lowered:
.L_overlay_start_2:
0x2de: {  	(tag) =	ssettag $0x2  }
0x2df: {  	s0 =	rddreg [dreg:$0x0];
	s2 =	stileid.u32  }
0x2e0: {  	s1 =	rddreg [dreg:$0x1];
	p0 =	sne.s32 s2, $0x0  }
0x2e1: {  	s3 =	rddreg [dreg:$0x2];
	[bflag:$0x3] =	sbarrier.arrive $0xFFFF;
	s2 =	simm.s32 @!p0 $0x1C01  }
0x2e2: {  	[timem:s3], [sflag:s2] =	dma.local @!p0 [hbm:s0], s1  }
0x2e3: {  	s0 =	simm.s32 @!p0 $0x1  }
0x2e4: {  	_ =	swait.ge @!p0 [sflag:s0], s1  }
0x2e5: {  	s1 =	ssub.s32 @!p0 $0x0, s1;
	[sflag:s0] =	ssyncset.done @!p0 $0x0  }
0x2e6: {  	[sflag:s0] =	ssyncadd.s32 @!p0 s1  }
0x2e7: {  	[bflag:$0x3] =	sbarrier.arrive $0xFFFF  }
0x2e8: {  	_ =	shalt  }

</sc_bundles>
